<compile_context>
chip_gen: v7x
topology: tpu7x:2x2x1
jax: 0.10.2.dev20260603
libtpu: 0.0.44.dev20260713+nightly
codegen_flags: <defaults>
</compile_context>

<pallas_src>
import functools

import jax
import jax.numpy as jnp
from jax import lax
from jax.experimental import pallas as pl
from jax.experimental.pallas import tpu as pltpu
from jax.experimental.pallas import tpu_sc as plsc
from jax.scipy.linalg import block_diag as _block_diag

N = 10000
E = 320000
IN_DIM = 128
HID = 32
NC_OUT = 16

NCORES = 2
NSUB = 16
NW = NCORES * NSUB
EPT = E // NW
BATCH = 125
NB = EPT // BATCH
NPAD = 10240
NODES_PER_SUB = NPAD // NSUB
NSLOT = 5
DEG_GRP = 10

N4 = N // 4
P4 = NPAD // 4
N8 = N // 8
P8 = NPAD // 8

_MESH = plsc.VectorSubcoreMesh(
    core_axis_name="c", subcore_axis_name="s",
    num_cores=NCORES, num_subcores=NSUB)
_SC_PARAMS = pltpu.CompilerParams(use_tc_tiling_on_sc=False)


@functools.partial(
    pl.kernel,
    out_type=jax.ShapeDtypeStruct((NCORES * NPAD, HID), jnp.float32),
    mesh=_MESH,
    compiler_params=_SC_PARAMS,
    scratch_types=[
        pltpu.VMEM((NB, BATCH), jnp.int32),
        pltpu.VMEM((BATCH, HID), jnp.float32),
        pltpu.VMEM_SHARED((NPAD, HID), jnp.float32),
        pltpu.SemaphoreType.DMA,
    ],
)
def _deg_kernel(edge_hbm, ones_hbm, zeros_hbm, out_hbm, didx, ones_v, acc,
                sem):
    c = lax.axis_index("c")
    s = lax.axis_index("s")
    w = c * NSUB + s
    pltpu.sync_copy(edge_hbm.at[1, w], didx)
    pltpu.sync_copy(ones_hbm, ones_v)
    base = s * NODES_PER_SUB
    pltpu.sync_copy(zeros_hbm.at[pl.ds(base, NODES_PER_SUB)],
                    acc.at[pl.ds(base, NODES_PER_SUB)])
    plsc.subcore_barrier()

    def fire(i, carry):
        for k in range(DEG_GRP):
            pltpu.async_copy(ones_v, acc.at[didx.at[i * DEG_GRP + k]],
                             sem, add=True)
        return carry

    lax.fori_loop(0, NB // DEG_GRP, fire, 0)

    def drain(i, carry):
        pltpu.make_async_copy(ones_v, acc.at[didx.at[0]], sem).wait()
        return carry

    lax.fori_loop(0, NB, drain, 0)
    plsc.subcore_barrier()
    pltpu.sync_copy(acc.at[pl.ds(base, NODES_PER_SUB)],
                    out_hbm.at[pl.ds(c * NPAD + base, NODES_PER_SUB)])


def _make_conv_scatter(feat):
    @functools.partial(
        pl.kernel,
        out_type=jax.ShapeDtypeStruct((NCORES * NPAD, feat), jnp.float32),
        mesh=_MESH,
        compiler_params=_SC_PARAMS,
        scratch_types=[
            pltpu.VMEM((NB, BATCH), jnp.int32),
            pltpu.VMEM((NB, BATCH), jnp.int32),
            pltpu.VMEM((NSLOT, BATCH, feat), jnp.float32),
            pltpu.VMEM_SHARED((NPAD, feat), jnp.float32),
        ] + [pltpu.SemaphoreType.DMA] * NSLOT,
    )
    def conv_scatter(hs_hbm, edge_hbm, zeros_hbm, out_hbm,
                     sidx, didx, rows, acc, *sems):
        c = lax.axis_index("c")
        s = lax.axis_index("s")
        w = c * NSUB + s
        pltpu.sync_copy(edge_hbm.at[0, w], sidx)
        pltpu.sync_copy(edge_hbm.at[1, w], didx)
        base = s * NODES_PER_SUB
        pltpu.sync_copy(zeros_hbm.at[pl.ds(base, NODES_PER_SUB)],
                        acc.at[pl.ds(base, NODES_PER_SUB)])
        plsc.subcore_barrier()

        for k in range(NSLOT):
            pltpu.async_copy(hs_hbm.at[sidx.at[k]], rows.at[k], sems[k])

        def body(i, carry):
            for k in range(NSLOT):
                b = i * NSLOT + k
                pltpu.make_async_copy(hs_hbm.at[sidx.at[0]], rows.at[k],
                                      sems[k]).wait()
                pltpu.sync_copy(rows.at[k], acc.at[didx.at[b]], add=True)

                @pl.when(b + NSLOT < NB)
                def _():
                    pltpu.async_copy(hs_hbm.at[sidx.at[b + NSLOT]],
                                     rows.at[k], sems[k])
            return carry

        lax.fori_loop(0, NB // NSLOT, body, 0)

        plsc.subcore_barrier()
        pltpu.sync_copy(acc.at[pl.ds(base, NODES_PER_SUB)],
                        out_hbm.at[pl.ds(c * NPAD + base, NODES_PER_SUB)])

    return conv_scatter


_conv32 = _make_conv_scatter(HID)
_conv16 = _make_conv_scatter(NC_OUT)


def _mm4_body(x4_ref, w4_ref, hph_ref):
    hph_ref[...] = jnp.dot(x4_ref[...], w4_ref[...],
                           preferred_element_type=jnp.float32)


def _scale4_body(hph_ref, d32_ref, hs_ref):
    dsum = d32_ref[0:P4] + d32_ref[P4:2 * P4] + 1.0
    dinv = lax.rsqrt(dsum)[0:N4]
    hs_ref[...] = hph_ref[:, :128] * dinv


def _combine_body(p_ref, hph_ref, d32_ref, d16_ref, w2_ref, b1_ref, bmlp_ref,
                  g2_ref, g2s_ref):
    dsum = d32_ref[0:P4] + d32_ref[P4:2 * P4] + 1.0
    dinv = lax.rsqrt(dsum)[0:N4]
    psum = (p_ref[0:P4] + p_ref[P4:2 * P4])[0:N4]
    out1 = dinv * psum + dinv * dinv * hph_ref[:, :128] + b1_ref[...]
    x2 = jnp.maximum(out1, 0.0) + hph_ref[:, 128:] + bmlp_ref[...]
    g2 = jnp.dot(x2, w2_ref[...],
                 preferred_element_type=jnp.float32)
    dq = d16_ref[0:P4] + d16_ref[P4:2 * P4] + 1.0
    dinvq = lax.rsqrt(dq)[0:N4]
    g2_ref[...] = g2
    g2s_ref[...] = g2 * dinvq


def _final_body(q_ref, g2_ref, d8_ref, b2_ref, s_ref, o_ref):
    d8 = d8_ref[0:P8] + d8_ref[P8:2 * P8] + 1.0
    dinv8 = lax.rsqrt(d8)[0:N8]
    qsum = (q_ref[0:P8] + q_ref[P8:2 * P8])[0:N8]
    out2 = dinv8 * qsum + dinv8 * dinv8 * g2_ref[...] + b2_ref[...]
    e = jnp.exp(out2 - jnp.max(out2))
    denom = jnp.dot(e, s_ref[...], preferred_element_type=jnp.float32)
    o_ref[...] = e / denom


_mm4 = pl.pallas_call(
    _mm4_body, out_shape=jax.ShapeDtypeStruct((N4, 256), jnp.float32))

_scale4 = pl.pallas_call(
    _scale4_body, out_shape=jax.ShapeDtypeStruct((N4, 128), jnp.float32))

_combine = pl.pallas_call(
    _combine_body,
    out_shape=[jax.ShapeDtypeStruct((N4, 64), jnp.float32),
               jax.ShapeDtypeStruct((N4, 64), jnp.float32)])

_final = pl.pallas_call(
    _final_body, out_shape=jax.ShapeDtypeStruct((N8, 128), jnp.float32))


def kernel(x, edge_index, g, A_k, D, Kindices, de, M, I,
           W1, b1, Wmlp, bmlp, W2, b2):
    f32 = jnp.float32
    edge_r = edge_index.reshape(2, NW, NB, BATCH)
    ones32 = jnp.ones((BATCH, HID), f32)
    zeros32 = jnp.zeros((NPAD, HID), f32)
    zeros16 = jnp.zeros((NPAD, NC_OUT), f32)

    x4 = x.reshape(N4, 4 * IN_DIM)
    w4 = jnp.concatenate(
        [_block_diag(W1, W1, W1, W1), _block_diag(Wmlp, Wmlp, Wmlp, Wmlp)],
        axis=1)
    w2bd = _block_diag(W2, W2, W2, W2)
    b1p = jnp.tile(b1, 4).reshape(1, 128)
    bmlpp = jnp.tile(bmlp, 4).reshape(1, 128)
    b2p = jnp.tile(b2, 8).reshape(1, 128)
    lane = jnp.arange(128, dtype=jnp.int32)
    smat = (lane[:, None] // NC_OUT == lane[None, :] // NC_OUT).astype(f32)

    degp = _deg_kernel(edge_r, ones32, zeros32)
    d32_v = degp.reshape(NCORES * P4, 128)
    d16 = degp[:, :NC_OUT]
    d16q = d16.reshape(NCORES * P4, 64)
    d8_v = d16.reshape(NCORES * P8, 128)

    hph = _mm4(x4, w4)
    hs_p = _scale4(hph, d32_v)
    p = _conv32(hs_p.reshape(N, HID), edge_r, zeros32)
    g2_p4, g2s_p4 = _combine(p.reshape(NCORES * P4, 128), hph, d32_v, d16q,
                             w2bd, b1p, bmlpp)
    g2s_lin = g2s_p4.reshape(N, NC_OUT)
    q = _conv16(g2s_lin, edge_r, zeros16)
    g2_p8 = g2_p4.reshape(N, NC_OUT).reshape(N8, 128)
    out_p8 = _final(q.reshape(NCORES * P8, 128), g2_p8, d8_v, b2p, smat)
    return out_p8.reshape(N, NC_OUT)

# --- scband reference (transcript-rebuilt; emitter-appended) ---
"""Pipeline reference for scband-gcn-48696339202586 (READ-ONLY COPY).

The authoritative reference and input builder live on the scoring server;
editing this copy changes nothing except your own understanding.
"""

import jax, jax.numpy as jnp
import numpy as np

N = 10000
E = 320000
IN_DIM = 128
HID = 32
NC = 16


def gcn_conv(x, edge_index, W, b):
    # PyG GCNConv: D^{-1/2} (A + I) D^{-1/2} X W + b
    n = x.shape[0]
    h = x @ W
    loop = jnp.arange(n, dtype=edge_index.dtype)
    src = jnp.concatenate([edge_index[0], loop])
    dst = jnp.concatenate([edge_index[1], loop])
    deg = jnp.zeros((n,), dtype=h.dtype).at[dst].add(1.0)
    dinv = jax.lax.rsqrt(jnp.maximum(deg, 1.0))
    norm = dinv[src] * dinv[dst]
    msg = h[src] * norm[:, None]
    out = jnp.zeros_like(h).at[dst].add(msg)
    return out + b


def setup_inputs(seed: int = 0):
    key = jax.random.key(seed)
    ks = jax.random.split(key, 10)
    x = jax.random.normal(ks[0], (N, IN_DIM), dtype=jnp.float32)
    edge_index = jax.random.randint(ks[1], (2, E), 0, N, dtype=jnp.int32)
    # learned parameters
    W1 = jax.random.normal(ks[2], (IN_DIM, HID), dtype=jnp.float32) * 0.05
    b1 = jnp.zeros((HID,), dtype=jnp.float32)
    Wmlp = jax.random.normal(ks[3], (IN_DIM, HID), dtype=jnp.float32) * 0.05
    bmlp = jnp.zeros((HID,), dtype=jnp.float32)
    W2 = jax.random.normal(ks[4], (HID, NC), dtype=jnp.float32) * 0.05
    b2 = jnp.zeros((NC,), dtype=jnp.float32)
    # unused forward args (kept for signature fidelity)
    g = jnp.zeros((1,), dtype=jnp.float32)
    A_k = jnp.zeros((1,), dtype=jnp.float32)
    D = jnp.zeros((1,), dtype=jnp.float32)
    Kindices = jax.random.randint(ks[5], (1,), 0, N, dtype=jnp.int32)
    de = jnp.zeros((1,), dtype=jnp.float32)
    M = jnp.zeros((1,), dtype=jnp.float32)
    I = jnp.zeros((1,), dtype=jnp.float32)
    return {"x": x, "edge_index": edge_index, "g": g, "A_k": A_k, "D": D,
            "Kindices": Kindices, "de": de, "M": M, "I": I,
            "W1": W1, "b1": b1, "Wmlp": Wmlp, "bmlp": bmlp, "W2": W2, "b2": b2}


def reference(x, edge_index, g, A_k, D, Kindices, de, M, I, W1, b1, Wmlp, bmlp, W2, b2):
    # g, A_k, D, Kindices, de, M, I are unused in the original forward
    h = gcn_conv(x, edge_index, W1, b1)
    h1 = x @ Wmlp + bmlp
    x2 = jax.nn.relu(h) + h1
    x3 = gcn_conv(x2, edge_index, W2, b2)
    # dropout is identity in eval mode
    return jax.nn.softmax(x3, axis=1)

if __name__ == "__main__":
    import jax
    _d = setup_inputs()
    print(jax.jit(kernel)(*tuple(_d.values())))

</pallas_src>

<mosaic_0001>
#map = affine_map<(d0, d1) -> (0, 0, 0, 0)>
#map1 = affine_map<(d0, d1) -> (0, 0)>
module attributes {stable_mosaic.version = 14 : i64} {
  func.func @_deg_kernel(%arg0: i32, %arg1: i32, %arg2: memref<2x32x80x125xi32, #tpu.memory_space<hbm>>, %arg3: memref<125x32xf32, #tpu.memory_space<hbm>>, %arg4: memref<10240x32xf32, #tpu.memory_space<hbm>>, %arg5: memref<20480x32xf32, #tpu.memory_space<hbm>>, %arg6: memref<80x125xi32, #tpu.memory_space<vmem>>, %arg7: memref<125x32xf32, #tpu.memory_space<vmem>>, %arg8: memref<10240x32xf32, #tpu.memory_space<vmem_shared>>, %arg9: memref<!tpu.dma_semaphore, #tpu.memory_space<semaphore_mem>>) attributes {dimension_semantics = [#tpu.dimension_semantics<core_parallel>, #tpu.dimension_semantics<subcore_parallel>], iteration_bounds = array<i64: 2, 16>, scalar_prefetch = 0 : i64, scratch_operands = 4 : i64, tpu.core_type = #tpu.core_type<sc_vector_subcore>, window_params = [{transform_indices = #map}, {transform_indices = #map1}, {transform_indices = #map1}, {transform_indices = #map1}]} {
    %mul3A = arith.constant 16 : i32
    %mul3A_0 = arith.muli %arg0, %mul3A : i32
    %add3A = arith.addi %mul3A_0, %arg1 : i32
    %run_scoped3A = arith.constant 1 : i32
    "tpu.region"() ({
      %run_scoped3A_18 = tpu.sem_alloc : memref<!tpu.dma_semaphore, #tpu.memory_space<semaphore_mem>>
      %dma_start3A = arith.constant 0 : i32
      %dma_start3A_19 = arith.constant 0 : i32
      %dma_start3A_20 = tpu.memref_slice %arg2[%run_scoped3A, %add3A, %dma_start3A, %dma_start3A_19] : memref<2x32x80x125xi32, #tpu.memory_space<hbm>> -> memref<1x1x80x125xi32, #tpu.memory_space<hbm>>
      %dma_start3A_21 = tpu.memref_squeeze %dma_start3A_20 : memref<1x1x80x125xi32, #tpu.memory_space<hbm>> -> memref<80x125xi32, #tpu.memory_space<hbm>>
      %dma_start3A_22 = arith.constant 0 : i32
      %dma_start3A_23 = arith.constant 0 : i32
      %dma_start3A_24 = tpu.memref_slice %arg2[%run_scoped3A, %add3A, %dma_start3A_22, %dma_start3A_23] : memref<2x32x80x125xi32, #tpu.memory_space<hbm>> -> memref<1x1x80x125xi32, #tpu.memory_space<hbm>>
      %dma_start3A_25 = tpu.memref_squeeze %dma_start3A_24 : memref<1x1x80x125xi32, #tpu.memory_space<hbm>> -> memref<80x125xi32, #tpu.memory_space<hbm>>
      tpu.enqueue_dma source(%dma_start3A_25 : memref<80x125xi32, #tpu.memory_space<hbm>>) target(%arg6 : memref<80x125xi32, #tpu.memory_space<vmem>>) target_semaphore(%run_scoped3A_18 : memref<!tpu.dma_semaphore, #tpu.memory_space<semaphore_mem>>)
      %dma_wait3A = arith.constant 0 : i32
      %dma_wait3A_26 = arith.constant 0 : i32
      %dma_wait3A_27 = tpu.memref_slice %arg2[%run_scoped3A, %add3A, %dma_wait3A, %dma_wait3A_26] : memref<2x32x80x125xi32, #tpu.memory_space<hbm>> -> memref<1x1x80x125xi32, #tpu.memory_space<hbm>>
      %dma_wait3A_28 = tpu.memref_squeeze %dma_wait3A_27 : memref<1x1x80x125xi32, #tpu.memory_space<hbm>> -> memref<80x125xi32, #tpu.memory_space<hbm>>
      %dma_wait3A_29 = arith.constant 0 : i32
      %dma_wait3A_30 = arith.constant 0 : i32
      %dma_wait3A_31 = tpu.memref_slice %arg2[%run_scoped3A, %add3A, %dma_wait3A_29, %dma_wait3A_30] : memref<2x32x80x125xi32, #tpu.memory_space<hbm>> -> memref<1x1x80x125xi32, #tpu.memory_space<hbm>>
      %dma_wait3A_32 = tpu.memref_squeeze %dma_wait3A_31 : memref<1x1x80x125xi32, #tpu.memory_space<hbm>> -> memref<80x125xi32, #tpu.memory_space<hbm>>
      tpu.wait_dma2 semaphore(%run_scoped3A_18 : memref<!tpu.dma_semaphore, #tpu.memory_space<semaphore_mem>>) src(%dma_wait3A_32 : memref<80x125xi32, #tpu.memory_space<hbm>>) dst(%arg6 : memref<80x125xi32, #tpu.memory_space<vmem>>)
      tpu.yield
    }) : () -> ()
    "tpu.region"() ({
      %run_scoped3A_18 = tpu.sem_alloc : memref<!tpu.dma_semaphore, #tpu.memory_space<semaphore_mem>>
      tpu.enqueue_dma source(%arg3 : memref<125x32xf32, #tpu.memory_space<hbm>>) target(%arg7 : memref<125x32xf32, #tpu.memory_space<vmem>>) target_semaphore(%run_scoped3A_18 : memref<!tpu.dma_semaphore, #tpu.memory_space<semaphore_mem>>)
      tpu.wait_dma2 semaphore(%run_scoped3A_18 : memref<!tpu.dma_semaphore, #tpu.memory_space<semaphore_mem>>) src(%arg3 : memref<125x32xf32, #tpu.memory_space<hbm>>) dst(%arg7 : memref<125x32xf32, #tpu.memory_space<vmem>>)
      tpu.yield
    }) : () -> ()
    %mul3A_1 = arith.constant 640 : i32
    %mul3A_2 = arith.muli %arg1, %mul3A_1 : i32
    "tpu.region"() ({
      %run_scoped3A_18 = tpu.sem_alloc : memref<!tpu.dma_semaphore, #tpu.memory_space<semaphore_mem>>
      %dma_start3A = arith.constant 0 : i32
      %dma_start3A_19 = tpu.memref_slice %arg8[%mul3A_2, %dma_start3A] : memref<10240x32xf32, #tpu.memory_space<vmem_shared>> -> memref<640x32xf32, #tpu.memory_space<vmem_shared>>
      %dma_start3A_20 = arith.constant 0 : i32
      %dma_start3A_21 = tpu.memref_slice %arg4[%mul3A_2, %dma_start3A_20] : memref<10240x32xf32, #tpu.memory_space<hbm>> -> memref<640x32xf32, #tpu.memory_space<hbm>>
      tpu.enqueue_dma source(%dma_start3A_21 : memref<640x32xf32, #tpu.memory_space<hbm>>) target(%dma_start3A_19 : memref<640x32xf32, #tpu.memory_space<vmem_shared>>) target_semaphore(%run_scoped3A_18 : memref<!tpu.dma_semaphore, #tpu.memory_space<semaphore_mem>>)
      %dma_wait3A = arith.constant 0 : i32
      %dma_wait3A_22 = tpu.memref_slice %arg8[%mul3A_2, %dma_wait3A] : memref<10240x32xf32, #tpu.memory_space<vmem_shared>> -> memref<640x32xf32, #tpu.memory_space<vmem_shared>>
      %dma_wait3A_23 = arith.constant 0 : i32
      %dma_wait3A_24 = tpu.memref_slice %arg4[%mul3A_2, %dma_wait3A_23] : memref<10240x32xf32, #tpu.memory_space<hbm>> -> memref<640x32xf32, #tpu.memory_space<hbm>>
      tpu.wait_dma2 semaphore(%run_scoped3A_18 : memref<!tpu.dma_semaphore, #tpu.memory_space<semaphore_mem>>) src(%dma_wait3A_24 : memref<640x32xf32, #tpu.memory_space<hbm>>) dst(%dma_wait3A_22 : memref<640x32xf32, #tpu.memory_space<vmem_shared>>)
      tpu.yield
    }) : () -> ()
    %barrier3A = arith.constant 0 : index
    tpu.barrier barrier_id(%barrier3A)
    %scan3A = arith.constant 0 : i32
    %scan3A_3 = arith.constant 0 : i32
    %scan3A_4 = arith.constant 8 : i32
    %scan3A_5 = arith.addi %scan3A_3, %scan3A_4 : i32
    %scan3A_6 = arith.constant 1 : i32
    scf.for %scan3A_18 = %scan3A_3 to %scan3A_5 step %scan3A_6  : i32 {
      %mul3A_19 = arith.constant 10 : i32
      %mul3A_20 = arith.muli %scan3A_18, %mul3A_19 : i32
      %add3A_21 = arith.constant 0 : i32
      %add3A_22 = arith.addi %mul3A_20, %add3A_21 : i32
      %dma_start3A = arith.constant 0 : i32
      %dma_start3A_23 = tpu.memref_slice %arg6[%add3A_22, %dma_start3A] : memref<80x125xi32, #tpu.memory_space<vmem>> -> memref<1x125xi32, #tpu.memory_space<vmem>>
      %dma_start3A_24 = tpu.memref_squeeze %dma_start3A_23 : memref<1x125xi32, #tpu.memory_space<vmem>> -> memref<125xi32, #tpu.memory_space<vmem>>
      %dma_start3A_25 = arith.constant 0 : i32
      %dma_start3A_26 = arith.constant 0 : i32
      %dma_start3A_27 = tpu.memref_slice %arg8[%dma_start3A_25, %dma_start3A_26] : memref<10240x32xf32, #tpu.memory_space<vmem_shared>> -> memref<10240x32xf32, #tpu.memory_space<vmem_shared>>
      tpu.enqueue_indirect_dma source(%arg7 : memref<125x32xf32, #tpu.memory_space<vmem>>) target(%dma_start3A_27 : memref<10240x32xf32, #tpu.memory_space<vmem_shared>>) offsets(%dma_start3A_24 : memref<125xi32, #tpu.memory_space<vmem>>) semaphore(%arg9 : memref<!tpu.dma_semaphore, #tpu.memory_space<semaphore_mem>>) {add = true}
      %mul3A_28 = arith.constant 10 : i32
      %mul3A_29 = arith.muli %scan3A_18, %mul3A_28 : i32
      %add3A_30 = arith.constant 1 : i32
      %add3A_31 = arith.addi %mul3A_29, %add3A_30 : i32
      %dma_start3A_32 = arith.constant 0 : i32
      %dma_start3A_33 = tpu.memref_slice %arg6[%add3A_31, %dma_start3A_32] : memref<80x125xi32, #tpu.memory_space<vmem>> -> memref<1x125xi32, #tpu.memory_space<vmem>>
      %dma_start3A_34 = tpu.memref_squeeze %dma_start3A_33 : memref<1x125xi32, #tpu.memory_space<vmem>> -> memref<125xi32, #tpu.memory_space<vmem>>
      %dma_start3A_35 = arith.constant 0 : i32
      %dma_start3A_36 = arith.constant 0 : i32
      %dma_start3A_37 = tpu.memref_slice %arg8[%dma_start3A_35, %dma_start3A_36] : memref<10240x32xf32, #tpu.memory_space<vmem_shared>> -> memref<10240x32xf32, #tpu.memory_space<vmem_shared>>
      tpu.enqueue_indirect_dma source(%arg7 : memref<125x32xf32, #tpu.memory_space<vmem>>) target(%dma_start3A_37 : memref<10240x32xf32, #tpu.memory_space<vmem_shared>>) offsets(%dma_start3A_34 : memref<125xi32, #tpu.memory_space<vmem>>) semaphore(%arg9 : memref<!tpu.dma_semaphore, #tpu.memory_space<semaphore_mem>>) {add = true}
      %mul3A_38 = arith.constant 10 : i32
      %mul3A_39 = arith.muli %scan3A_18, %mul3A_38 : i32
      %add3A_40 = arith.constant 2 : i32
      %add3A_41 = arith.addi %mul3A_39, %add3A_40 : i32
      %dma_start3A_42 = arith.constant 0 : i32
      %dma_start3A_43 = tpu.memref_slice %arg6[%add3A_41, %dma_start3A_42] : memref<80x125xi32, #tpu.memory_space<vmem>> -> memref<1x125xi32, #tpu.memory_space<vmem>>
      %dma_start3A_44 = tpu.memref_squeeze %dma_start3A_43 : memref<1x125xi32, #tpu.memory_space<vmem>> -> memref<125xi32, #tpu.memory_space<vmem>>
      %dma_start3A_45 = arith.constant 0 : i32
      %dma_start3A_46 = arith.constant 0 : i32
      %dma_start3A_47 = tpu.memref_slice %arg8[%dma_start3A_45, %dma_start3A_46] : memref<10240x32xf32, #tpu.memory_space<vmem_shared>> -> memref<10240x32xf32, #tpu.memory_space<vmem_shared>>
      tpu.enqueue_indirect_dma source(%arg7 : memref<125x32xf32, #tpu.memory_space<vmem>>) target(%dma_start3A_47 : memref<10240x32xf32, #tpu.memory_space<vmem_shared>>) offsets(%dma_start3A_44 : memref<125xi32, #tpu.memory_space<vmem>>) semaphore(%arg9 : memref<!tpu.dma_semaphore, #tpu.memory_space<semaphore_mem>>) {add = true}
      %mul3A_48 = arith.constant 10 : i32
      %mul3A_49 = arith.muli %scan3A_18, %mul3A_48 : i32
      %add3A_50 = arith.constant 3 : i32
      %add3A_51 = arith.addi %mul3A_49, %add3A_50 : i32
      %dma_start3A_52 = arith.constant 0 : i32
      %dma_start3A_53 = tpu.memref_slice %arg6[%add3A_51, %dma_start3A_52] : memref<80x125xi32, #tpu.memory_space<vmem>> -> memref<1x125xi32, #tpu.memory_space<vmem>>
      %dma_start3A_54 = tpu.memref_squeeze %dma_start3A_53 : memref<1x125xi32, #tpu.memory_space<vmem>> -> memref<125xi32, #tpu.memory_space<vmem>>
      %dma_start3A_55 = arith.constant 0 : i32
      %dma_start3A_56 = arith.constant 0 : i32
      %dma_start3A_57 = tpu.memref_slice %arg8[%dma_start3A_55, %dma_start3A_56] : memref<10240x32xf32, #tpu.memory_space<vmem_shared>> -> memref<10240x32xf32, #tpu.memory_space<vmem_shared>>
      tpu.enqueue_indirect_dma source(%arg7 : memref<125x32xf32, #tpu.memory_space<vmem>>) target(%dma_start3A_57 : memref<10240x32xf32, #tpu.memory_space<vmem_shared>>) offsets(%dma_start3A_54 : memref<125xi32, #tpu.memory_space<vmem>>) semaphore(%arg9 : memref<!tpu.dma_semaphore, #tpu.memory_space<semaphore_mem>>) {add = true}
      %mul3A_58 = arith.constant 10 : i32
      %mul3A_59 = arith.muli %scan3A_18, %mul3A_58 : i32
      %add3A_60 = arith.constant 4 : i32
      %add3A_61 = arith.addi %mul3A_59, %add3A_60 : i32
      %dma_start3A_62 = arith.constant 0 : i32
      %dma_start3A_63 = tpu.memref_slice %arg6[%add3A_61, %dma_start3A_62] : memref<80x125xi32, #tpu.memory_space<vmem>> -> memref<1x125xi32, #tpu.memory_space<vmem>>
      %dma_start3A_64 = tpu.memref_squeeze %dma_start3A_63 : memref<1x125xi32, #tpu.memory_space<vmem>> -> memref<125xi32, #tpu.memory_space<vmem>>
      %dma_start3A_65 = arith.constant 0 : i32
      %dma_start3A_66 = arith.constant 0 : i32
      %dma_start3A_67 = tpu.memref_slice %arg8[%dma_start3A_65, %dma_start3A_66] : memref<10240x32xf32, #tpu.memory_space<vmem_shared>> -> memref<10240x32xf32, #tpu.memory_space<vmem_shared>>
      tpu.enqueue_indirect_dma source(%arg7 : memref<125x32xf32, #tpu.memory_space<vmem>>) target(%dma_start3A_67 : memref<10240x32xf32, #tpu.memory_space<vmem_shared>>) offsets(%dma_start3A_64 : memref<125xi32, #tpu.memory_space<vmem>>) semaphore(%arg9 : memref<!tpu.dma_semaphore, #tpu.memory_space<semaphore_mem>>) {add = true}
      %mul3A_68 = arith.constant 10 : i32
      %mul3A_69 = arith.muli %scan3A_18, %mul3A_68 : i32
      %add3A_70 = arith.constant 5 : i32
      %add3A_71 = arith.addi %mul3A_69, %add3A_70 : i32
      %dma_start3A_72 = arith.constant 0 : i32
      %dma_start3A_73 = tpu.memref_slice %arg6[%add3A_71, %dma_start3A_72] : memref<80x125xi32, #tpu.memory_space<vmem>> -> memref<1x125xi32, #tpu.memory_space<vmem>>
      %dma_start3A_74 = tpu.memref_squeeze %dma_start3A_73 : memref<1x125xi32, #tpu.memory_space<vmem>> -> memref<125xi32, #tpu.memory_space<vmem>>
      %dma_start3A_75 = arith.constant 0 : i32
      %dma_start3A_76 = arith.constant 0 : i32
      %dma_start3A_77 = tpu.memref_slice %arg8[%dma_start3A_75, %dma_start3A_76] : memref<10240x32xf32, #tpu.memory_space<vmem_shared>> -> memref<10240x32xf32, #tpu.memory_space<vmem_shared>>
      tpu.enqueue_indirect_dma source(%arg7 : memref<125x32xf32, #tpu.memory_space<vmem>>) target(%dma_start3A_77 : memref<10240x32xf32, #tpu.memory_space<vmem_shared>>) offsets(%dma_start3A_74 : memref<125xi32, #tpu.memory_space<vmem>>) semaphore(%arg9 : memref<!tpu.dma_semaphore, #tpu.memory_space<semaphore_mem>>) {add = true}
      %mul3A_78 = arith.constant 10 : i32
      %mul3A_79 = arith.muli %scan3A_18, %mul3A_78 : i32
      %add3A_80 = arith.constant 6 : i32
      %add3A_81 = arith.addi %mul3A_79, %add3A_80 : i32
      %dma_start3A_82 = arith.constant 0 : i32
      %dma_start3A_83 = tpu.memref_slice %arg6[%add3A_81, %dma_start3A_82] : memref<80x125xi32, #tpu.memory_space<vmem>> -> memref<1x125xi32, #tpu.memory_space<vmem>>
      %dma_start3A_84 = tpu.memref_squeeze %dma_start3A_83 : memref<1x125xi32, #tpu.memory_space<vmem>> -> memref<125xi32, #tpu.memory_space<vmem>>
      %dma_start3A_85 = arith.constant 0 : i32
      %dma_start3A_86 = arith.constant 0 : i32
      %dma_start3A_87 = tpu.memref_slice %arg8[%dma_start3A_85, %dma_start3A_86] : memref<10240x32xf32, #tpu.memory_space<vmem_shared>> -> memref<10240x32xf32, #tpu.memory_space<vmem_shared>>
      tpu.enqueue_indirect_dma source(%arg7 : memref<125x32xf32, #tpu.memory_space<vmem>>) target(%dma_start3A_87 : memref<10240x32xf32, #tpu.memory_space<vmem_shared>>) offsets(%dma_start3A_84 : memref<125xi32, #tpu.memory_space<vmem>>) semaphore(%arg9 : memref<!tpu.dma_semaphore, #tpu.memory_space<semaphore_mem>>) {add = true}
      %mul3A_88 = arith.constant 10 : i32
      %mul3A_89 = arith.muli %scan3A_18, %mul3A_88 : i32
      %add3A_90 = arith.constant 7 : i32
      %add3A_91 = arith.addi %mul3A_89, %add3A_90 : i32
      %dma_start3A_92 = arith.constant 0 : i32
      %dma_start3A_93 = tpu.memref_slice %arg6[%add3A_91, %dma_start3A_92] : memref<80x125xi32, #tpu.memory_space<vmem>> -> memref<1x125xi32, #tpu.memory_space<vmem>>
      %dma_start3A_94 = tpu.memref_squeeze %dma_start3A_93 : memref<1x125xi32, #tpu.memory_space<vmem>> -> memref<125xi32, #tpu.memory_space<vmem>>
      %dma_start3A_95 = arith.constant 0 : i32
      %dma_start3A_96 = arith.constant 0 : i32
      %dma_start3A_97 = tpu.memref_slice %arg8[%dma_start3A_95, %dma_start3A_96] : memref<10240x32xf32, #tpu.memory_space<vmem_shared>> -> memref<10240x32xf32, #tpu.memory_space<vmem_shared>>
      tpu.enqueue_indirect_dma source(%arg7 : memref<125x32xf32, #tpu.memory_space<vmem>>) target(%dma_start3A_97 : memref<10240x32xf32, #tpu.memory_space<vmem_shared>>) offsets(%dma_start3A_94 : memref<125xi32, #tpu.memory_space<vmem>>) semaphore(%arg9 : memref<!tpu.dma_semaphore, #tpu.memory_space<semaphore_mem>>) {add = true}
      %mul3A_98 = arith.constant 10 : i32
      %mul3A_99 = arith.muli %scan3A_18, %mul3A_98 : i32
      %add3A_100 = arith.constant 8 : i32
      %add3A_101 = arith.addi %mul3A_99, %add3A_100 : i32
      %dma_start3A_102 = arith.constant 0 : i32
      %dma_start3A_103 = tpu.memref_slice %arg6[%add3A_101, %dma_start3A_102] : memref<80x125xi32, #tpu.memory_space<vmem>> -> memref<1x125xi32, #tpu.memory_space<vmem>>
      %dma_start3A_104 = tpu.memref_squeeze %dma_start3A_103 : memref<1x125xi32, #tpu.memory_space<vmem>> -> memref<125xi32, #tpu.memory_space<vmem>>
      %dma_start3A_105 = arith.constant 0 : i32
      %dma_start3A_106 = arith.constant 0 : i32
      %dma_start3A_107 = tpu.memref_slice %arg8[%dma_start3A_105, %dma_start3A_106] : memref<10240x32xf32, #tpu.memory_space<vmem_shared>> -> memref<10240x32xf32, #tpu.memory_space<vmem_shared>>
      tpu.enqueue_indirect_dma source(%arg7 : memref<125x32xf32, #tpu.memory_space<vmem>>) target(%dma_start3A_107 : memref<10240x32xf32, #tpu.memory_space<vmem_shared>>) offsets(%dma_start3A_104 : memref<125xi32, #tpu.memory_space<vmem>>) semaphore(%arg9 : memref<!tpu.dma_semaphore, #tpu.memory_space<semaphore_mem>>) {add = true}
      %mul3A_108 = arith.constant 10 : i32
      %mul3A_109 = arith.muli %scan3A_18, %mul3A_108 : i32
      %add3A_110 = arith.constant 9 : i32
      %add3A_111 = arith.addi %mul3A_109, %add3A_110 : i32
      %dma_start3A_112 = arith.constant 0 : i32
      %dma_start3A_113 = tpu.memref_slice %arg6[%add3A_111, %dma_start3A_112] : memref<80x125xi32, #tpu.memory_space<vmem>> -> memref<1x125xi32, #tpu.memory_space<vmem>>
      %dma_start3A_114 = tpu.memref_squeeze %dma_start3A_113 : memref<1x125xi32, #tpu.memory_space<vmem>> -> memref<125xi32, #tpu.memory_space<vmem>>
      %dma_start3A_115 = arith.constant 0 : i32
      %dma_start3A_116 = arith.constant 0 : i32
      %dma_start3A_117 = tpu.memref_slice %arg8[%dma_start3A_115, %dma_start3A_116] : memref<10240x32xf32, #tpu.memory_space<vmem_shared>> -> memref<10240x32xf32, #tpu.memory_space<vmem_shared>>
      tpu.enqueue_indirect_dma source(%arg7 : memref<125x32xf32, #tpu.memory_space<vmem>>) target(%dma_start3A_117 : memref<10240x32xf32, #tpu.memory_space<vmem_shared>>) offsets(%dma_start3A_114 : memref<125xi32, #tpu.memory_space<vmem>>) semaphore(%arg9 : memref<!tpu.dma_semaphore, #tpu.memory_space<semaphore_mem>>) {add = true}
    }
    %scan3A_7 = arith.constant 8 : i32
    %scan3A_8 = arith.constant 0 : i32
    %scan3A_9 = arith.constant 0 : i32
    %scan3A_10 = arith.constant 80 : i32
    %scan3A_11 = arith.addi %scan3A_9, %scan3A_10 : i32
    %scan3A_12 = arith.constant 1 : i32
    scf.for %scan3A_18 = %scan3A_9 to %scan3A_11 step %scan3A_12  : i32 {
      %dma_wait3A = arith.constant 0 : i32
      %dma_wait3A_19 = arith.constant 0 : i32
      %dma_wait3A_20 = tpu.memref_slice %arg6[%dma_wait3A, %dma_wait3A_19] : memref<80x125xi32, #tpu.memory_space<vmem>> -> memref<1x125xi32, #tpu.memory_space<vmem>>
      %dma_wait3A_21 = tpu.memref_squeeze %dma_wait3A_20 : memref<1x125xi32, #tpu.memory_space<vmem>> -> memref<125xi32, #tpu.memory_space<vmem>>
      %dma_wait3A_22 = arith.constant 0 : i32
      %dma_wait3A_23 = arith.constant 0 : i32
      %dma_wait3A_24 = tpu.memref_slice %arg8[%dma_wait3A_22, %dma_wait3A_23] : memref<10240x32xf32, #tpu.memory_space<vmem_shared>> -> memref<10240x32xf32, #tpu.memory_space<vmem_shared>>
      tpu.wait_indirect_dma semaphore(%arg9 : memref<!tpu.dma_semaphore, #tpu.memory_space<semaphore_mem>>) src(%arg7 : memref<125x32xf32, #tpu.memory_space<vmem>>) dst(%dma_wait3A_24 : memref<10240x32xf32, #tpu.memory_space<vmem_shared>>)
    }
    %scan3A_13 = arith.constant 80 : i32
    %barrier3A_14 = arith.constant 0 : index
    tpu.barrier barrier_id(%barrier3A_14)
    %mul3A_15 = arith.constant 10240 : i32
    %mul3A_16 = arith.muli %arg0, %mul3A_15 : i32
    %add3A_17 = arith.addi %mul3A_16, %mul3A_2 : i32
    "tpu.region"() ({
      %run_scoped3A_18 = tpu.sem_alloc : memref<!tpu.dma_semaphore, #tpu.memory_space<semaphore_mem>>
      %dma_start3A = arith.constant 0 : i32
      %dma_start3A_19 = tpu.memref_slice %arg5[%add3A_17, %dma_start3A] : memref<20480x32xf32, #tpu.memory_space<hbm>> -> memref<640x32xf32, #tpu.memory_space<hbm>>
      %dma_start3A_20 = arith.constant 0 : i32
      %dma_start3A_21 = tpu.memref_slice %arg8[%mul3A_2, %dma_start3A_20] : memref<10240x32xf32, #tpu.memory_space<vmem_shared>> -> memref<640x32xf32, #tpu.memory_space<vmem_shared>>
      tpu.enqueue_dma source(%dma_start3A_21 : memref<640x32xf32, #tpu.memory_space<vmem_shared>>) target(%dma_start3A_19 : memref<640x32xf32, #tpu.memory_space<hbm>>) target_semaphore(%run_scoped3A_18 : memref<!tpu.dma_semaphore, #tpu.memory_space<semaphore_mem>>)
      %dma_wait3A = arith.constant 0 : i32
      %dma_wait3A_22 = tpu.memref_slice %arg5[%add3A_17, %dma_wait3A] : memref<20480x32xf32, #tpu.memory_space<hbm>> -> memref<640x32xf32, #tpu.memory_space<hbm>>
      %dma_wait3A_23 = arith.constant 0 : i32
      %dma_wait3A_24 = tpu.memref_slice %arg8[%mul3A_2, %dma_wait3A_23] : memref<10240x32xf32, #tpu.memory_space<vmem_shared>> -> memref<640x32xf32, #tpu.memory_space<vmem_shared>>
      tpu.wait_dma2 semaphore(%run_scoped3A_18 : memref<!tpu.dma_semaphore, #tpu.memory_space<semaphore_mem>>) src(%dma_wait3A_24 : memref<640x32xf32, #tpu.memory_space<vmem_shared>>) dst(%dma_wait3A_22 : memref<640x32xf32, #tpu.memory_space<hbm>>)
      tpu.yield
    }) : () -> ()
    return
  }
}

#map = affine_map<(d0, d1) -> (0, 0)>
#map1 = affine_map<(d0, d1) -> (0, 0, 0, 0)>
module attributes {stable_mosaic.version = 14 : i64} {
  func.func @conv_scatter(%arg0: i32, %arg1: i32, %arg2: memref<10000x32xf32, #tpu.memory_space<hbm>>, %arg3: memref<2x32x80x125xi32, #tpu.memory_space<hbm>>, %arg4: memref<10240x32xf32, #tpu.memory_space<hbm>>, %arg5: memref<20480x32xf32, #tpu.memory_space<hbm>>, %arg6: memref<80x125xi32, #tpu.memory_space<vmem>>, %arg7: memref<80x125xi32, #tpu.memory_space<vmem>>, %arg8: memref<5x125x32xf32, #tpu.memory_space<vmem>>, %arg9: memref<10240x32xf32, #tpu.memory_space<vmem_shared>>, %arg10: memref<!tpu.dma_semaphore, #tpu.memory_space<semaphore_mem>>, %arg11: memref<!tpu.dma_semaphore, #tpu.memory_space<semaphore_mem>>, %arg12: memref<!tpu.dma_semaphore, #tpu.memory_space<semaphore_mem>>, %arg13: memref<!tpu.dma_semaphore, #tpu.memory_space<semaphore_mem>>, %arg14: memref<!tpu.dma_semaphore, #tpu.memory_space<semaphore_mem>>) attributes {dimension_semantics = [#tpu.dimension_semantics<core_parallel>, #tpu.dimension_semantics<subcore_parallel>], iteration_bounds = array<i64: 2, 16>, scalar_prefetch = 0 : i64, scratch_operands = 9 : i64, tpu.core_type = #tpu.core_type<sc_vector_subcore>, window_params = [{transform_indices = #map}, {transform_indices = #map1}, {transform_indices = #map}, {transform_indices = #map}]} {
    %mul3A = arith.constant 16 : i32
    %mul3A_0 = arith.muli %arg0, %mul3A : i32
    %add3A = arith.addi %mul3A_0, %arg1 : i32
    %run_scoped3A = arith.constant 0 : i32
    "tpu.region"() ({
      %run_scoped3A_72 = tpu.sem_alloc : memref<!tpu.dma_semaphore, #tpu.memory_space<semaphore_mem>>
      %dma_start3A_73 = arith.constant 0 : i32
      %dma_start3A_74 = arith.constant 0 : i32
      %dma_start3A_75 = tpu.memref_slice %arg3[%run_scoped3A, %add3A, %dma_start3A_73, %dma_start3A_74] : memref<2x32x80x125xi32, #tpu.memory_space<hbm>> -> memref<1x1x80x125xi32, #tpu.memory_space<hbm>>
      %dma_start3A_76 = tpu.memref_squeeze %dma_start3A_75 : memref<1x1x80x125xi32, #tpu.memory_space<hbm>> -> memref<80x125xi32, #tpu.memory_space<hbm>>
      %dma_start3A_77 = arith.constant 0 : i32
      %dma_start3A_78 = arith.constant 0 : i32
      %dma_start3A_79 = tpu.memref_slice %arg3[%run_scoped3A, %add3A, %dma_start3A_77, %dma_start3A_78] : memref<2x32x80x125xi32, #tpu.memory_space<hbm>> -> memref<1x1x80x125xi32, #tpu.memory_space<hbm>>
      %dma_start3A_80 = tpu.memref_squeeze %dma_start3A_79 : memref<1x1x80x125xi32, #tpu.memory_space<hbm>> -> memref<80x125xi32, #tpu.memory_space<hbm>>
      tpu.enqueue_dma source(%dma_start3A_80 : memref<80x125xi32, #tpu.memory_space<hbm>>) target(%arg6 : memref<80x125xi32, #tpu.memory_space<vmem>>) target_semaphore(%run_scoped3A_72 : memref<!tpu.dma_semaphore, #tpu.memory_space<semaphore_mem>>)
      %dma_wait3A = arith.constant 0 : i32
      %dma_wait3A_81 = arith.constant 0 : i32
      %dma_wait3A_82 = tpu.memref_slice %arg3[%run_scoped3A, %add3A, %dma_wait3A, %dma_wait3A_81] : memref<2x32x80x125xi32, #tpu.memory_space<hbm>> -> memref<1x1x80x125xi32, #tpu.memory_space<hbm>>
      %dma_wait3A_83 = tpu.memref_squeeze %dma_wait3A_82 : memref<1x1x80x125xi32, #tpu.memory_space<hbm>> -> memref<80x125xi32, #tpu.memory_space<hbm>>
      %dma_wait3A_84 = arith.constant 0 : i32
      %dma_wait3A_85 = arith.constant 0 : i32
      %dma_wait3A_86 = tpu.memref_slice %arg3[%run_scoped3A, %add3A, %dma_wait3A_84, %dma_wait3A_85] : memref<2x32x80x125xi32, #tpu.memory_space<hbm>> -> memref<1x1x80x125xi32, #tpu.memory_space<hbm>>
      %dma_wait3A_87 = tpu.memref_squeeze %dma_wait3A_86 : memref<1x1x80x125xi32, #tpu.memory_space<hbm>> -> memref<80x125xi32, #tpu.memory_space<hbm>>
      tpu.wait_dma2 semaphore(%run_scoped3A_72 : memref<!tpu.dma_semaphore, #tpu.memory_space<semaphore_mem>>) src(%dma_wait3A_87 : memref<80x125xi32, #tpu.memory_space<hbm>>) dst(%arg6 : memref<80x125xi32, #tpu.memory_space<vmem>>)
      tpu.yield
    }) : () -> ()
    %run_scoped3A_1 = arith.constant 1 : i32
    "tpu.region"() ({
      %run_scoped3A_72 = tpu.sem_alloc : memref<!tpu.dma_semaphore, #tpu.memory_space<semaphore_mem>>
      %dma_start3A_73 = arith.constant 0 : i32
      %dma_start3A_74 = arith.constant 0 : i32
      %dma_start3A_75 = tpu.memref_slice %arg3[%run_scoped3A_1, %add3A, %dma_start3A_73, %dma_start3A_74] : memref<2x32x80x125xi32, #tpu.memory_space<hbm>> -> memref<1x1x80x125xi32, #tpu.memory_space<hbm>>
      %dma_start3A_76 = tpu.memref_squeeze %dma_start3A_75 : memref<1x1x80x125xi32, #tpu.memory_space<hbm>> -> memref<80x125xi32, #tpu.memory_space<hbm>>
      %dma_start3A_77 = arith.constant 0 : i32
      %dma_start3A_78 = arith.constant 0 : i32
      %dma_start3A_79 = tpu.memref_slice %arg3[%run_scoped3A_1, %add3A, %dma_start3A_77, %dma_start3A_78] : memref<2x32x80x125xi32, #tpu.memory_space<hbm>> -> memref<1x1x80x125xi32, #tpu.memory_space<hbm>>
      %dma_start3A_80 = tpu.memref_squeeze %dma_start3A_79 : memref<1x1x80x125xi32, #tpu.memory_space<hbm>> -> memref<80x125xi32, #tpu.memory_space<hbm>>
      tpu.enqueue_dma source(%dma_start3A_80 : memref<80x125xi32, #tpu.memory_space<hbm>>) target(%arg7 : memref<80x125xi32, #tpu.memory_space<vmem>>) target_semaphore(%run_scoped3A_72 : memref<!tpu.dma_semaphore, #tpu.memory_space<semaphore_mem>>)
      %dma_wait3A = arith.constant 0 : i32
      %dma_wait3A_81 = arith.constant 0 : i32
      %dma_wait3A_82 = tpu.memref_slice %arg3[%run_scoped3A_1, %add3A, %dma_wait3A, %dma_wait3A_81] : memref<2x32x80x125xi32, #tpu.memory_space<hbm>> -> memref<1x1x80x125xi32, #tpu.memory_space<hbm>>
      %dma_wait3A_83 = tpu.memref_squeeze %dma_wait3A_82 : memref<1x1x80x125xi32, #tpu.memory_space<hbm>> -> memref<80x125xi32, #tpu.memory_space<hbm>>
      %dma_wait3A_84 = arith.constant 0 : i32
      %dma_wait3A_85 = arith.constant 0 : i32
      %dma_wait3A_86 = tpu.memref_slice %arg3[%run_scoped3A_1, %add3A, %dma_wait3A_84, %dma_wait3A_85] : memref<2x32x80x125xi32, #tpu.memory_space<hbm>> -> memref<1x1x80x125xi32, #tpu.memory_space<hbm>>
      %dma_wait3A_87 = tpu.memref_squeeze %dma_wait3A_86 : memref<1x1x80x125xi32, #tpu.memory_space<hbm>> -> memref<80x125xi32, #tpu.memory_space<hbm>>
      tpu.wait_dma2 semaphore(%run_scoped3A_72 : memref<!tpu.dma_semaphore, #tpu.memory_space<semaphore_mem>>) src(%dma_wait3A_87 : memref<80x125xi32, #tpu.memory_space<hbm>>) dst(%arg7 : memref<80x125xi32, #tpu.memory_space<vmem>>)
      tpu.yield
    }) : () -> ()
    %mul3A_2 = arith.constant 640 : i32
    %mul3A_3 = arith.muli %arg1, %mul3A_2 : i32
    "tpu.region"() ({
      %run_scoped3A_72 = tpu.sem_alloc : memref<!tpu.dma_semaphore, #tpu.memory_space<semaphore_mem>>
      %dma_start3A_73 = arith.constant 0 : i32
      %dma_start3A_74 = tpu.memref_slice %arg9[%mul3A_3, %dma_start3A_73] : memref<10240x32xf32, #tpu.memory_space<vmem_shared>> -> memref<640x32xf32, #tpu.memory_space<vmem_shared>>
      %dma_start3A_75 = arith.constant 0 : i32
      %dma_start3A_76 = tpu.memref_slice %arg4[%mul3A_3, %dma_start3A_75] : memref<10240x32xf32, #tpu.memory_space<hbm>> -> memref<640x32xf32, #tpu.memory_space<hbm>>
      tpu.enqueue_dma source(%dma_start3A_76 : memref<640x32xf32, #tpu.memory_space<hbm>>) target(%dma_start3A_74 : memref<640x32xf32, #tpu.memory_space<vmem_shared>>) target_semaphore(%run_scoped3A_72 : memref<!tpu.dma_semaphore, #tpu.memory_space<semaphore_mem>>)
      %dma_wait3A = arith.constant 0 : i32
      %dma_wait3A_77 = tpu.memref_slice %arg9[%mul3A_3, %dma_wait3A] : memref<10240x32xf32, #tpu.memory_space<vmem_shared>> -> memref<640x32xf32, #tpu.memory_space<vmem_shared>>
      %dma_wait3A_78 = arith.constant 0 : i32
      %dma_wait3A_79 = tpu.memref_slice %arg4[%mul3A_3, %dma_wait3A_78] : memref<10240x32xf32, #tpu.memory_space<hbm>> -> memref<640x32xf32, #tpu.memory_space<hbm>>
      tpu.wait_dma2 semaphore(%run_scoped3A_72 : memref<!tpu.dma_semaphore, #tpu.memory_space<semaphore_mem>>) src(%dma_wait3A_79 : memref<640x32xf32, #tpu.memory_space<hbm>>) dst(%dma_wait3A_77 : memref<640x32xf32, #tpu.memory_space<vmem_shared>>)
      tpu.yield
    }) : () -> ()
    %barrier3A = arith.constant 0 : index
    tpu.barrier barrier_id(%barrier3A)
    %dma_start3A = arith.constant 0 : i32
    %dma_start3A_4 = arith.constant 0 : i32
    %dma_start3A_5 = arith.constant 0 : i32
    %dma_start3A_6 = arith.constant 0 : i32
    %dma_start3A_7 = tpu.memref_slice %arg8[%dma_start3A_4, %dma_start3A_5, %dma_start3A_6] : memref<5x125x32xf32, #tpu.memory_space<vmem>> -> memref<1x125x32xf32, #tpu.memory_space<vmem>>
    %dma_start3A_8 = tpu.memref_squeeze %dma_start3A_7 : memref<1x125x32xf32, #tpu.memory_space<vmem>> -> memref<125x32xf32, #tpu.memory_space<vmem>>
    %dma_start3A_9 = arith.constant 0 : i32
    %dma_start3A_10 = tpu.memref_slice %arg6[%dma_start3A, %dma_start3A_9] : memref<80x125xi32, #tpu.memory_space<vmem>> -> memref<1x125xi32, #tpu.memory_space<vmem>>
    %dma_start3A_11 = tpu.memref_squeeze %dma_start3A_10 : memref<1x125xi32, #tpu.memory_space<vmem>> -> memref<125xi32, #tpu.memory_space<vmem>>
    %dma_start3A_12 = arith.constant 0 : i32
    %dma_start3A_13 = arith.constant 0 : i32
    %dma_start3A_14 = tpu.memref_slice %arg2[%dma_start3A_12, %dma_start3A_13] : memref<10000x32xf32, #tpu.memory_space<hbm>> -> memref<10000x32xf32, #tpu.memory_space<hbm>>
    tpu.enqueue_indirect_dma source(%dma_start3A_14 : memref<10000x32xf32, #tpu.memory_space<hbm>>) target(%dma_start3A_8 : memref<125x32xf32, #tpu.memory_space<vmem>>) offsets(%dma_start3A_11 : memref<125xi32, #tpu.memory_space<vmem>>) semaphore(%arg10 : memref<!tpu.dma_semaphore, #tpu.memory_space<semaphore_mem>>)
    %dma_start3A_15 = arith.constant 1 : i32
    %dma_start3A_16 = arith.constant 1 : i32
    %dma_start3A_17 = arith.constant 0 : i32
    %dma_start3A_18 = arith.constant 0 : i32
    %dma_start3A_19 = tpu.memref_slice %arg8[%dma_start3A_16, %dma_start3A_17, %dma_start3A_18] : memref<5x125x32xf32, #tpu.memory_space<vmem>> -> memref<1x125x32xf32, #tpu.memory_space<vmem>>
    %dma_start3A_20 = tpu.memref_squeeze %dma_start3A_19 : memref<1x125x32xf32, #tpu.memory_space<vmem>> -> memref<125x32xf32, #tpu.memory_space<vmem>>
    %dma_start3A_21 = arith.constant 0 : i32
    %dma_start3A_22 = tpu.memref_slice %arg6[%dma_start3A_15, %dma_start3A_21] : memref<80x125xi32, #tpu.memory_space<vmem>> -> memref<1x125xi32, #tpu.memory_space<vmem>>
    %dma_start3A_23 = tpu.memref_squeeze %dma_start3A_22 : memref<1x125xi32, #tpu.memory_space<vmem>> -> memref<125xi32, #tpu.memory_space<vmem>>
    %dma_start3A_24 = arith.constant 0 : i32
    %dma_start3A_25 = arith.constant 0 : i32
    %dma_start3A_26 = tpu.memref_slice %arg2[%dma_start3A_24, %dma_start3A_25] : memref<10000x32xf32, #tpu.memory_space<hbm>> -> memref<10000x32xf32, #tpu.memory_space<hbm>>
    tpu.enqueue_indirect_dma source(%dma_start3A_26 : memref<10000x32xf32, #tpu.memory_space<hbm>>) target(%dma_start3A_20 : memref<125x32xf32, #tpu.memory_space<vmem>>) offsets(%dma_start3A_23 : memref<125xi32, #tpu.memory_space<vmem>>) semaphore(%arg11 : memref<!tpu.dma_semaphore, #tpu.memory_space<semaphore_mem>>)
    %dma_start3A_27 = arith.constant 2 : i32
    %dma_start3A_28 = arith.constant 2 : i32
    %dma_start3A_29 = arith.constant 0 : i32
    %dma_start3A_30 = arith.constant 0 : i32
    %dma_start3A_31 = tpu.memref_slice %arg8[%dma_start3A_28, %dma_start3A_29, %dma_start3A_30] : memref<5x125x32xf32, #tpu.memory_space<vmem>> -> memref<1x125x32xf32, #tpu.memory_space<vmem>>
    %dma_start3A_32 = tpu.memref_squeeze %dma_start3A_31 : memref<1x125x32xf32, #tpu.memory_space<vmem>> -> memref<125x32xf32, #tpu.memory_space<vmem>>
    %dma_start3A_33 = arith.constant 0 : i32
    %dma_start3A_34 = tpu.memref_slice %arg6[%dma_start3A_27, %dma_start3A_33] : memref<80x125xi32, #tpu.memory_space<vmem>> -> memref<1x125xi32, #tpu.memory_space<vmem>>
    %dma_start3A_35 = tpu.memref_squeeze %dma_start3A_34 : memref<1x125xi32, #tpu.memory_space<vmem>> -> memref<125xi32, #tpu.memory_space<vmem>>
    %dma_start3A_36 = arith.constant 0 : i32
    %dma_start3A_37 = arith.constant 0 : i32
    %dma_start3A_38 = tpu.memref_slice %arg2[%dma_start3A_36, %dma_start3A_37] : memref<10000x32xf32, #tpu.memory_space<hbm>> -> memref<10000x32xf32, #tpu.memory_space<hbm>>
    tpu.enqueue_indirect_dma source(%dma_start3A_38 : memref<10000x32xf32, #tpu.memory_space<hbm>>) target(%dma_start3A_32 : memref<125x32xf32, #tpu.memory_space<vmem>>) offsets(%dma_start3A_35 : memref<125xi32, #tpu.memory_space<vmem>>) semaphore(%arg12 : memref<!tpu.dma_semaphore, #tpu.memory_space<semaphore_mem>>)
    %dma_start3A_39 = arith.constant 3 : i32
    %dma_start3A_40 = arith.constant 3 : i32
    %dma_start3A_41 = arith.constant 0 : i32
    %dma_start3A_42 = arith.constant 0 : i32
    %dma_start3A_43 = tpu.memref_slice %arg8[%dma_start3A_40, %dma_start3A_41, %dma_start3A_42] : memref<5x125x32xf32, #tpu.memory_space<vmem>> -> memref<1x125x32xf32, #tpu.memory_space<vmem>>
    %dma_start3A_44 = tpu.memref_squeeze %dma_start3A_43 : memref<1x125x32xf32, #tpu.memory_space<vmem>> -> memref<125x32xf32, #tpu.memory_space<vmem>>
    %dma_start3A_45 = arith.constant 0 : i32
    %dma_start3A_46 = tpu.memref_slice %arg6[%dma_start3A_39, %dma_start3A_45] : memref<80x125xi32, #tpu.memory_space<vmem>> -> memref<1x125xi32, #tpu.memory_space<vmem>>
    %dma_start3A_47 = tpu.memref_squeeze %dma_start3A_46 : memref<1x125xi32, #tpu.memory_space<vmem>> -> memref<125xi32, #tpu.memory_space<vmem>>
    %dma_start3A_48 = arith.constant 0 : i32
    %dma_start3A_49 = arith.constant 0 : i32
    %dma_start3A_50 = tpu.memref_slice %arg2[%dma_start3A_48, %dma_start3A_49] : memref<10000x32xf32, #tpu.memory_space<hbm>> -> memref<10000x32xf32, #tpu.memory_space<hbm>>
    tpu.enqueue_indirect_dma source(%dma_start3A_50 : memref<10000x32xf32, #tpu.memory_space<hbm>>) target(%dma_start3A_44 : memref<125x32xf32, #tpu.memory_space<vmem>>) offsets(%dma_start3A_47 : memref<125xi32, #tpu.memory_space<vmem>>) semaphore(%arg13 : memref<!tpu.dma_semaphore, #tpu.memory_space<semaphore_mem>>)
    %dma_start3A_51 = arith.constant 4 : i32
    %dma_start3A_52 = arith.constant 4 : i32
    %dma_start3A_53 = arith.constant 0 : i32
    %dma_start3A_54 = arith.constant 0 : i32
    %dma_start3A_55 = tpu.memref_slice %arg8[%dma_start3A_52, %dma_start3A_53, %dma_start3A_54] : memref<5x125x32xf32, #tpu.memory_space<vmem>> -> memref<1x125x32xf32, #tpu.memory_space<vmem>>
    %dma_start3A_56 = tpu.memref_squeeze %dma_start3A_55 : memref<1x125x32xf32, #tpu.memory_space<vmem>> -> memref<125x32xf32, #tpu.memory_space<vmem>>
    %dma_start3A_57 = arith.constant 0 : i32
    %dma_start3A_58 = tpu.memref_slice %arg6[%dma_start3A_51, %dma_start3A_57] : memref<80x125xi32, #tpu.memory_space<vmem>> -> memref<1x125xi32, #tpu.memory_space<vmem>>
    %dma_start3A_59 = tpu.memref_squeeze %dma_start3A_58 : memref<1x125xi32, #tpu.memory_space<vmem>> -> memref<125xi32, #tpu.memory_space<vmem>>
    %dma_start3A_60 = arith.constant 0 : i32
    %dma_start3A_61 = arith.constant 0 : i32
    %dma_start3A_62 = tpu.memref_slice %arg2[%dma_start3A_60, %dma_start3A_61] : memref<10000x32xf32, #tpu.memory_space<hbm>> -> memref<10000x32xf32, #tpu.memory_space<hbm>>
    tpu.enqueue_indirect_dma source(%dma_start3A_62 : memref<10000x32xf32, #tpu.memory_space<hbm>>) target(%dma_start3A_56 : memref<125x32xf32, #tpu.memory_space<vmem>>) offsets(%dma_start3A_59 : memref<125xi32, #tpu.memory_space<vmem>>) semaphore(%arg14 : memref<!tpu.dma_semaphore, #tpu.memory_space<semaphore_mem>>)
    %scan3A = arith.constant 0 : i32
    %scan3A_63 = arith.constant 0 : i32
    %scan3A_64 = arith.constant 16 : i32
    %scan3A_65 = arith.addi %scan3A_63, %scan3A_64 : i32
    %scan3A_66 = arith.constant 1 : i32
    scf.for %scan3A_72 = %scan3A_63 to %scan3A_65 step %scan3A_66  : i32 {
      %mul3A_73 = arith.constant 5 : i32
      %mul3A_74 = arith.muli %scan3A_72, %mul3A_73 : i32
      %add3A_75 = arith.constant 0 : i32
      %add3A_76 = arith.addi %mul3A_74, %add3A_75 : i32
      %dma_wait3A = arith.constant 0 : i32
      %dma_wait3A_77 = arith.constant 0 : i32
      %dma_wait3A_78 = arith.constant 0 : i32
      %dma_wait3A_79 = arith.constant 0 : i32
      %dma_wait3A_80 = tpu.memref_slice %arg8[%dma_wait3A_77, %dma_wait3A_78, %dma_wait3A_79] : memref<5x125x32xf32, #tpu.memory_space<vmem>> -> memref<1x125x32xf32, #tpu.memory_space<vmem>>
      %dma_wait3A_81 = tpu.memref_squeeze %dma_wait3A_80 : memref<1x125x32xf32, #tpu.memory_space<vmem>> -> memref<125x32xf32, #tpu.memory_space<vmem>>
      %dma_wait3A_82 = arith.constant 0 : i32
      %dma_wait3A_83 = tpu.memref_slice %arg6[%dma_wait3A, %dma_wait3A_82] : memref<80x125xi32, #tpu.memory_space<vmem>> -> memref<1x125xi32, #tpu.memory_space<vmem>>
      %dma_wait3A_84 = tpu.memref_squeeze %dma_wait3A_83 : memref<1x125xi32, #tpu.memory_space<vmem>> -> memref<125xi32, #tpu.memory_space<vmem>>
      %dma_wait3A_85 = arith.constant 0 : i32
      %dma_wait3A_86 = arith.constant 0 : i32
      %dma_wait3A_87 = tpu.memref_slice %arg2[%dma_wait3A_85, %dma_wait3A_86] : memref<10000x32xf32, #tpu.memory_space<hbm>> -> memref<10000x32xf32, #tpu.memory_space<hbm>>
      tpu.wait_indirect_dma semaphore(%arg10 : memref<!tpu.dma_semaphore, #tpu.memory_space<semaphore_mem>>) src(%dma_wait3A_87 : memref<10000x32xf32, #tpu.memory_space<hbm>>) dst(%dma_wait3A_81 : memref<125x32xf32, #tpu.memory_space<vmem>>)
      %run_scoped3A_88 = arith.constant 0 : i32
      "tpu.region"() ({
        %run_scoped3A_189 = tpu.sem_alloc : memref<!tpu.dma_semaphore, #tpu.memory_space<semaphore_mem>>
        %dma_start3A_190 = arith.constant 0 : i32
        %dma_start3A_191 = arith.constant 0 : i32
        %dma_start3A_192 = tpu.memref_slice %arg8[%run_scoped3A_88, %dma_start3A_190, %dma_start3A_191] : memref<5x125x32xf32, #tpu.memory_space<vmem>> -> memref<1x125x32xf32, #tpu.memory_space<vmem>>
        %dma_start3A_193 = tpu.memref_squeeze %dma_start3A_192 : memref<1x125x32xf32, #tpu.memory_space<vmem>> -> memref<125x32xf32, #tpu.memory_space<vmem>>
        %dma_start3A_194 = arith.constant 0 : i32
        %dma_start3A_195 = tpu.memref_slice %arg7[%add3A_76, %dma_start3A_194] : memref<80x125xi32, #tpu.memory_space<vmem>> -> memref<1x125xi32, #tpu.memory_space<vmem>>
        %dma_start3A_196 = tpu.memref_squeeze %dma_start3A_195 : memref<1x125xi32, #tpu.memory_space<vmem>> -> memref<125xi32, #tpu.memory_space<vmem>>
        %dma_start3A_197 = arith.constant 0 : i32
        %dma_start3A_198 = arith.constant 0 : i32
        %dma_start3A_199 = tpu.memref_slice %arg9[%dma_start3A_197, %dma_start3A_198] : memref<10240x32xf32, #tpu.memory_space<vmem_shared>> -> memref<10240x32xf32, #tpu.memory_space<vmem_shared>>
        tpu.enqueue_indirect_dma source(%dma_start3A_193 : memref<125x32xf32, #tpu.memory_space<vmem>>) target(%dma_start3A_199 : memref<10240x32xf32, #tpu.memory_space<vmem_shared>>) offsets(%dma_start3A_196 : memref<125xi32, #tpu.memory_space<vmem>>) semaphore(%run_scoped3A_189 : memref<!tpu.dma_semaphore, #tpu.memory_space<semaphore_mem>>) {add = true}
        %dma_wait3A_200 = arith.constant 0 : i32
        %dma_wait3A_201 = arith.constant 0 : i32
        %dma_wait3A_202 = tpu.memref_slice %arg8[%run_scoped3A_88, %dma_wait3A_200, %dma_wait3A_201] : memref<5x125x32xf32, #tpu.memory_space<vmem>> -> memref<1x125x32xf32, #tpu.memory_space<vmem>>
        %dma_wait3A_203 = tpu.memref_squeeze %dma_wait3A_202 : memref<1x125x32xf32, #tpu.memory_space<vmem>> -> memref<125x32xf32, #tpu.memory_space<vmem>>
        %dma_wait3A_204 = arith.constant 0 : i32
        %dma_wait3A_205 = tpu.memref_slice %arg7[%add3A_76, %dma_wait3A_204] : memref<80x125xi32, #tpu.memory_space<vmem>> -> memref<1x125xi32, #tpu.memory_space<vmem>>
        %dma_wait3A_206 = tpu.memref_squeeze %dma_wait3A_205 : memref<1x125xi32, #tpu.memory_space<vmem>> -> memref<125xi32, #tpu.memory_space<vmem>>
        %dma_wait3A_207 = arith.constant 0 : i32
        %dma_wait3A_208 = arith.constant 0 : i32
        %dma_wait3A_209 = tpu.memref_slice %arg9[%dma_wait3A_207, %dma_wait3A_208] : memref<10240x32xf32, #tpu.memory_space<vmem_shared>> -> memref<10240x32xf32, #tpu.memory_space<vmem_shared>>
        tpu.wait_indirect_dma semaphore(%run_scoped3A_189 : memref<!tpu.dma_semaphore, #tpu.memory_space<semaphore_mem>>) src(%dma_wait3A_203 : memref<125x32xf32, #tpu.memory_space<vmem>>) dst(%dma_wait3A_209 : memref<10240x32xf32, #tpu.memory_space<vmem_shared>>)
        tpu.yield
      }) : () -> ()
      %add3A_89 = arith.constant 5 : i32
      %add3A_90 = arith.addi %add3A_76, %add3A_89 : i32
      %lt3A = arith.constant 80 : i32
      %lt3A_91 = arith.cmpi slt, %add3A_90, %lt3A : i32
      %convert_element_type3A = arith.extui %lt3A_91 : i1 to i32
      %cond3A = arith.constant 0 : i32
      %cond3A_92 = arith.cmpi ne, %convert_element_type3A, %cond3A : i32
      scf.if %cond3A_92 {
        %add3A_189 = arith.constant 5 : i32
        %add3A_190 = arith.addi %add3A_76, %add3A_189 : i32
        %dma_start3A_191 = arith.constant 0 : i32
        %dma_start3A_192 = arith.constant 0 : i32
        %dma_start3A_193 = arith.constant 0 : i32
        %dma_start3A_194 = tpu.memref_slice %arg8[%dma_start3A_191, %dma_start3A_192, %dma_start3A_193] : memref<5x125x32xf32, #tpu.memory_space<vmem>> -> memref<1x125x32xf32, #tpu.memory_space<vmem>>
        %dma_start3A_195 = tpu.memref_squeeze %dma_start3A_194 : memref<1x125x32xf32, #tpu.memory_space<vmem>> -> memref<125x32xf32, #tpu.memory_space<vmem>>
        %dma_start3A_196 = arith.constant 0 : i32
        %dma_start3A_197 = tpu.memref_slice %arg6[%add3A_190, %dma_start3A_196] : memref<80x125xi32, #tpu.memory_space<vmem>> -> memref<1x125xi32, #tpu.memory_space<vmem>>
        %dma_start3A_198 = tpu.memref_squeeze %dma_start3A_197 : memref<1x125xi32, #tpu.memory_space<vmem>> -> memref<125xi32, #tpu.memory_space<vmem>>
        %dma_start3A_199 = arith.constant 0 : i32
        %dma_start3A_200 = arith.constant 0 : i32
        %dma_start3A_201 = tpu.memref_slice %arg2[%dma_start3A_199, %dma_start3A_200] : memref<10000x32xf32, #tpu.memory_space<hbm>> -> memref<10000x32xf32, #tpu.memory_space<hbm>>
        tpu.enqueue_indirect_dma source(%dma_start3A_201 : memref<10000x32xf32, #tpu.memory_space<hbm>>) target(%dma_start3A_195 : memref<125x32xf32, #tpu.memory_space<vmem>>) offsets(%dma_start3A_198 : memref<125xi32, #tpu.memory_space<vmem>>) semaphore(%arg10 : memref<!tpu.dma_semaphore, #tpu.memory_space<semaphore_mem>>)
      } else {
      }
      %mul3A_93 = arith.constant 5 : i32
      %mul3A_94 = arith.muli %scan3A_72, %mul3A_93 : i32
      %add3A_95 = arith.constant 1 : i32
      %add3A_96 = arith.addi %mul3A_94, %add3A_95 : i32
      %dma_wait3A_97 = arith.constant 0 : i32
      %dma_wait3A_98 = arith.constant 1 : i32
      %dma_wait3A_99 = arith.constant 0 : i32
      %dma_wait3A_100 = arith.constant 0 : i32
      %dma_wait3A_101 = tpu.memref_slice %arg8[%dma_wait3A_98, %dma_wait3A_99, %dma_wait3A_100] : memref<5x125x32xf32, #tpu.memory_space<vmem>> -> memref<1x125x32xf32, #tpu.memory_space<vmem>>
      %dma_wait3A_102 = tpu.memref_squeeze %dma_wait3A_101 : memref<1x125x32xf32, #tpu.memory_space<vmem>> -> memref<125x32xf32, #tpu.memory_space<vmem>>
      %dma_wait3A_103 = arith.constant 0 : i32
      %dma_wait3A_104 = tpu.memref_slice %arg6[%dma_wait3A_97, %dma_wait3A_103] : memref<80x125xi32, #tpu.memory_space<vmem>> -> memref<1x125xi32, #tpu.memory_space<vmem>>
      %dma_wait3A_105 = tpu.memref_squeeze %dma_wait3A_104 : memref<1x125xi32, #tpu.memory_space<vmem>> -> memref<125xi32, #tpu.memory_space<vmem>>
      %dma_wait3A_106 = arith.constant 0 : i32
      %dma_wait3A_107 = arith.constant 0 : i32
      %dma_wait3A_108 = tpu.memref_slice %arg2[%dma_wait3A_106, %dma_wait3A_107] : memref<10000x32xf32, #tpu.memory_space<hbm>> -> memref<10000x32xf32, #tpu.memory_space<hbm>>
      tpu.wait_indirect_dma semaphore(%arg11 : memref<!tpu.dma_semaphore, #tpu.memory_space<semaphore_mem>>) src(%dma_wait3A_108 : memref<10000x32xf32, #tpu.memory_space<hbm>>) dst(%dma_wait3A_102 : memref<125x32xf32, #tpu.memory_space<vmem>>)
      %run_scoped3A_109 = arith.constant 1 : i32
      "tpu.region"() ({
        %run_scoped3A_189 = tpu.sem_alloc : memref<!tpu.dma_semaphore, #tpu.memory_space<semaphore_mem>>
        %dma_start3A_190 = arith.constant 0 : i32
        %dma_start3A_191 = arith.constant 0 : i32
        %dma_start3A_192 = tpu.memref_slice %arg8[%run_scoped3A_109, %dma_start3A_190, %dma_start3A_191] : memref<5x125x32xf32, #tpu.memory_space<vmem>> -> memref<1x125x32xf32, #tpu.memory_space<vmem>>
        %dma_start3A_193 = tpu.memref_squeeze %dma_start3A_192 : memref<1x125x32xf32, #tpu.memory_space<vmem>> -> memref<125x32xf32, #tpu.memory_space<vmem>>
        %dma_start3A_194 = arith.constant 0 : i32
        %dma_start3A_195 = tpu.memref_slice %arg7[%add3A_96, %dma_start3A_194] : memref<80x125xi32, #tpu.memory_space<vmem>> -> memref<1x125xi32, #tpu.memory_space<vmem>>
        %dma_start3A_196 = tpu.memref_squeeze %dma_start3A_195 : memref<1x125xi32, #tpu.memory_space<vmem>> -> memref<125xi32, #tpu.memory_space<vmem>>
        %dma_start3A_197 = arith.constant 0 : i32
        %dma_start3A_198 = arith.constant 0 : i32
        %dma_start3A_199 = tpu.memref_slice %arg9[%dma_start3A_197, %dma_start3A_198] : memref<10240x32xf32, #tpu.memory_space<vmem_shared>> -> memref<10240x32xf32, #tpu.memory_space<vmem_shared>>
        tpu.enqueue_indirect_dma source(%dma_start3A_193 : memref<125x32xf32, #tpu.memory_space<vmem>>) target(%dma_start3A_199 : memref<10240x32xf32, #tpu.memory_space<vmem_shared>>) offsets(%dma_start3A_196 : memref<125xi32, #tpu.memory_space<vmem>>) semaphore(%run_scoped3A_189 : memref<!tpu.dma_semaphore, #tpu.memory_space<semaphore_mem>>) {add = true}
        %dma_wait3A_200 = arith.constant 0 : i32
        %dma_wait3A_201 = arith.constant 0 : i32
        %dma_wait3A_202 = tpu.memref_slice %arg8[%run_scoped3A_109, %dma_wait3A_200, %dma_wait3A_201] : memref<5x125x32xf32, #tpu.memory_space<vmem>> -> memref<1x125x32xf32, #tpu.memory_space<vmem>>
        %dma_wait3A_203 = tpu.memref_squeeze %dma_wait3A_202 : memref<1x125x32xf32, #tpu.memory_space<vmem>> -> memref<125x32xf32, #tpu.memory_space<vmem>>
        %dma_wait3A_204 = arith.constant 0 : i32
        %dma_wait3A_205 = tpu.memref_slice %arg7[%add3A_96, %dma_wait3A_204] : memref<80x125xi32, #tpu.memory_space<vmem>> -> memref<1x125xi32, #tpu.memory_space<vmem>>
        %dma_wait3A_206 = tpu.memref_squeeze %dma_wait3A_205 : memref<1x125xi32, #tpu.memory_space<vmem>> -> memref<125xi32, #tpu.memory_space<vmem>>
        %dma_wait3A_207 = arith.constant 0 : i32
        %dma_wait3A_208 = arith.constant 0 : i32
        %dma_wait3A_209 = tpu.memref_slice %arg9[%dma_wait3A_207, %dma_wait3A_208] : memref<10240x32xf32, #tpu.memory_space<vmem_shared>> -> memref<10240x32xf32, #tpu.memory_space<vmem_shared>>
        tpu.wait_indirect_dma semaphore(%run_scoped3A_189 : memref<!tpu.dma_semaphore, #tpu.memory_space<semaphore_mem>>) src(%dma_wait3A_203 : memref<125x32xf32, #tpu.memory_space<vmem>>) dst(%dma_wait3A_209 : memref<10240x32xf32, #tpu.memory_space<vmem_shared>>)
        tpu.yield
      }) : () -> ()
      %add3A_110 = arith.constant 5 : i32
      %add3A_111 = arith.addi %add3A_96, %add3A_110 : i32
      %lt3A_112 = arith.constant 80 : i32
      %lt3A_113 = arith.cmpi slt, %add3A_111, %lt3A_112 : i32
      %convert_element_type3A_114 = arith.extui %lt3A_113 : i1 to i32
      %cond3A_115 = arith.constant 0 : i32
      %cond3A_116 = arith.cmpi ne, %convert_element_type3A_114, %cond3A_115 : i32
      scf.if %cond3A_116 {
        %add3A_189 = arith.constant 5 : i32
        %add3A_190 = arith.addi %add3A_96, %add3A_189 : i32
        %dma_start3A_191 = arith.constant 1 : i32
        %dma_start3A_192 = arith.constant 0 : i32
        %dma_start3A_193 = arith.constant 0 : i32
        %dma_start3A_194 = tpu.memref_slice %arg8[%dma_start3A_191, %dma_start3A_192, %dma_start3A_193] : memref<5x125x32xf32, #tpu.memory_space<vmem>> -> memref<1x125x32xf32, #tpu.memory_space<vmem>>
        %dma_start3A_195 = tpu.memref_squeeze %dma_start3A_194 : memref<1x125x32xf32, #tpu.memory_space<vmem>> -> memref<125x32xf32, #tpu.memory_space<vmem>>
        %dma_start3A_196 = arith.constant 0 : i32
        %dma_start3A_197 = tpu.memref_slice %arg6[%add3A_190, %dma_start3A_196] : memref<80x125xi32, #tpu.memory_space<vmem>> -> memref<1x125xi32, #tpu.memory_space<vmem>>
        %dma_start3A_198 = tpu.memref_squeeze %dma_start3A_197 : memref<1x125xi32, #tpu.memory_space<vmem>> -> memref<125xi32, #tpu.memory_space<vmem>>
        %dma_start3A_199 = arith.constant 0 : i32
        %dma_start3A_200 = arith.constant 0 : i32
        %dma_start3A_201 = tpu.memref_slice %arg2[%dma_start3A_199, %dma_start3A_200] : memref<10000x32xf32, #tpu.memory_space<hbm>> -> memref<10000x32xf32, #tpu.memory_space<hbm>>
        tpu.enqueue_indirect_dma source(%dma_start3A_201 : memref<10000x32xf32, #tpu.memory_space<hbm>>) target(%dma_start3A_195 : memref<125x32xf32, #tpu.memory_space<vmem>>) offsets(%dma_start3A_198 : memref<125xi32, #tpu.memory_space<vmem>>) semaphore(%arg11 : memref<!tpu.dma_semaphore, #tpu.memory_space<semaphore_mem>>)
      } else {
      }
      %mul3A_117 = arith.constant 5 : i32
      %mul3A_118 = arith.muli %scan3A_72, %mul3A_117 : i32
      %add3A_119 = arith.constant 2 : i32
      %add3A_120 = arith.addi %mul3A_118, %add3A_119 : i32
      %dma_wait3A_121 = arith.constant 0 : i32
      %dma_wait3A_122 = arith.constant 2 : i32
      %dma_wait3A_123 = arith.constant 0 : i32
      %dma_wait3A_124 = arith.constant 0 : i32
      %dma_wait3A_125 = tpu.memref_slice %arg8[%dma_wait3A_122, %dma_wait3A_123, %dma_wait3A_124] : memref<5x125x32xf32, #tpu.memory_space<vmem>> -> memref<1x125x32xf32, #tpu.memory_space<vmem>>
      %dma_wait3A_126 = tpu.memref_squeeze %dma_wait3A_125 : memref<1x125x32xf32, #tpu.memory_space<vmem>> -> memref<125x32xf32, #tpu.memory_space<vmem>>
      %dma_wait3A_127 = arith.constant 0 : i32
      %dma_wait3A_128 = tpu.memref_slice %arg6[%dma_wait3A_121, %dma_wait3A_127] : memref<80x125xi32, #tpu.memory_space<vmem>> -> memref<1x125xi32, #tpu.memory_space<vmem>>
      %dma_wait3A_129 = tpu.memref_squeeze %dma_wait3A_128 : memref<1x125xi32, #tpu.memory_space<vmem>> -> memref<125xi32, #tpu.memory_space<vmem>>
      %dma_wait3A_130 = arith.constant 0 : i32
      %dma_wait3A_131 = arith.constant 0 : i32
      %dma_wait3A_132 = tpu.memref_slice %arg2[%dma_wait3A_130, %dma_wait3A_131] : memref<10000x32xf32, #tpu.memory_space<hbm>> -> memref<10000x32xf32, #tpu.memory_space<hbm>>
      tpu.wait_indirect_dma semaphore(%arg12 : memref<!tpu.dma_semaphore, #tpu.memory_space<semaphore_mem>>) src(%dma_wait3A_132 : memref<10000x32xf32, #tpu.memory_space<hbm>>) dst(%dma_wait3A_126 : memref<125x32xf32, #tpu.memory_space<vmem>>)
      %run_scoped3A_133 = arith.constant 2 : i32
      "tpu.region"() ({
        %run_scoped3A_189 = tpu.sem_alloc : memref<!tpu.dma_semaphore, #tpu.memory_space<semaphore_mem>>
        %dma_start3A_190 = arith.constant 0 : i32
        %dma_start3A_191 = arith.constant 0 : i32
        %dma_start3A_192 = tpu.memref_slice %arg8[%run_scoped3A_133, %dma_start3A_190, %dma_start3A_191] : memref<5x125x32xf32, #tpu.memory_space<vmem>> -> memref<1x125x32xf32, #tpu.memory_space<vmem>>
        %dma_start3A_193 = tpu.memref_squeeze %dma_start3A_192 : memref<1x125x32xf32, #tpu.memory_space<vmem>> -> memref<125x32xf32, #tpu.memory_space<vmem>>
        %dma_start3A_194 = arith.constant 0 : i32
        %dma_start3A_195 = tpu.memref_slice %arg7[%add3A_120, %dma_start3A_194] : memref<80x125xi32, #tpu.memory_space<vmem>> -> memref<1x125xi32, #tpu.memory_space<vmem>>
        %dma_start3A_196 = tpu.memref_squeeze %dma_start3A_195 : memref<1x125xi32, #tpu.memory_space<vmem>> -> memref<125xi32, #tpu.memory_space<vmem>>
        %dma_start3A_197 = arith.constant 0 : i32
        %dma_start3A_198 = arith.constant 0 : i32
        %dma_start3A_199 = tpu.memref_slice %arg9[%dma_start3A_197, %dma_start3A_198] : memref<10240x32xf32, #tpu.memory_space<vmem_shared>> -> memref<10240x32xf32, #tpu.memory_space<vmem_shared>>
        tpu.enqueue_indirect_dma source(%dma_start3A_193 : memref<125x32xf32, #tpu.memory_space<vmem>>) target(%dma_start3A_199 : memref<10240x32xf32, #tpu.memory_space<vmem_shared>>) offsets(%dma_start3A_196 : memref<125xi32, #tpu.memory_space<vmem>>) semaphore(%run_scoped3A_189 : memref<!tpu.dma_semaphore, #tpu.memory_space<semaphore_mem>>) {add = true}
        %dma_wait3A_200 = arith.constant 0 : i32
        %dma_wait3A_201 = arith.constant 0 : i32
        %dma_wait3A_202 = tpu.memref_slice %arg8[%run_scoped3A_133, %dma_wait3A_200, %dma_wait3A_201] : memref<5x125x32xf32, #tpu.memory_space<vmem>> -> memref<1x125x32xf32, #tpu.memory_space<vmem>>
        %dma_wait3A_203 = tpu.memref_squeeze %dma_wait3A_202 : memref<1x125x32xf32, #tpu.memory_space<vmem>> -> memref<125x32xf32, #tpu.memory_space<vmem>>
        %dma_wait3A_204 = arith.constant 0 : i32
        %dma_wait3A_205 = tpu.memref_slice %arg7[%add3A_120, %dma_wait3A_204] : memref<80x125xi32, #tpu.memory_space<vmem>> -> memref<1x125xi32, #tpu.memory_space<vmem>>
        %dma_wait3A_206 = tpu.memref_squeeze %dma_wait3A_205 : memref<1x125xi32, #tpu.memory_space<vmem>> -> memref<125xi32, #tpu.memory_space<vmem>>
        %dma_wait3A_207 = arith.constant 0 : i32
        %dma_wait3A_208 = arith.constant 0 : i32
        %dma_wait3A_209 = tpu.memref_slice %arg9[%dma_wait3A_207, %dma_wait3A_208] : memref<10240x32xf32, #tpu.memory_space<vmem_shared>> -> memref<10240x32xf32, #tpu.memory_space<vmem_shared>>
        tpu.wait_indirect_dma semaphore(%run_scoped3A_189 : memref<!tpu.dma_semaphore, #tpu.memory_space<semaphore_mem>>) src(%dma_wait3A_203 : memref<125x32xf32, #tpu.memory_space<vmem>>) dst(%dma_wait3A_209 : memref<10240x32xf32, #tpu.memory_space<vmem_shared>>)
        tpu.yield
      }) : () -> ()
      %add3A_134 = arith.constant 5 : i32
      %add3A_135 = arith.addi %add3A_120, %add3A_134 : i32
      %lt3A_136 = arith.constant 80 : i32
      %lt3A_137 = arith.cmpi slt, %add3A_135, %lt3A_136 : i32
      %convert_element_type3A_138 = arith.extui %lt3A_137 : i1 to i32
      %cond3A_139 = arith.constant 0 : i32
      %cond3A_140 = arith.cmpi ne, %convert_element_type3A_138, %cond3A_139 : i32
      scf.if %cond3A_140 {
        %add3A_189 = arith.constant 5 : i32
        %add3A_190 = arith.addi %add3A_120, %add3A_189 : i32
        %dma_start3A_191 = arith.constant 2 : i32
        %dma_start3A_192 = arith.constant 0 : i32
        %dma_start3A_193 = arith.constant 0 : i32
        %dma_start3A_194 = tpu.memref_slice %arg8[%dma_start3A_191, %dma_start3A_192, %dma_start3A_193] : memref<5x125x32xf32, #tpu.memory_space<vmem>> -> memref<1x125x32xf32, #tpu.memory_space<vmem>>
        %dma_start3A_195 = tpu.memref_squeeze %dma_start3A_194 : memref<1x125x32xf32, #tpu.memory_space<vmem>> -> memref<125x32xf32, #tpu.memory_space<vmem>>
        %dma_start3A_196 = arith.constant 0 : i32
        %dma_start3A_197 = tpu.memref_slice %arg6[%add3A_190, %dma_start3A_196] : memref<80x125xi32, #tpu.memory_space<vmem>> -> memref<1x125xi32, #tpu.memory_space<vmem>>
        %dma_start3A_198 = tpu.memref_squeeze %dma_start3A_197 : memref<1x125xi32, #tpu.memory_space<vmem>> -> memref<125xi32, #tpu.memory_space<vmem>>
        %dma_start3A_199 = arith.constant 0 : i32
        %dma_start3A_200 = arith.constant 0 : i32
        %dma_start3A_201 = tpu.memref_slice %arg2[%dma_start3A_199, %dma_start3A_200] : memref<10000x32xf32, #tpu.memory_space<hbm>> -> memref<10000x32xf32, #tpu.memory_space<hbm>>
        tpu.enqueue_indirect_dma source(%dma_start3A_201 : memref<10000x32xf32, #tpu.memory_space<hbm>>) target(%dma_start3A_195 : memref<125x32xf32, #tpu.memory_space<vmem>>) offsets(%dma_start3A_198 : memref<125xi32, #tpu.memory_space<vmem>>) semaphore(%arg12 : memref<!tpu.dma_semaphore, #tpu.memory_space<semaphore_mem>>)
      } else {
      }
      %mul3A_141 = arith.constant 5 : i32
      %mul3A_142 = arith.muli %scan3A_72, %mul3A_141 : i32
      %add3A_143 = arith.constant 3 : i32
      %add3A_144 = arith.addi %mul3A_142, %add3A_143 : i32
      %dma_wait3A_145 = arith.constant 0 : i32
      %dma_wait3A_146 = arith.constant 3 : i32
      %dma_wait3A_147 = arith.constant 0 : i32
      %dma_wait3A_148 = arith.constant 0 : i32
      %dma_wait3A_149 = tpu.memref_slice %arg8[%dma_wait3A_146, %dma_wait3A_147, %dma_wait3A_148] : memref<5x125x32xf32, #tpu.memory_space<vmem>> -> memref<1x125x32xf32, #tpu.memory_space<vmem>>
      %dma_wait3A_150 = tpu.memref_squeeze %dma_wait3A_149 : memref<1x125x32xf32, #tpu.memory_space<vmem>> -> memref<125x32xf32, #tpu.memory_space<vmem>>
      %dma_wait3A_151 = arith.constant 0 : i32
      %dma_wait3A_152 = tpu.memref_slice %arg6[%dma_wait3A_145, %dma_wait3A_151] : memref<80x125xi32, #tpu.memory_space<vmem>> -> memref<1x125xi32, #tpu.memory_space<vmem>>
      %dma_wait3A_153 = tpu.memref_squeeze %dma_wait3A_152 : memref<1x125xi32, #tpu.memory_space<vmem>> -> memref<125xi32, #tpu.memory_space<vmem>>
      %dma_wait3A_154 = arith.constant 0 : i32
      %dma_wait3A_155 = arith.constant 0 : i32
      %dma_wait3A_156 = tpu.memref_slice %arg2[%dma_wait3A_154, %dma_wait3A_155] : memref<10000x32xf32, #tpu.memory_space<hbm>> -> memref<10000x32xf32, #tpu.memory_space<hbm>>
      tpu.wait_indirect_dma semaphore(%arg13 : memref<!tpu.dma_semaphore, #tpu.memory_space<semaphore_mem>>) src(%dma_wait3A_156 : memref<10000x32xf32, #tpu.memory_space<hbm>>) dst(%dma_wait3A_150 : memref<125x32xf32, #tpu.memory_space<vmem>>)
      %run_scoped3A_157 = arith.constant 3 : i32
      "tpu.region"() ({
        %run_scoped3A_189 = tpu.sem_alloc : memref<!tpu.dma_semaphore, #tpu.memory_space<semaphore_mem>>
        %dma_start3A_190 = arith.constant 0 : i32
        %dma_start3A_191 = arith.constant 0 : i32
        %dma_start3A_192 = tpu.memref_slice %arg8[%run_scoped3A_157, %dma_start3A_190, %dma_start3A_191] : memref<5x125x32xf32, #tpu.memory_space<vmem>> -> memref<1x125x32xf32, #tpu.memory_space<vmem>>
        %dma_start3A_193 = tpu.memref_squeeze %dma_start3A_192 : memref<1x125x32xf32, #tpu.memory_space<vmem>> -> memref<125x32xf32, #tpu.memory_space<vmem>>
        %dma_start3A_194 = arith.constant 0 : i32
        %dma_start3A_195 = tpu.memref_slice %arg7[%add3A_144, %dma_start3A_194] : memref<80x125xi32, #tpu.memory_space<vmem>> -> memref<1x125xi32, #tpu.memory_space<vmem>>
        %dma_start3A_196 = tpu.memref_squeeze %dma_start3A_195 : memref<1x125xi32, #tpu.memory_space<vmem>> -> memref<125xi32, #tpu.memory_space<vmem>>
        %dma_start3A_197 = arith.constant 0 : i32
        %dma_start3A_198 = arith.constant 0 : i32
        %dma_start3A_199 = tpu.memref_slice %arg9[%dma_start3A_197, %dma_start3A_198] : memref<10240x32xf32, #tpu.memory_space<vmem_shared>> -> memref<10240x32xf32, #tpu.memory_space<vmem_shared>>
        tpu.enqueue_indirect_dma source(%dma_start3A_193 : memref<125x32xf32, #tpu.memory_space<vmem>>) target(%dma_start3A_199 : memref<10240x32xf32, #tpu.memory_space<vmem_shared>>) offsets(%dma_start3A_196 : memref<125xi32, #tpu.memory_space<vmem>>) semaphore(%run_scoped3A_189 : memref<!tpu.dma_semaphore, #tpu.memory_space<semaphore_mem>>) {add = true}
        %dma_wait3A_200 = arith.constant 0 : i32
        %dma_wait3A_201 = arith.constant 0 : i32
        %dma_wait3A_202 = tpu.memref_slice %arg8[%run_scoped3A_157, %dma_wait3A_200, %dma_wait3A_201] : memref<5x125x32xf32, #tpu.memory_space<vmem>> -> memref<1x125x32xf32, #tpu.memory_space<vmem>>
        %dma_wait3A_203 = tpu.memref_squeeze %dma_wait3A_202 : memref<1x125x32xf32, #tpu.memory_space<vmem>> -> memref<125x32xf32, #tpu.memory_space<vmem>>
        %dma_wait3A_204 = arith.constant 0 : i32
        %dma_wait3A_205 = tpu.memref_slice %arg7[%add3A_144, %dma_wait3A_204] : memref<80x125xi32, #tpu.memory_space<vmem>> -> memref<1x125xi32, #tpu.memory_space<vmem>>
        %dma_wait3A_206 = tpu.memref_squeeze %dma_wait3A_205 : memref<1x125xi32, #tpu.memory_space<vmem>> -> memref<125xi32, #tpu.memory_space<vmem>>
        %dma_wait3A_207 = arith.constant 0 : i32
        %dma_wait3A_208 = arith.constant 0 : i32
        %dma_wait3A_209 = tpu.memref_slice %arg9[%dma_wait3A_207, %dma_wait3A_208] : memref<10240x32xf32, #tpu.memory_space<vmem_shared>> -> memref<10240x32xf32, #tpu.memory_space<vmem_shared>>
        tpu.wait_indirect_dma semaphore(%run_scoped3A_189 : memref<!tpu.dma_semaphore, #tpu.memory_space<semaphore_mem>>) src(%dma_wait3A_203 : memref<125x32xf32, #tpu.memory_space<vmem>>) dst(%dma_wait3A_209 : memref<10240x32xf32, #tpu.memory_space<vmem_shared>>)
        tpu.yield
      }) : () -> ()
      %add3A_158 = arith.constant 5 : i32
      %add3A_159 = arith.addi %add3A_144, %add3A_158 : i32
      %lt3A_160 = arith.constant 80 : i32
      %lt3A_161 = arith.cmpi slt, %add3A_159, %lt3A_160 : i32
      %convert_element_type3A_162 = arith.extui %lt3A_161 : i1 to i32
      %cond3A_163 = arith.constant 0 : i32
      %cond3A_164 = arith.cmpi ne, %convert_element_type3A_162, %cond3A_163 : i32
      scf.if %cond3A_164 {
        %add3A_189 = arith.constant 5 : i32
        %add3A_190 = arith.addi %add3A_144, %add3A_189 : i32
        %dma_start3A_191 = arith.constant 3 : i32
        %dma_start3A_192 = arith.constant 0 : i32
        %dma_start3A_193 = arith.constant 0 : i32
        %dma_start3A_194 = tpu.memref_slice %arg8[%dma_start3A_191, %dma_start3A_192, %dma_start3A_193] : memref<5x125x32xf32, #tpu.memory_space<vmem>> -> memref<1x125x32xf32, #tpu.memory_space<vmem>>
        %dma_start3A_195 = tpu.memref_squeeze %dma_start3A_194 : memref<1x125x32xf32, #tpu.memory_space<vmem>> -> memref<125x32xf32, #tpu.memory_space<vmem>>
        %dma_start3A_196 = arith.constant 0 : i32
        %dma_start3A_197 = tpu.memref_slice %arg6[%add3A_190, %dma_start3A_196] : memref<80x125xi32, #tpu.memory_space<vmem>> -> memref<1x125xi32, #tpu.memory_space<vmem>>
        %dma_start3A_198 = tpu.memref_squeeze %dma_start3A_197 : memref<1x125xi32, #tpu.memory_space<vmem>> -> memref<125xi32, #tpu.memory_space<vmem>>
        %dma_start3A_199 = arith.constant 0 : i32
        %dma_start3A_200 = arith.constant 0 : i32
        %dma_start3A_201 = tpu.memref_slice %arg2[%dma_start3A_199, %dma_start3A_200] : memref<10000x32xf32, #tpu.memory_space<hbm>> -> memref<10000x32xf32, #tpu.memory_space<hbm>>
        tpu.enqueue_indirect_dma source(%dma_start3A_201 : memref<10000x32xf32, #tpu.memory_space<hbm>>) target(%dma_start3A_195 : memref<125x32xf32, #tpu.memory_space<vmem>>) offsets(%dma_start3A_198 : memref<125xi32, #tpu.memory_space<vmem>>) semaphore(%arg13 : memref<!tpu.dma_semaphore, #tpu.memory_space<semaphore_mem>>)
      } else {
      }
      %mul3A_165 = arith.constant 5 : i32
      %mul3A_166 = arith.muli %scan3A_72, %mul3A_165 : i32
      %add3A_167 = arith.constant 4 : i32
      %add3A_168 = arith.addi %mul3A_166, %add3A_167 : i32
      %dma_wait3A_169 = arith.constant 0 : i32
      %dma_wait3A_170 = arith.constant 4 : i32
      %dma_wait3A_171 = arith.constant 0 : i32
      %dma_wait3A_172 = arith.constant 0 : i32
      %dma_wait3A_173 = tpu.memref_slice %arg8[%dma_wait3A_170, %dma_wait3A_171, %dma_wait3A_172] : memref<5x125x32xf32, #tpu.memory_space<vmem>> -> memref<1x125x32xf32, #tpu.memory_space<vmem>>
      %dma_wait3A_174 = tpu.memref_squeeze %dma_wait3A_173 : memref<1x125x32xf32, #tpu.memory_space<vmem>> -> memref<125x32xf32, #tpu.memory_space<vmem>>
      %dma_wait3A_175 = arith.constant 0 : i32
      %dma_wait3A_176 = tpu.memref_slice %arg6[%dma_wait3A_169, %dma_wait3A_175] : memref<80x125xi32, #tpu.memory_space<vmem>> -> memref<1x125xi32, #tpu.memory_space<vmem>>
      %dma_wait3A_177 = tpu.memref_squeeze %dma_wait3A_176 : memref<1x125xi32, #tpu.memory_space<vmem>> -> memref<125xi32, #tpu.memory_space<vmem>>
      %dma_wait3A_178 = arith.constant 0 : i32
      %dma_wait3A_179 = arith.constant 0 : i32
      %dma_wait3A_180 = tpu.memref_slice %arg2[%dma_wait3A_178, %dma_wait3A_179] : memref<10000x32xf32, #tpu.memory_space<hbm>> -> memref<10000x32xf32, #tpu.memory_space<hbm>>
      tpu.wait_indirect_dma semaphore(%arg14 : memref<!tpu.dma_semaphore, #tpu.memory_space<semaphore_mem>>) src(%dma_wait3A_180 : memref<10000x32xf32, #tpu.memory_space<hbm>>) dst(%dma_wait3A_174 : memref<125x32xf32, #tpu.memory_space<vmem>>)
      %run_scoped3A_181 = arith.constant 4 : i32
      "tpu.region"() ({
        %run_scoped3A_189 = tpu.sem_alloc : memref<!tpu.dma_semaphore, #tpu.memory_space<semaphore_mem>>
        %dma_start3A_190 = arith.constant 0 : i32
        %dma_start3A_191 = arith.constant 0 : i32
        %dma_start3A_192 = tpu.memref_slice %arg8[%run_scoped3A_181, %dma_start3A_190, %dma_start3A_191] : memref<5x125x32xf32, #tpu.memory_space<vmem>> -> memref<1x125x32xf32, #tpu.memory_space<vmem>>
        %dma_start3A_193 = tpu.memref_squeeze %dma_start3A_192 : memref<1x125x32xf32, #tpu.memory_space<vmem>> -> memref<125x32xf32, #tpu.memory_space<vmem>>
        %dma_start3A_194 = arith.constant 0 : i32
        %dma_start3A_195 = tpu.memref_slice %arg7[%add3A_168, %dma_start3A_194] : memref<80x125xi32, #tpu.memory_space<vmem>> -> memref<1x125xi32, #tpu.memory_space<vmem>>
        %dma_start3A_196 = tpu.memref_squeeze %dma_start3A_195 : memref<1x125xi32, #tpu.memory_space<vmem>> -> memref<125xi32, #tpu.memory_space<vmem>>
        %dma_start3A_197 = arith.constant 0 : i32
        %dma_start3A_198 = arith.constant 0 : i32
        %dma_start3A_199 = tpu.memref_slice %arg9[%dma_start3A_197, %dma_start3A_198] : memref<10240x32xf32, #tpu.memory_space<vmem_shared>> -> memref<10240x32xf32, #tpu.memory_space<vmem_shared>>
        tpu.enqueue_indirect_dma source(%dma_start3A_193 : memref<125x32xf32, #tpu.memory_space<vmem>>) target(%dma_start3A_199 : memref<10240x32xf32, #tpu.memory_space<vmem_shared>>) offsets(%dma_start3A_196 : memref<125xi32, #tpu.memory_space<vmem>>) semaphore(%run_scoped3A_189 : memref<!tpu.dma_semaphore, #tpu.memory_space<semaphore_mem>>) {add = true}
        %dma_wait3A_200 = arith.constant 0 : i32
        %dma_wait3A_201 = arith.constant 0 : i32
        %dma_wait3A_202 = tpu.memref_slice %arg8[%run_scoped3A_181, %dma_wait3A_200, %dma_wait3A_201] : memref<5x125x32xf32, #tpu.memory_space<vmem>> -> memref<1x125x32xf32, #tpu.memory_space<vmem>>
        %dma_wait3A_203 = tpu.memref_squeeze %dma_wait3A_202 : memref<1x125x32xf32, #tpu.memory_space<vmem>> -> memref<125x32xf32, #tpu.memory_space<vmem>>
        %dma_wait3A_204 = arith.constant 0 : i32
        %dma_wait3A_205 = tpu.memref_slice %arg7[%add3A_168, %dma_wait3A_204] : memref<80x125xi32, #tpu.memory_space<vmem>> -> memref<1x125xi32, #tpu.memory_space<vmem>>
        %dma_wait3A_206 = tpu.memref_squeeze %dma_wait3A_205 : memref<1x125xi32, #tpu.memory_space<vmem>> -> memref<125xi32, #tpu.memory_space<vmem>>
        %dma_wait3A_207 = arith.constant 0 : i32
        %dma_wait3A_208 = arith.constant 0 : i32
        %dma_wait3A_209 = tpu.memref_slice %arg9[%dma_wait3A_207, %dma_wait3A_208] : memref<10240x32xf32, #tpu.memory_space<vmem_shared>> -> memref<10240x32xf32, #tpu.memory_space<vmem_shared>>
        tpu.wait_indirect_dma semaphore(%run_scoped3A_189 : memref<!tpu.dma_semaphore, #tpu.memory_space<semaphore_mem>>) src(%dma_wait3A_203 : memref<125x32xf32, #tpu.memory_space<vmem>>) dst(%dma_wait3A_209 : memref<10240x32xf32, #tpu.memory_space<vmem_shared>>)
        tpu.yield
      }) : () -> ()
      %add3A_182 = arith.constant 5 : i32
      %add3A_183 = arith.addi %add3A_168, %add3A_182 : i32
      %lt3A_184 = arith.constant 80 : i32
      %lt3A_185 = arith.cmpi slt, %add3A_183, %lt3A_184 : i32
      %convert_element_type3A_186 = arith.extui %lt3A_185 : i1 to i32
      %cond3A_187 = arith.constant 0 : i32
      %cond3A_188 = arith.cmpi ne, %convert_element_type3A_186, %cond3A_187 : i32
      scf.if %cond3A_188 {
        %add3A_189 = arith.constant 5 : i32
        %add3A_190 = arith.addi %add3A_168, %add3A_189 : i32
        %dma_start3A_191 = arith.constant 4 : i32
        %dma_start3A_192 = arith.constant 0 : i32
        %dma_start3A_193 = arith.constant 0 : i32
        %dma_start3A_194 = tpu.memref_slice %arg8[%dma_start3A_191, %dma_start3A_192, %dma_start3A_193] : memref<5x125x32xf32, #tpu.memory_space<vmem>> -> memref<1x125x32xf32, #tpu.memory_space<vmem>>
        %dma_start3A_195 = tpu.memref_squeeze %dma_start3A_194 : memref<1x125x32xf32, #tpu.memory_space<vmem>> -> memref<125x32xf32, #tpu.memory_space<vmem>>
        %dma_start3A_196 = arith.constant 0 : i32
        %dma_start3A_197 = tpu.memref_slice %arg6[%add3A_190, %dma_start3A_196] : memref<80x125xi32, #tpu.memory_space<vmem>> -> memref<1x125xi32, #tpu.memory_space<vmem>>
        %dma_start3A_198 = tpu.memref_squeeze %dma_start3A_197 : memref<1x125xi32, #tpu.memory_space<vmem>> -> memref<125xi32, #tpu.memory_space<vmem>>
        %dma_start3A_199 = arith.constant 0 : i32
        %dma_start3A_200 = arith.constant 0 : i32
        %dma_start3A_201 = tpu.memref_slice %arg2[%dma_start3A_199, %dma_start3A_200] : memref<10000x32xf32, #tpu.memory_space<hbm>> -> memref<10000x32xf32, #tpu.memory_space<hbm>>
        tpu.enqueue_indirect_dma source(%dma_start3A_201 : memref<10000x32xf32, #tpu.memory_space<hbm>>) target(%dma_start3A_195 : memref<125x32xf32, #tpu.memory_space<vmem>>) offsets(%dma_start3A_198 : memref<125xi32, #tpu.memory_space<vmem>>) semaphore(%arg14 : memref<!tpu.dma_semaphore, #tpu.memory_space<semaphore_mem>>)
      } else {
      }
    }
    %scan3A_67 = arith.constant 16 : i32
    %barrier3A_68 = arith.constant 0 : index
    tpu.barrier barrier_id(%barrier3A_68)
    %mul3A_69 = arith.constant 10240 : i32
    %mul3A_70 = arith.muli %arg0, %mul3A_69 : i32
    %add3A_71 = arith.addi %mul3A_70, %mul3A_3 : i32
    "tpu.region"() ({
      %run_scoped3A_72 = tpu.sem_alloc : memref<!tpu.dma_semaphore, #tpu.memory_space<semaphore_mem>>
      %dma_start3A_73 = arith.constant 0 : i32
      %dma_start3A_74 = tpu.memref_slice %arg5[%add3A_71, %dma_start3A_73] : memref<20480x32xf32, #tpu.memory_space<hbm>> -> memref<640x32xf32, #tpu.memory_space<hbm>>
      %dma_start3A_75 = arith.constant 0 : i32
      %dma_start3A_76 = tpu.memref_slice %arg9[%mul3A_3, %dma_start3A_75] : memref<10240x32xf32, #tpu.memory_space<vmem_shared>> -> memref<640x32xf32, #tpu.memory_space<vmem_shared>>
      tpu.enqueue_dma source(%dma_start3A_76 : memref<640x32xf32, #tpu.memory_space<vmem_shared>>) target(%dma_start3A_74 : memref<640x32xf32, #tpu.memory_space<hbm>>) target_semaphore(%run_scoped3A_72 : memref<!tpu.dma_semaphore, #tpu.memory_space<semaphore_mem>>)
      %dma_wait3A = arith.constant 0 : i32
      %dma_wait3A_77 = tpu.memref_slice %arg5[%add3A_71, %dma_wait3A] : memref<20480x32xf32, #tpu.memory_space<hbm>> -> memref<640x32xf32, #tpu.memory_space<hbm>>
      %dma_wait3A_78 = arith.constant 0 : i32
      %dma_wait3A_79 = tpu.memref_slice %arg9[%mul3A_3, %dma_wait3A_78] : memref<10240x32xf32, #tpu.memory_space<vmem_shared>> -> memref<640x32xf32, #tpu.memory_space<vmem_shared>>
      tpu.wait_dma2 semaphore(%run_scoped3A_72 : memref<!tpu.dma_semaphore, #tpu.memory_space<semaphore_mem>>) src(%dma_wait3A_79 : memref<640x32xf32, #tpu.memory_space<vmem_shared>>) dst(%dma_wait3A_77 : memref<640x32xf32, #tpu.memory_space<hbm>>)
      tpu.yield
    }) : () -> ()
    return
  }
}

#map = affine_map<(d0, d1) -> (0, 0)>
#map1 = affine_map<(d0, d1) -> (0, 0, 0, 0)>
module attributes {stable_mosaic.version = 14 : i64} {
  func.func @conv_scatter(%arg0: i32, %arg1: i32, %arg2: memref<10000x16xf32, #tpu.memory_space<hbm>>, %arg3: memref<2x32x80x125xi32, #tpu.memory_space<hbm>>, %arg4: memref<10240x16xf32, #tpu.memory_space<hbm>>, %arg5: memref<20480x16xf32, #tpu.memory_space<hbm>>, %arg6: memref<80x125xi32, #tpu.memory_space<vmem>>, %arg7: memref<80x125xi32, #tpu.memory_space<vmem>>, %arg8: memref<5x125x16xf32, #tpu.memory_space<vmem>>, %arg9: memref<10240x16xf32, #tpu.memory_space<vmem_shared>>, %arg10: memref<!tpu.dma_semaphore, #tpu.memory_space<semaphore_mem>>, %arg11: memref<!tpu.dma_semaphore, #tpu.memory_space<semaphore_mem>>, %arg12: memref<!tpu.dma_semaphore, #tpu.memory_space<semaphore_mem>>, %arg13: memref<!tpu.dma_semaphore, #tpu.memory_space<semaphore_mem>>, %arg14: memref<!tpu.dma_semaphore, #tpu.memory_space<semaphore_mem>>) attributes {dimension_semantics = [#tpu.dimension_semantics<core_parallel>, #tpu.dimension_semantics<subcore_parallel>], iteration_bounds = array<i64: 2, 16>, scalar_prefetch = 0 : i64, scratch_operands = 9 : i64, tpu.core_type = #tpu.core_type<sc_vector_subcore>, window_params = [{transform_indices = #map}, {transform_indices = #map1}, {transform_indices = #map}, {transform_indices = #map}]} {
    %mul3A = arith.constant 16 : i32
    %mul3A_0 = arith.muli %arg0, %mul3A : i32
    %add3A = arith.addi %mul3A_0, %arg1 : i32
    %run_scoped3A = arith.constant 0 : i32
    "tpu.region"() ({
      %run_scoped3A_72 = tpu.sem_alloc : memref<!tpu.dma_semaphore, #tpu.memory_space<semaphore_mem>>
      %dma_start3A_73 = arith.constant 0 : i32
      %dma_start3A_74 = arith.constant 0 : i32
      %dma_start3A_75 = tpu.memref_slice %arg3[%run_scoped3A, %add3A, %dma_start3A_73, %dma_start3A_74] : memref<2x32x80x125xi32, #tpu.memory_space<hbm>> -> memref<1x1x80x125xi32, #tpu.memory_space<hbm>>
      %dma_start3A_76 = tpu.memref_squeeze %dma_start3A_75 : memref<1x1x80x125xi32, #tpu.memory_space<hbm>> -> memref<80x125xi32, #tpu.memory_space<hbm>>
      %dma_start3A_77 = arith.constant 0 : i32
      %dma_start3A_78 = arith.constant 0 : i32
      %dma_start3A_79 = tpu.memref_slice %arg3[%run_scoped3A, %add3A, %dma_start3A_77, %dma_start3A_78] : memref<2x32x80x125xi32, #tpu.memory_space<hbm>> -> memref<1x1x80x125xi32, #tpu.memory_space<hbm>>
      %dma_start3A_80 = tpu.memref_squeeze %dma_start3A_79 : memref<1x1x80x125xi32, #tpu.memory_space<hbm>> -> memref<80x125xi32, #tpu.memory_space<hbm>>
      tpu.enqueue_dma source(%dma_start3A_80 : memref<80x125xi32, #tpu.memory_space<hbm>>) target(%arg6 : memref<80x125xi32, #tpu.memory_space<vmem>>) target_semaphore(%run_scoped3A_72 : memref<!tpu.dma_semaphore, #tpu.memory_space<semaphore_mem>>)
      %dma_wait3A = arith.constant 0 : i32
      %dma_wait3A_81 = arith.constant 0 : i32
      %dma_wait3A_82 = tpu.memref_slice %arg3[%run_scoped3A, %add3A, %dma_wait3A, %dma_wait3A_81] : memref<2x32x80x125xi32, #tpu.memory_space<hbm>> -> memref<1x1x80x125xi32, #tpu.memory_space<hbm>>
      %dma_wait3A_83 = tpu.memref_squeeze %dma_wait3A_82 : memref<1x1x80x125xi32, #tpu.memory_space<hbm>> -> memref<80x125xi32, #tpu.memory_space<hbm>>
      %dma_wait3A_84 = arith.constant 0 : i32
      %dma_wait3A_85 = arith.constant 0 : i32
      %dma_wait3A_86 = tpu.memref_slice %arg3[%run_scoped3A, %add3A, %dma_wait3A_84, %dma_wait3A_85] : memref<2x32x80x125xi32, #tpu.memory_space<hbm>> -> memref<1x1x80x125xi32, #tpu.memory_space<hbm>>
      %dma_wait3A_87 = tpu.memref_squeeze %dma_wait3A_86 : memref<1x1x80x125xi32, #tpu.memory_space<hbm>> -> memref<80x125xi32, #tpu.memory_space<hbm>>
      tpu.wait_dma2 semaphore(%run_scoped3A_72 : memref<!tpu.dma_semaphore, #tpu.memory_space<semaphore_mem>>) src(%dma_wait3A_87 : memref<80x125xi32, #tpu.memory_space<hbm>>) dst(%arg6 : memref<80x125xi32, #tpu.memory_space<vmem>>)
      tpu.yield
    }) : () -> ()
    %run_scoped3A_1 = arith.constant 1 : i32
    "tpu.region"() ({
      %run_scoped3A_72 = tpu.sem_alloc : memref<!tpu.dma_semaphore, #tpu.memory_space<semaphore_mem>>
      %dma_start3A_73 = arith.constant 0 : i32
      %dma_start3A_74 = arith.constant 0 : i32
      %dma_start3A_75 = tpu.memref_slice %arg3[%run_scoped3A_1, %add3A, %dma_start3A_73, %dma_start3A_74] : memref<2x32x80x125xi32, #tpu.memory_space<hbm>> -> memref<1x1x80x125xi32, #tpu.memory_space<hbm>>
      %dma_start3A_76 = tpu.memref_squeeze %dma_start3A_75 : memref<1x1x80x125xi32, #tpu.memory_space<hbm>> -> memref<80x125xi32, #tpu.memory_space<hbm>>
      %dma_start3A_77 = arith.constant 0 : i32
      %dma_start3A_78 = arith.constant 0 : i32
      %dma_start3A_79 = tpu.memref_slice %arg3[%run_scoped3A_1, %add3A, %dma_start3A_77, %dma_start3A_78] : memref<2x32x80x125xi32, #tpu.memory_space<hbm>> -> memref<1x1x80x125xi32, #tpu.memory_space<hbm>>
      %dma_start3A_80 = tpu.memref_squeeze %dma_start3A_79 : memref<1x1x80x125xi32, #tpu.memory_space<hbm>> -> memref<80x125xi32, #tpu.memory_space<hbm>>
      tpu.enqueue_dma source(%dma_start3A_80 : memref<80x125xi32, #tpu.memory_space<hbm>>) target(%arg7 : memref<80x125xi32, #tpu.memory_space<vmem>>) target_semaphore(%run_scoped3A_72 : memref<!tpu.dma_semaphore, #tpu.memory_space<semaphore_mem>>)
      %dma_wait3A = arith.constant 0 : i32
      %dma_wait3A_81 = arith.constant 0 : i32
      %dma_wait3A_82 = tpu.memref_slice %arg3[%run_scoped3A_1, %add3A, %dma_wait3A, %dma_wait3A_81] : memref<2x32x80x125xi32, #tpu.memory_space<hbm>> -> memref<1x1x80x125xi32, #tpu.memory_space<hbm>>
      %dma_wait3A_83 = tpu.memref_squeeze %dma_wait3A_82 : memref<1x1x80x125xi32, #tpu.memory_space<hbm>> -> memref<80x125xi32, #tpu.memory_space<hbm>>
      %dma_wait3A_84 = arith.constant 0 : i32
      %dma_wait3A_85 = arith.constant 0 : i32
      %dma_wait3A_86 = tpu.memref_slice %arg3[%run_scoped3A_1, %add3A, %dma_wait3A_84, %dma_wait3A_85] : memref<2x32x80x125xi32, #tpu.memory_space<hbm>> -> memref<1x1x80x125xi32, #tpu.memory_space<hbm>>
      %dma_wait3A_87 = tpu.memref_squeeze %dma_wait3A_86 : memref<1x1x80x125xi32, #tpu.memory_space<hbm>> -> memref<80x125xi32, #tpu.memory_space<hbm>>
      tpu.wait_dma2 semaphore(%run_scoped3A_72 : memref<!tpu.dma_semaphore, #tpu.memory_space<semaphore_mem>>) src(%dma_wait3A_87 : memref<80x125xi32, #tpu.memory_space<hbm>>) dst(%arg7 : memref<80x125xi32, #tpu.memory_space<vmem>>)
      tpu.yield
    }) : () -> ()
    %mul3A_2 = arith.constant 640 : i32
    %mul3A_3 = arith.muli %arg1, %mul3A_2 : i32
    "tpu.region"() ({
      %run_scoped3A_72 = tpu.sem_alloc : memref<!tpu.dma_semaphore, #tpu.memory_space<semaphore_mem>>
      %dma_start3A_73 = arith.constant 0 : i32
      %dma_start3A_74 = tpu.memref_slice %arg9[%mul3A_3, %dma_start3A_73] : memref<10240x16xf32, #tpu.memory_space<vmem_shared>> -> memref<640x16xf32, #tpu.memory_space<vmem_shared>>
      %dma_start3A_75 = arith.constant 0 : i32
      %dma_start3A_76 = tpu.memref_slice %arg4[%mul3A_3, %dma_start3A_75] : memref<10240x16xf32, #tpu.memory_space<hbm>> -> memref<640x16xf32, #tpu.memory_space<hbm>>
      tpu.enqueue_dma source(%dma_start3A_76 : memref<640x16xf32, #tpu.memory_space<hbm>>) target(%dma_start3A_74 : memref<640x16xf32, #tpu.memory_space<vmem_shared>>) target_semaphore(%run_scoped3A_72 : memref<!tpu.dma_semaphore, #tpu.memory_space<semaphore_mem>>)
      %dma_wait3A = arith.constant 0 : i32
      %dma_wait3A_77 = tpu.memref_slice %arg9[%mul3A_3, %dma_wait3A] : memref<10240x16xf32, #tpu.memory_space<vmem_shared>> -> memref<640x16xf32, #tpu.memory_space<vmem_shared>>
      %dma_wait3A_78 = arith.constant 0 : i32
      %dma_wait3A_79 = tpu.memref_slice %arg4[%mul3A_3, %dma_wait3A_78] : memref<10240x16xf32, #tpu.memory_space<hbm>> -> memref<640x16xf32, #tpu.memory_space<hbm>>
      tpu.wait_dma2 semaphore(%run_scoped3A_72 : memref<!tpu.dma_semaphore, #tpu.memory_space<semaphore_mem>>) src(%dma_wait3A_79 : memref<640x16xf32, #tpu.memory_space<hbm>>) dst(%dma_wait3A_77 : memref<640x16xf32, #tpu.memory_space<vmem_shared>>)
      tpu.yield
    }) : () -> ()
    %barrier3A = arith.constant 0 : index
    tpu.barrier barrier_id(%barrier3A)
    %dma_start3A = arith.constant 0 : i32
    %dma_start3A_4 = arith.constant 0 : i32
    %dma_start3A_5 = arith.constant 0 : i32
    %dma_start3A_6 = arith.constant 0 : i32
    %dma_start3A_7 = tpu.memref_slice %arg8[%dma_start3A_4, %dma_start3A_5, %dma_start3A_6] : memref<5x125x16xf32, #tpu.memory_space<vmem>> -> memref<1x125x16xf32, #tpu.memory_space<vmem>>
    %dma_start3A_8 = tpu.memref_squeeze %dma_start3A_7 : memref<1x125x16xf32, #tpu.memory_space<vmem>> -> memref<125x16xf32, #tpu.memory_space<vmem>>
    %dma_start3A_9 = arith.constant 0 : i32
    %dma_start3A_10 = tpu.memref_slice %arg6[%dma_start3A, %dma_start3A_9] : memref<80x125xi32, #tpu.memory_space<vmem>> -> memref<1x125xi32, #tpu.memory_space<vmem>>
    %dma_start3A_11 = tpu.memref_squeeze %dma_start3A_10 : memref<1x125xi32, #tpu.memory_space<vmem>> -> memref<125xi32, #tpu.memory_space<vmem>>
    %dma_start3A_12 = arith.constant 0 : i32
    %dma_start3A_13 = arith.constant 0 : i32
    %dma_start3A_14 = tpu.memref_slice %arg2[%dma_start3A_12, %dma_start3A_13] : memref<10000x16xf32, #tpu.memory_space<hbm>> -> memref<10000x16xf32, #tpu.memory_space<hbm>>
    tpu.enqueue_indirect_dma source(%dma_start3A_14 : memref<10000x16xf32, #tpu.memory_space<hbm>>) target(%dma_start3A_8 : memref<125x16xf32, #tpu.memory_space<vmem>>) offsets(%dma_start3A_11 : memref<125xi32, #tpu.memory_space<vmem>>) semaphore(%arg10 : memref<!tpu.dma_semaphore, #tpu.memory_space<semaphore_mem>>)
    %dma_start3A_15 = arith.constant 1 : i32
    %dma_start3A_16 = arith.constant 1 : i32
    %dma_start3A_17 = arith.constant 0 : i32
    %dma_start3A_18 = arith.constant 0 : i32
    %dma_start3A_19 = tpu.memref_slice %arg8[%dma_start3A_16, %dma_start3A_17, %dma_start3A_18] : memref<5x125x16xf32, #tpu.memory_space<vmem>> -> memref<1x125x16xf32, #tpu.memory_space<vmem>>
    %dma_start3A_20 = tpu.memref_squeeze %dma_start3A_19 : memref<1x125x16xf32, #tpu.memory_space<vmem>> -> memref<125x16xf32, #tpu.memory_space<vmem>>
    %dma_start3A_21 = arith.constant 0 : i32
    %dma_start3A_22 = tpu.memref_slice %arg6[%dma_start3A_15, %dma_start3A_21] : memref<80x125xi32, #tpu.memory_space<vmem>> -> memref<1x125xi32, #tpu.memory_space<vmem>>
    %dma_start3A_23 = tpu.memref_squeeze %dma_start3A_22 : memref<1x125xi32, #tpu.memory_space<vmem>> -> memref<125xi32, #tpu.memory_space<vmem>>
    %dma_start3A_24 = arith.constant 0 : i32
    %dma_start3A_25 = arith.constant 0 : i32
    %dma_start3A_26 = tpu.memref_slice %arg2[%dma_start3A_24, %dma_start3A_25] : memref<10000x16xf32, #tpu.memory_space<hbm>> -> memref<10000x16xf32, #tpu.memory_space<hbm>>
    tpu.enqueue_indirect_dma source(%dma_start3A_26 : memref<10000x16xf32, #tpu.memory_space<hbm>>) target(%dma_start3A_20 : memref<125x16xf32, #tpu.memory_space<vmem>>) offsets(%dma_start3A_23 : memref<125xi32, #tpu.memory_space<vmem>>) semaphore(%arg11 : memref<!tpu.dma_semaphore, #tpu.memory_space<semaphore_mem>>)
    %dma_start3A_27 = arith.constant 2 : i32
    %dma_start3A_28 = arith.constant 2 : i32
    %dma_start3A_29 = arith.constant 0 : i32
    %dma_start3A_30 = arith.constant 0 : i32
    %dma_start3A_31 = tpu.memref_slice %arg8[%dma_start3A_28, %dma_start3A_29, %dma_start3A_30] : memref<5x125x16xf32, #tpu.memory_space<vmem>> -> memref<1x125x16xf32, #tpu.memory_space<vmem>>
    %dma_start3A_32 = tpu.memref_squeeze %dma_start3A_31 : memref<1x125x16xf32, #tpu.memory_space<vmem>> -> memref<125x16xf32, #tpu.memory_space<vmem>>
    %dma_start3A_33 = arith.constant 0 : i32
    %dma_start3A_34 = tpu.memref_slice %arg6[%dma_start3A_27, %dma_start3A_33] : memref<80x125xi32, #tpu.memory_space<vmem>> -> memref<1x125xi32, #tpu.memory_space<vmem>>
    %dma_start3A_35 = tpu.memref_squeeze %dma_start3A_34 : memref<1x125xi32, #tpu.memory_space<vmem>> -> memref<125xi32, #tpu.memory_space<vmem>>
    %dma_start3A_36 = arith.constant 0 : i32
    %dma_start3A_37 = arith.constant 0 : i32
    %dma_start3A_38 = tpu.memref_slice %arg2[%dma_start3A_36, %dma_start3A_37] : memref<10000x16xf32, #tpu.memory_space<hbm>> -> memref<10000x16xf32, #tpu.memory_space<hbm>>
    tpu.enqueue_indirect_dma source(%dma_start3A_38 : memref<10000x16xf32, #tpu.memory_space<hbm>>) target(%dma_start3A_32 : memref<125x16xf32, #tpu.memory_space<vmem>>) offsets(%dma_start3A_35 : memref<125xi32, #tpu.memory_space<vmem>>) semaphore(%arg12 : memref<!tpu.dma_semaphore, #tpu.memory_space<semaphore_mem>>)
    %dma_start3A_39 = arith.constant 3 : i32
    %dma_start3A_40 = arith.constant 3 : i32
    %dma_start3A_41 = arith.constant 0 : i32
    %dma_start3A_42 = arith.constant 0 : i32
    %dma_start3A_43 = tpu.memref_slice %arg8[%dma_start3A_40, %dma_start3A_41, %dma_start3A_42] : memref<5x125x16xf32, #tpu.memory_space<vmem>> -> memref<1x125x16xf32, #tpu.memory_space<vmem>>
    %dma_start3A_44 = tpu.memref_squeeze %dma_start3A_43 : memref<1x125x16xf32, #tpu.memory_space<vmem>> -> memref<125x16xf32, #tpu.memory_space<vmem>>
    %dma_start3A_45 = arith.constant 0 : i32
    %dma_start3A_46 = tpu.memref_slice %arg6[%dma_start3A_39, %dma_start3A_45] : memref<80x125xi32, #tpu.memory_space<vmem>> -> memref<1x125xi32, #tpu.memory_space<vmem>>
    %dma_start3A_47 = tpu.memref_squeeze %dma_start3A_46 : memref<1x125xi32, #tpu.memory_space<vmem>> -> memref<125xi32, #tpu.memory_space<vmem>>
    %dma_start3A_48 = arith.constant 0 : i32
    %dma_start3A_49 = arith.constant 0 : i32
    %dma_start3A_50 = tpu.memref_slice %arg2[%dma_start3A_48, %dma_start3A_49] : memref<10000x16xf32, #tpu.memory_space<hbm>> -> memref<10000x16xf32, #tpu.memory_space<hbm>>
    tpu.enqueue_indirect_dma source(%dma_start3A_50 : memref<10000x16xf32, #tpu.memory_space<hbm>>) target(%dma_start3A_44 : memref<125x16xf32, #tpu.memory_space<vmem>>) offsets(%dma_start3A_47 : memref<125xi32, #tpu.memory_space<vmem>>) semaphore(%arg13 : memref<!tpu.dma_semaphore, #tpu.memory_space<semaphore_mem>>)
    %dma_start3A_51 = arith.constant 4 : i32
    %dma_start3A_52 = arith.constant 4 : i32
    %dma_start3A_53 = arith.constant 0 : i32
    %dma_start3A_54 = arith.constant 0 : i32
    %dma_start3A_55 = tpu.memref_slice %arg8[%dma_start3A_52, %dma_start3A_53, %dma_start3A_54] : memref<5x125x16xf32, #tpu.memory_space<vmem>> -> memref<1x125x16xf32, #tpu.memory_space<vmem>>
    %dma_start3A_56 = tpu.memref_squeeze %dma_start3A_55 : memref<1x125x16xf32, #tpu.memory_space<vmem>> -> memref<125x16xf32, #tpu.memory_space<vmem>>
    %dma_start3A_57 = arith.constant 0 : i32
    %dma_start3A_58 = tpu.memref_slice %arg6[%dma_start3A_51, %dma_start3A_57] : memref<80x125xi32, #tpu.memory_space<vmem>> -> memref<1x125xi32, #tpu.memory_space<vmem>>
    %dma_start3A_59 = tpu.memref_squeeze %dma_start3A_58 : memref<1x125xi32, #tpu.memory_space<vmem>> -> memref<125xi32, #tpu.memory_space<vmem>>
    %dma_start3A_60 = arith.constant 0 : i32
    %dma_start3A_61 = arith.constant 0 : i32
    %dma_start3A_62 = tpu.memref_slice %arg2[%dma_start3A_60, %dma_start3A_61] : memref<10000x16xf32, #tpu.memory_space<hbm>> -> memref<10000x16xf32, #tpu.memory_space<hbm>>
    tpu.enqueue_indirect_dma source(%dma_start3A_62 : memref<10000x16xf32, #tpu.memory_space<hbm>>) target(%dma_start3A_56 : memref<125x16xf32, #tpu.memory_space<vmem>>) offsets(%dma_start3A_59 : memref<125xi32, #tpu.memory_space<vmem>>) semaphore(%arg14 : memref<!tpu.dma_semaphore, #tpu.memory_space<semaphore_mem>>)
    %scan3A = arith.constant 0 : i32
    %scan3A_63 = arith.constant 0 : i32
    %scan3A_64 = arith.constant 16 : i32
    %scan3A_65 = arith.addi %scan3A_63, %scan3A_64 : i32
    %scan3A_66 = arith.constant 1 : i32
    scf.for %scan3A_72 = %scan3A_63 to %scan3A_65 step %scan3A_66  : i32 {
      %mul3A_73 = arith.constant 5 : i32
      %mul3A_74 = arith.muli %scan3A_72, %mul3A_73 : i32
      %add3A_75 = arith.constant 0 : i32
      %add3A_76 = arith.addi %mul3A_74, %add3A_75 : i32
      %dma_wait3A = arith.constant 0 : i32
      %dma_wait3A_77 = arith.constant 0 : i32
      %dma_wait3A_78 = arith.constant 0 : i32
      %dma_wait3A_79 = arith.constant 0 : i32
      %dma_wait3A_80 = tpu.memref_slice %arg8[%dma_wait3A_77, %dma_wait3A_78, %dma_wait3A_79] : memref<5x125x16xf32, #tpu.memory_space<vmem>> -> memref<1x125x16xf32, #tpu.memory_space<vmem>>
      %dma_wait3A_81 = tpu.memref_squeeze %dma_wait3A_80 : memref<1x125x16xf32, #tpu.memory_space<vmem>> -> memref<125x16xf32, #tpu.memory_space<vmem>>
      %dma_wait3A_82 = arith.constant 0 : i32
      %dma_wait3A_83 = tpu.memref_slice %arg6[%dma_wait3A, %dma_wait3A_82] : memref<80x125xi32, #tpu.memory_space<vmem>> -> memref<1x125xi32, #tpu.memory_space<vmem>>
      %dma_wait3A_84 = tpu.memref_squeeze %dma_wait3A_83 : memref<1x125xi32, #tpu.memory_space<vmem>> -> memref<125xi32, #tpu.memory_space<vmem>>
      %dma_wait3A_85 = arith.constant 0 : i32
      %dma_wait3A_86 = arith.constant 0 : i32
      %dma_wait3A_87 = tpu.memref_slice %arg2[%dma_wait3A_85, %dma_wait3A_86] : memref<10000x16xf32, #tpu.memory_space<hbm>> -> memref<10000x16xf32, #tpu.memory_space<hbm>>
      tpu.wait_indirect_dma semaphore(%arg10 : memref<!tpu.dma_semaphore, #tpu.memory_space<semaphore_mem>>) src(%dma_wait3A_87 : memref<10000x16xf32, #tpu.memory_space<hbm>>) dst(%dma_wait3A_81 : memref<125x16xf32, #tpu.memory_space<vmem>>)
      %run_scoped3A_88 = arith.constant 0 : i32
      "tpu.region"() ({
        %run_scoped3A_189 = tpu.sem_alloc : memref<!tpu.dma_semaphore, #tpu.memory_space<semaphore_mem>>
        %dma_start3A_190 = arith.constant 0 : i32
        %dma_start3A_191 = arith.constant 0 : i32
        %dma_start3A_192 = tpu.memref_slice %arg8[%run_scoped3A_88, %dma_start3A_190, %dma_start3A_191] : memref<5x125x16xf32, #tpu.memory_space<vmem>> -> memref<1x125x16xf32, #tpu.memory_space<vmem>>
        %dma_start3A_193 = tpu.memref_squeeze %dma_start3A_192 : memref<1x125x16xf32, #tpu.memory_space<vmem>> -> memref<125x16xf32, #tpu.memory_space<vmem>>
        %dma_start3A_194 = arith.constant 0 : i32
        %dma_start3A_195 = tpu.memref_slice %arg7[%add3A_76, %dma_start3A_194] : memref<80x125xi32, #tpu.memory_space<vmem>> -> memref<1x125xi32, #tpu.memory_space<vmem>>
        %dma_start3A_196 = tpu.memref_squeeze %dma_start3A_195 : memref<1x125xi32, #tpu.memory_space<vmem>> -> memref<125xi32, #tpu.memory_space<vmem>>
        %dma_start3A_197 = arith.constant 0 : i32
        %dma_start3A_198 = arith.constant 0 : i32
        %dma_start3A_199 = tpu.memref_slice %arg9[%dma_start3A_197, %dma_start3A_198] : memref<10240x16xf32, #tpu.memory_space<vmem_shared>> -> memref<10240x16xf32, #tpu.memory_space<vmem_shared>>
        tpu.enqueue_indirect_dma source(%dma_start3A_193 : memref<125x16xf32, #tpu.memory_space<vmem>>) target(%dma_start3A_199 : memref<10240x16xf32, #tpu.memory_space<vmem_shared>>) offsets(%dma_start3A_196 : memref<125xi32, #tpu.memory_space<vmem>>) semaphore(%run_scoped3A_189 : memref<!tpu.dma_semaphore, #tpu.memory_space<semaphore_mem>>) {add = true}
        %dma_wait3A_200 = arith.constant 0 : i32
        %dma_wait3A_201 = arith.constant 0 : i32
        %dma_wait3A_202 = tpu.memref_slice %arg8[%run_scoped3A_88, %dma_wait3A_200, %dma_wait3A_201] : memref<5x125x16xf32, #tpu.memory_space<vmem>> -> memref<1x125x16xf32, #tpu.memory_space<vmem>>
        %dma_wait3A_203 = tpu.memref_squeeze %dma_wait3A_202 : memref<1x125x16xf32, #tpu.memory_space<vmem>> -> memref<125x16xf32, #tpu.memory_space<vmem>>
        %dma_wait3A_204 = arith.constant 0 : i32
        %dma_wait3A_205 = tpu.memref_slice %arg7[%add3A_76, %dma_wait3A_204] : memref<80x125xi32, #tpu.memory_space<vmem>> -> memref<1x125xi32, #tpu.memory_space<vmem>>
        %dma_wait3A_206 = tpu.memref_squeeze %dma_wait3A_205 : memref<1x125xi32, #tpu.memory_space<vmem>> -> memref<125xi32, #tpu.memory_space<vmem>>
        %dma_wait3A_207 = arith.constant 0 : i32
        %dma_wait3A_208 = arith.constant 0 : i32
        %dma_wait3A_209 = tpu.memref_slice %arg9[%dma_wait3A_207, %dma_wait3A_208] : memref<10240x16xf32, #tpu.memory_space<vmem_shared>> -> memref<10240x16xf32, #tpu.memory_space<vmem_shared>>
        tpu.wait_indirect_dma semaphore(%run_scoped3A_189 : memref<!tpu.dma_semaphore, #tpu.memory_space<semaphore_mem>>) src(%dma_wait3A_203 : memref<125x16xf32, #tpu.memory_space<vmem>>) dst(%dma_wait3A_209 : memref<10240x16xf32, #tpu.memory_space<vmem_shared>>)
        tpu.yield
      }) : () -> ()
      %add3A_89 = arith.constant 5 : i32
      %add3A_90 = arith.addi %add3A_76, %add3A_89 : i32
      %lt3A = arith.constant 80 : i32
      %lt3A_91 = arith.cmpi slt, %add3A_90, %lt3A : i32
      %convert_element_type3A = arith.extui %lt3A_91 : i1 to i32
      %cond3A = arith.constant 0 : i32
      %cond3A_92 = arith.cmpi ne, %convert_element_type3A, %cond3A : i32
      scf.if %cond3A_92 {
        %add3A_189 = arith.constant 5 : i32
        %add3A_190 = arith.addi %add3A_76, %add3A_189 : i32
        %dma_start3A_191 = arith.constant 0 : i32
        %dma_start3A_192 = arith.constant 0 : i32
        %dma_start3A_193 = arith.constant 0 : i32
        %dma_start3A_194 = tpu.memref_slice %arg8[%dma_start3A_191, %dma_start3A_192, %dma_start3A_193] : memref<5x125x16xf32, #tpu.memory_space<vmem>> -> memref<1x125x16xf32, #tpu.memory_space<vmem>>
        %dma_start3A_195 = tpu.memref_squeeze %dma_start3A_194 : memref<1x125x16xf32, #tpu.memory_space<vmem>> -> memref<125x16xf32, #tpu.memory_space<vmem>>
        %dma_start3A_196 = arith.constant 0 : i32
        %dma_start3A_197 = tpu.memref_slice %arg6[%add3A_190, %dma_start3A_196] : memref<80x125xi32, #tpu.memory_space<vmem>> -> memref<1x125xi32, #tpu.memory_space<vmem>>
        %dma_start3A_198 = tpu.memref_squeeze %dma_start3A_197 : memref<1x125xi32, #tpu.memory_space<vmem>> -> memref<125xi32, #tpu.memory_space<vmem>>
        %dma_start3A_199 = arith.constant 0 : i32
        %dma_start3A_200 = arith.constant 0 : i32
        %dma_start3A_201 = tpu.memref_slice %arg2[%dma_start3A_199, %dma_start3A_200] : memref<10000x16xf32, #tpu.memory_space<hbm>> -> memref<10000x16xf32, #tpu.memory_space<hbm>>
        tpu.enqueue_indirect_dma source(%dma_start3A_201 : memref<10000x16xf32, #tpu.memory_space<hbm>>) target(%dma_start3A_195 : memref<125x16xf32, #tpu.memory_space<vmem>>) offsets(%dma_start3A_198 : memref<125xi32, #tpu.memory_space<vmem>>) semaphore(%arg10 : memref<!tpu.dma_semaphore, #tpu.memory_space<semaphore_mem>>)
      } else {
      }
      %mul3A_93 = arith.constant 5 : i32
      %mul3A_94 = arith.muli %scan3A_72, %mul3A_93 : i32
      %add3A_95 = arith.constant 1 : i32
      %add3A_96 = arith.addi %mul3A_94, %add3A_95 : i32
      %dma_wait3A_97 = arith.constant 0 : i32
      %dma_wait3A_98 = arith.constant 1 : i32
      %dma_wait3A_99 = arith.constant 0 : i32
      %dma_wait3A_100 = arith.constant 0 : i32
      %dma_wait3A_101 = tpu.memref_slice %arg8[%dma_wait3A_98, %dma_wait3A_99, %dma_wait3A_100] : memref<5x125x16xf32, #tpu.memory_space<vmem>> -> memref<1x125x16xf32, #tpu.memory_space<vmem>>
      %dma_wait3A_102 = tpu.memref_squeeze %dma_wait3A_101 : memref<1x125x16xf32, #tpu.memory_space<vmem>> -> memref<125x16xf32, #tpu.memory_space<vmem>>
      %dma_wait3A_103 = arith.constant 0 : i32
      %dma_wait3A_104 = tpu.memref_slice %arg6[%dma_wait3A_97, %dma_wait3A_103] : memref<80x125xi32, #tpu.memory_space<vmem>> -> memref<1x125xi32, #tpu.memory_space<vmem>>
      %dma_wait3A_105 = tpu.memref_squeeze %dma_wait3A_104 : memref<1x125xi32, #tpu.memory_space<vmem>> -> memref<125xi32, #tpu.memory_space<vmem>>
      %dma_wait3A_106 = arith.constant 0 : i32
      %dma_wait3A_107 = arith.constant 0 : i32
      %dma_wait3A_108 = tpu.memref_slice %arg2[%dma_wait3A_106, %dma_wait3A_107] : memref<10000x16xf32, #tpu.memory_space<hbm>> -> memref<10000x16xf32, #tpu.memory_space<hbm>>
      tpu.wait_indirect_dma semaphore(%arg11 : memref<!tpu.dma_semaphore, #tpu.memory_space<semaphore_mem>>) src(%dma_wait3A_108 : memref<10000x16xf32, #tpu.memory_space<hbm>>) dst(%dma_wait3A_102 : memref<125x16xf32, #tpu.memory_space<vmem>>)
      %run_scoped3A_109 = arith.constant 1 : i32
      "tpu.region"() ({
        %run_scoped3A_189 = tpu.sem_alloc : memref<!tpu.dma_semaphore, #tpu.memory_space<semaphore_mem>>
        %dma_start3A_190 = arith.constant 0 : i32
        %dma_start3A_191 = arith.constant 0 : i32
        %dma_start3A_192 = tpu.memref_slice %arg8[%run_scoped3A_109, %dma_start3A_190, %dma_start3A_191] : memref<5x125x16xf32, #tpu.memory_space<vmem>> -> memref<1x125x16xf32, #tpu.memory_space<vmem>>
        %dma_start3A_193 = tpu.memref_squeeze %dma_start3A_192 : memref<1x125x16xf32, #tpu.memory_space<vmem>> -> memref<125x16xf32, #tpu.memory_space<vmem>>
        %dma_start3A_194 = arith.constant 0 : i32
        %dma_start3A_195 = tpu.memref_slice %arg7[%add3A_96, %dma_start3A_194] : memref<80x125xi32, #tpu.memory_space<vmem>> -> memref<1x125xi32, #tpu.memory_space<vmem>>
        %dma_start3A_196 = tpu.memref_squeeze %dma_start3A_195 : memref<1x125xi32, #tpu.memory_space<vmem>> -> memref<125xi32, #tpu.memory_space<vmem>>
        %dma_start3A_197 = arith.constant 0 : i32
        %dma_start3A_198 = arith.constant 0 : i32
        %dma_start3A_199 = tpu.memref_slice %arg9[%dma_start3A_197, %dma_start3A_198] : memref<10240x16xf32, #tpu.memory_space<vmem_shared>> -> memref<10240x16xf32, #tpu.memory_space<vmem_shared>>
        tpu.enqueue_indirect_dma source(%dma_start3A_193 : memref<125x16xf32, #tpu.memory_space<vmem>>) target(%dma_start3A_199 : memref<10240x16xf32, #tpu.memory_space<vmem_shared>>) offsets(%dma_start3A_196 : memref<125xi32, #tpu.memory_space<vmem>>) semaphore(%run_scoped3A_189 : memref<!tpu.dma_semaphore, #tpu.memory_space<semaphore_mem>>) {add = true}
        %dma_wait3A_200 = arith.constant 0 : i32
        %dma_wait3A_201 = arith.constant 0 : i32
        %dma_wait3A_202 = tpu.memref_slice %arg8[%run_scoped3A_109, %dma_wait3A_200, %dma_wait3A_201] : memref<5x125x16xf32, #tpu.memory_space<vmem>> -> memref<1x125x16xf32, #tpu.memory_space<vmem>>
        %dma_wait3A_203 = tpu.memref_squeeze %dma_wait3A_202 : memref<1x125x16xf32, #tpu.memory_space<vmem>> -> memref<125x16xf32, #tpu.memory_space<vmem>>
        %dma_wait3A_204 = arith.constant 0 : i32
        %dma_wait3A_205 = tpu.memref_slice %arg7[%add3A_96, %dma_wait3A_204] : memref<80x125xi32, #tpu.memory_space<vmem>> -> memref<1x125xi32, #tpu.memory_space<vmem>>
        %dma_wait3A_206 = tpu.memref_squeeze %dma_wait3A_205 : memref<1x125xi32, #tpu.memory_space<vmem>> -> memref<125xi32, #tpu.memory_space<vmem>>
        %dma_wait3A_207 = arith.constant 0 : i32
        %dma_wait3A_208 = arith.constant 0 : i32
        %dma_wait3A_209 = tpu.memref_slice %arg9[%dma_wait3A_207, %dma_wait3A_208] : memref<10240x16xf32, #tpu.memory_space<vmem_shared>> -> memref<10240x16xf32, #tpu.memory_space<vmem_shared>>
        tpu.wait_indirect_dma semaphore(%run_scoped3A_189 : memref<!tpu.dma_semaphore, #tpu.memory_space<semaphore_mem>>) src(%dma_wait3A_203 : memref<125x16xf32, #tpu.memory_space<vmem>>) dst(%dma_wait3A_209 : memref<10240x16xf32, #tpu.memory_space<vmem_shared>>)
        tpu.yield
      }) : () -> ()
      %add3A_110 = arith.constant 5 : i32
      %add3A_111 = arith.addi %add3A_96, %add3A_110 : i32
      %lt3A_112 = arith.constant 80 : i32
      %lt3A_113 = arith.cmpi slt, %add3A_111, %lt3A_112 : i32
      %convert_element_type3A_114 = arith.extui %lt3A_113 : i1 to i32
      %cond3A_115 = arith.constant 0 : i32
      %cond3A_116 = arith.cmpi ne, %convert_element_type3A_114, %cond3A_115 : i32
      scf.if %cond3A_116 {
        %add3A_189 = arith.constant 5 : i32
        %add3A_190 = arith.addi %add3A_96, %add3A_189 : i32
        %dma_start3A_191 = arith.constant 1 : i32
        %dma_start3A_192 = arith.constant 0 : i32
        %dma_start3A_193 = arith.constant 0 : i32
        %dma_start3A_194 = tpu.memref_slice %arg8[%dma_start3A_191, %dma_start3A_192, %dma_start3A_193] : memref<5x125x16xf32, #tpu.memory_space<vmem>> -> memref<1x125x16xf32, #tpu.memory_space<vmem>>
        %dma_start3A_195 = tpu.memref_squeeze %dma_start3A_194 : memref<1x125x16xf32, #tpu.memory_space<vmem>> -> memref<125x16xf32, #tpu.memory_space<vmem>>
        %dma_start3A_196 = arith.constant 0 : i32
        %dma_start3A_197 = tpu.memref_slice %arg6[%add3A_190, %dma_start3A_196] : memref<80x125xi32, #tpu.memory_space<vmem>> -> memref<1x125xi32, #tpu.memory_space<vmem>>
        %dma_start3A_198 = tpu.memref_squeeze %dma_start3A_197 : memref<1x125xi32, #tpu.memory_space<vmem>> -> memref<125xi32, #tpu.memory_space<vmem>>
        %dma_start3A_199 = arith.constant 0 : i32
        %dma_start3A_200 = arith.constant 0 : i32
        %dma_start3A_201 = tpu.memref_slice %arg2[%dma_start3A_199, %dma_start3A_200] : memref<10000x16xf32, #tpu.memory_space<hbm>> -> memref<10000x16xf32, #tpu.memory_space<hbm>>
        tpu.enqueue_indirect_dma source(%dma_start3A_201 : memref<10000x16xf32, #tpu.memory_space<hbm>>) target(%dma_start3A_195 : memref<125x16xf32, #tpu.memory_space<vmem>>) offsets(%dma_start3A_198 : memref<125xi32, #tpu.memory_space<vmem>>) semaphore(%arg11 : memref<!tpu.dma_semaphore, #tpu.memory_space<semaphore_mem>>)
      } else {
      }
      %mul3A_117 = arith.constant 5 : i32
      %mul3A_118 = arith.muli %scan3A_72, %mul3A_117 : i32
      %add3A_119 = arith.constant 2 : i32
      %add3A_120 = arith.addi %mul3A_118, %add3A_119 : i32
      %dma_wait3A_121 = arith.constant 0 : i32
      %dma_wait3A_122 = arith.constant 2 : i32
      %dma_wait3A_123 = arith.constant 0 : i32
      %dma_wait3A_124 = arith.constant 0 : i32
      %dma_wait3A_125 = tpu.memref_slice %arg8[%dma_wait3A_122, %dma_wait3A_123, %dma_wait3A_124] : memref<5x125x16xf32, #tpu.memory_space<vmem>> -> memref<1x125x16xf32, #tpu.memory_space<vmem>>
      %dma_wait3A_126 = tpu.memref_squeeze %dma_wait3A_125 : memref<1x125x16xf32, #tpu.memory_space<vmem>> -> memref<125x16xf32, #tpu.memory_space<vmem>>
      %dma_wait3A_127 = arith.constant 0 : i32
      %dma_wait3A_128 = tpu.memref_slice %arg6[%dma_wait3A_121, %dma_wait3A_127] : memref<80x125xi32, #tpu.memory_space<vmem>> -> memref<1x125xi32, #tpu.memory_space<vmem>>
      %dma_wait3A_129 = tpu.memref_squeeze %dma_wait3A_128 : memref<1x125xi32, #tpu.memory_space<vmem>> -> memref<125xi32, #tpu.memory_space<vmem>>
      %dma_wait3A_130 = arith.constant 0 : i32
      %dma_wait3A_131 = arith.constant 0 : i32
      %dma_wait3A_132 = tpu.memref_slice %arg2[%dma_wait3A_130, %dma_wait3A_131] : memref<10000x16xf32, #tpu.memory_space<hbm>> -> memref<10000x16xf32, #tpu.memory_space<hbm>>
      tpu.wait_indirect_dma semaphore(%arg12 : memref<!tpu.dma_semaphore, #tpu.memory_space<semaphore_mem>>) src(%dma_wait3A_132 : memref<10000x16xf32, #tpu.memory_space<hbm>>) dst(%dma_wait3A_126 : memref<125x16xf32, #tpu.memory_space<vmem>>)
      %run_scoped3A_133 = arith.constant 2 : i32
      "tpu.region"() ({
        %run_scoped3A_189 = tpu.sem_alloc : memref<!tpu.dma_semaphore, #tpu.memory_space<semaphore_mem>>
        %dma_start3A_190 = arith.constant 0 : i32
        %dma_start3A_191 = arith.constant 0 : i32
        %dma_start3A_192 = tpu.memref_slice %arg8[%run_scoped3A_133, %dma_start3A_190, %dma_start3A_191] : memref<5x125x16xf32, #tpu.memory_space<vmem>> -> memref<1x125x16xf32, #tpu.memory_space<vmem>>
        %dma_start3A_193 = tpu.memref_squeeze %dma_start3A_192 : memref<1x125x16xf32, #tpu.memory_space<vmem>> -> memref<125x16xf32, #tpu.memory_space<vmem>>
        %dma_start3A_194 = arith.constant 0 : i32
        %dma_start3A_195 = tpu.memref_slice %arg7[%add3A_120, %dma_start3A_194] : memref<80x125xi32, #tpu.memory_space<vmem>> -> memref<1x125xi32, #tpu.memory_space<vmem>>
        %dma_start3A_196 = tpu.memref_squeeze %dma_start3A_195 : memref<1x125xi32, #tpu.memory_space<vmem>> -> memref<125xi32, #tpu.memory_space<vmem>>
        %dma_start3A_197 = arith.constant 0 : i32
        %dma_start3A_198 = arith.constant 0 : i32
        %dma_start3A_199 = tpu.memref_slice %arg9[%dma_start3A_197, %dma_start3A_198] : memref<10240x16xf32, #tpu.memory_space<vmem_shared>> -> memref<10240x16xf32, #tpu.memory_space<vmem_shared>>
        tpu.enqueue_indirect_dma source(%dma_start3A_193 : memref<125x16xf32, #tpu.memory_space<vmem>>) target(%dma_start3A_199 : memref<10240x16xf32, #tpu.memory_space<vmem_shared>>) offsets(%dma_start3A_196 : memref<125xi32, #tpu.memory_space<vmem>>) semaphore(%run_scoped3A_189 : memref<!tpu.dma_semaphore, #tpu.memory_space<semaphore_mem>>) {add = true}
        %dma_wait3A_200 = arith.constant 0 : i32
        %dma_wait3A_201 = arith.constant 0 : i32
        %dma_wait3A_202 = tpu.memref_slice %arg8[%run_scoped3A_133, %dma_wait3A_200, %dma_wait3A_201] : memref<5x125x16xf32, #tpu.memory_space<vmem>> -> memref<1x125x16xf32, #tpu.memory_space<vmem>>
        %dma_wait3A_203 = tpu.memref_squeeze %dma_wait3A_202 : memref<1x125x16xf32, #tpu.memory_space<vmem>> -> memref<125x16xf32, #tpu.memory_space<vmem>>
        %dma_wait3A_204 = arith.constant 0 : i32
        %dma_wait3A_205 = tpu.memref_slice %arg7[%add3A_120, %dma_wait3A_204] : memref<80x125xi32, #tpu.memory_space<vmem>> -> memref<1x125xi32, #tpu.memory_space<vmem>>
        %dma_wait3A_206 = tpu.memref_squeeze %dma_wait3A_205 : memref<1x125xi32, #tpu.memory_space<vmem>> -> memref<125xi32, #tpu.memory_space<vmem>>
        %dma_wait3A_207 = arith.constant 0 : i32
        %dma_wait3A_208 = arith.constant 0 : i32
        %dma_wait3A_209 = tpu.memref_slice %arg9[%dma_wait3A_207, %dma_wait3A_208] : memref<10240x16xf32, #tpu.memory_space<vmem_shared>> -> memref<10240x16xf32, #tpu.memory_space<vmem_shared>>
        tpu.wait_indirect_dma semaphore(%run_scoped3A_189 : memref<!tpu.dma_semaphore, #tpu.memory_space<semaphore_mem>>) src(%dma_wait3A_203 : memref<125x16xf32, #tpu.memory_space<vmem>>) dst(%dma_wait3A_209 : memref<10240x16xf32, #tpu.memory_space<vmem_shared>>)
        tpu.yield
      }) : () -> ()
      %add3A_134 = arith.constant 5 : i32
      %add3A_135 = arith.addi %add3A_120, %add3A_134 : i32
      %lt3A_136 = arith.constant 80 : i32
      %lt3A_137 = arith.cmpi slt, %add3A_135, %lt3A_136 : i32
      %convert_element_type3A_138 = arith.extui %lt3A_137 : i1 to i32
      %cond3A_139 = arith.constant 0 : i32
      %cond3A_140 = arith.cmpi ne, %convert_element_type3A_138, %cond3A_139 : i32
      scf.if %cond3A_140 {
        %add3A_189 = arith.constant 5 : i32
        %add3A_190 = arith.addi %add3A_120, %add3A_189 : i32
        %dma_start3A_191 = arith.constant 2 : i32
        %dma_start3A_192 = arith.constant 0 : i32
        %dma_start3A_193 = arith.constant 0 : i32
        %dma_start3A_194 = tpu.memref_slice %arg8[%dma_start3A_191, %dma_start3A_192, %dma_start3A_193] : memref<5x125x16xf32, #tpu.memory_space<vmem>> -> memref<1x125x16xf32, #tpu.memory_space<vmem>>
        %dma_start3A_195 = tpu.memref_squeeze %dma_start3A_194 : memref<1x125x16xf32, #tpu.memory_space<vmem>> -> memref<125x16xf32, #tpu.memory_space<vmem>>
        %dma_start3A_196 = arith.constant 0 : i32
        %dma_start3A_197 = tpu.memref_slice %arg6[%add3A_190, %dma_start3A_196] : memref<80x125xi32, #tpu.memory_space<vmem>> -> memref<1x125xi32, #tpu.memory_space<vmem>>
        %dma_start3A_198 = tpu.memref_squeeze %dma_start3A_197 : memref<1x125xi32, #tpu.memory_space<vmem>> -> memref<125xi32, #tpu.memory_space<vmem>>
        %dma_start3A_199 = arith.constant 0 : i32
        %dma_start3A_200 = arith.constant 0 : i32
        %dma_start3A_201 = tpu.memref_slice %arg2[%dma_start3A_199, %dma_start3A_200] : memref<10000x16xf32, #tpu.memory_space<hbm>> -> memref<10000x16xf32, #tpu.memory_space<hbm>>
        tpu.enqueue_indirect_dma source(%dma_start3A_201 : memref<10000x16xf32, #tpu.memory_space<hbm>>) target(%dma_start3A_195 : memref<125x16xf32, #tpu.memory_space<vmem>>) offsets(%dma_start3A_198 : memref<125xi32, #tpu.memory_space<vmem>>) semaphore(%arg12 : memref<!tpu.dma_semaphore, #tpu.memory_space<semaphore_mem>>)
      } else {
      }
      %mul3A_141 = arith.constant 5 : i32
      %mul3A_142 = arith.muli %scan3A_72, %mul3A_141 : i32
      %add3A_143 = arith.constant 3 : i32
      %add3A_144 = arith.addi %mul3A_142, %add3A_143 : i32
      %dma_wait3A_145 = arith.constant 0 : i32
      %dma_wait3A_146 = arith.constant 3 : i32
      %dma_wait3A_147 = arith.constant 0 : i32
      %dma_wait3A_148 = arith.constant 0 : i32
      %dma_wait3A_149 = tpu.memref_slice %arg8[%dma_wait3A_146, %dma_wait3A_147, %dma_wait3A_148] : memref<5x125x16xf32, #tpu.memory_space<vmem>> -> memref<1x125x16xf32, #tpu.memory_space<vmem>>
      %dma_wait3A_150 = tpu.memref_squeeze %dma_wait3A_149 : memref<1x125x16xf32, #tpu.memory_space<vmem>> -> memref<125x16xf32, #tpu.memory_space<vmem>>
      %dma_wait3A_151 = arith.constant 0 : i32
      %dma_wait3A_152 = tpu.memref_slice %arg6[%dma_wait3A_145, %dma_wait3A_151] : memref<80x125xi32, #tpu.memory_space<vmem>> -> memref<1x125xi32, #tpu.memory_space<vmem>>
      %dma_wait3A_153 = tpu.memref_squeeze %dma_wait3A_152 : memref<1x125xi32, #tpu.memory_space<vmem>> -> memref<125xi32, #tpu.memory_space<vmem>>
      %dma_wait3A_154 = arith.constant 0 : i32
      %dma_wait3A_155 = arith.constant 0 : i32
      %dma_wait3A_156 = tpu.memref_slice %arg2[%dma_wait3A_154, %dma_wait3A_155] : memref<10000x16xf32, #tpu.memory_space<hbm>> -> memref<10000x16xf32, #tpu.memory_space<hbm>>
      tpu.wait_indirect_dma semaphore(%arg13 : memref<!tpu.dma_semaphore, #tpu.memory_space<semaphore_mem>>) src(%dma_wait3A_156 : memref<10000x16xf32, #tpu.memory_space<hbm>>) dst(%dma_wait3A_150 : memref<125x16xf32, #tpu.memory_space<vmem>>)
      %run_scoped3A_157 = arith.constant 3 : i32
      "tpu.region"() ({
        %run_scoped3A_189 = tpu.sem_alloc : memref<!tpu.dma_semaphore, #tpu.memory_space<semaphore_mem>>
        %dma_start3A_190 = arith.constant 0 : i32
        %dma_start3A_191 = arith.constant 0 : i32
        %dma_start3A_192 = tpu.memref_slice %arg8[%run_scoped3A_157, %dma_start3A_190, %dma_start3A_191] : memref<5x125x16xf32, #tpu.memory_space<vmem>> -> memref<1x125x16xf32, #tpu.memory_space<vmem>>
        %dma_start3A_193 = tpu.memref_squeeze %dma_start3A_192 : memref<1x125x16xf32, #tpu.memory_space<vmem>> -> memref<125x16xf32, #tpu.memory_space<vmem>>
        %dma_start3A_194 = arith.constant 0 : i32
        %dma_start3A_195 = tpu.memref_slice %arg7[%add3A_144, %dma_start3A_194] : memref<80x125xi32, #tpu.memory_space<vmem>> -> memref<1x125xi32, #tpu.memory_space<vmem>>
        %dma_start3A_196 = tpu.memref_squeeze %dma_start3A_195 : memref<1x125xi32, #tpu.memory_space<vmem>> -> memref<125xi32, #tpu.memory_space<vmem>>
        %dma_start3A_197 = arith.constant 0 : i32
        %dma_start3A_198 = arith.constant 0 : i32
        %dma_start3A_199 = tpu.memref_slice %arg9[%dma_start3A_197, %dma_start3A_198] : memref<10240x16xf32, #tpu.memory_space<vmem_shared>> -> memref<10240x16xf32, #tpu.memory_space<vmem_shared>>
        tpu.enqueue_indirect_dma source(%dma_start3A_193 : memref<125x16xf32, #tpu.memory_space<vmem>>) target(%dma_start3A_199 : memref<10240x16xf32, #tpu.memory_space<vmem_shared>>) offsets(%dma_start3A_196 : memref<125xi32, #tpu.memory_space<vmem>>) semaphore(%run_scoped3A_189 : memref<!tpu.dma_semaphore, #tpu.memory_space<semaphore_mem>>) {add = true}
        %dma_wait3A_200 = arith.constant 0 : i32
        %dma_wait3A_201 = arith.constant 0 : i32
        %dma_wait3A_202 = tpu.memref_slice %arg8[%run_scoped3A_157, %dma_wait3A_200, %dma_wait3A_201] : memref<5x125x16xf32, #tpu.memory_space<vmem>> -> memref<1x125x16xf32, #tpu.memory_space<vmem>>
        %dma_wait3A_203 = tpu.memref_squeeze %dma_wait3A_202 : memref<1x125x16xf32, #tpu.memory_space<vmem>> -> memref<125x16xf32, #tpu.memory_space<vmem>>
        %dma_wait3A_204 = arith.constant 0 : i32
        %dma_wait3A_205 = tpu.memref_slice %arg7[%add3A_144, %dma_wait3A_204] : memref<80x125xi32, #tpu.memory_space<vmem>> -> memref<1x125xi32, #tpu.memory_space<vmem>>
        %dma_wait3A_206 = tpu.memref_squeeze %dma_wait3A_205 : memref<1x125xi32, #tpu.memory_space<vmem>> -> memref<125xi32, #tpu.memory_space<vmem>>
        %dma_wait3A_207 = arith.constant 0 : i32
        %dma_wait3A_208 = arith.constant 0 : i32
        %dma_wait3A_209 = tpu.memref_slice %arg9[%dma_wait3A_207, %dma_wait3A_208] : memref<10240x16xf32, #tpu.memory_space<vmem_shared>> -> memref<10240x16xf32, #tpu.memory_space<vmem_shared>>
        tpu.wait_indirect_dma semaphore(%run_scoped3A_189 : memref<!tpu.dma_semaphore, #tpu.memory_space<semaphore_mem>>) src(%dma_wait3A_203 : memref<125x16xf32, #tpu.memory_space<vmem>>) dst(%dma_wait3A_209 : memref<10240x16xf32, #tpu.memory_space<vmem_shared>>)
        tpu.yield
      }) : () -> ()
      %add3A_158 = arith.constant 5 : i32
      %add3A_159 = arith.addi %add3A_144, %add3A_158 : i32
      %lt3A_160 = arith.constant 80 : i32
      %lt3A_161 = arith.cmpi slt, %add3A_159, %lt3A_160 : i32
      %convert_element_type3A_162 = arith.extui %lt3A_161 : i1 to i32
      %cond3A_163 = arith.constant 0 : i32
      %cond3A_164 = arith.cmpi ne, %convert_element_type3A_162, %cond3A_163 : i32
      scf.if %cond3A_164 {
        %add3A_189 = arith.constant 5 : i32
        %add3A_190 = arith.addi %add3A_144, %add3A_189 : i32
        %dma_start3A_191 = arith.constant 3 : i32
        %dma_start3A_192 = arith.constant 0 : i32
        %dma_start3A_193 = arith.constant 0 : i32
        %dma_start3A_194 = tpu.memref_slice %arg8[%dma_start3A_191, %dma_start3A_192, %dma_start3A_193] : memref<5x125x16xf32, #tpu.memory_space<vmem>> -> memref<1x125x16xf32, #tpu.memory_space<vmem>>
        %dma_start3A_195 = tpu.memref_squeeze %dma_start3A_194 : memref<1x125x16xf32, #tpu.memory_space<vmem>> -> memref<125x16xf32, #tpu.memory_space<vmem>>
        %dma_start3A_196 = arith.constant 0 : i32
        %dma_start3A_197 = tpu.memref_slice %arg6[%add3A_190, %dma_start3A_196] : memref<80x125xi32, #tpu.memory_space<vmem>> -> memref<1x125xi32, #tpu.memory_space<vmem>>
        %dma_start3A_198 = tpu.memref_squeeze %dma_start3A_197 : memref<1x125xi32, #tpu.memory_space<vmem>> -> memref<125xi32, #tpu.memory_space<vmem>>
        %dma_start3A_199 = arith.constant 0 : i32
        %dma_start3A_200 = arith.constant 0 : i32
        %dma_start3A_201 = tpu.memref_slice %arg2[%dma_start3A_199, %dma_start3A_200] : memref<10000x16xf32, #tpu.memory_space<hbm>> -> memref<10000x16xf32, #tpu.memory_space<hbm>>
        tpu.enqueue_indirect_dma source(%dma_start3A_201 : memref<10000x16xf32, #tpu.memory_space<hbm>>) target(%dma_start3A_195 : memref<125x16xf32, #tpu.memory_space<vmem>>) offsets(%dma_start3A_198 : memref<125xi32, #tpu.memory_space<vmem>>) semaphore(%arg13 : memref<!tpu.dma_semaphore, #tpu.memory_space<semaphore_mem>>)
      } else {
      }
      %mul3A_165 = arith.constant 5 : i32
      %mul3A_166 = arith.muli %scan3A_72, %mul3A_165 : i32
      %add3A_167 = arith.constant 4 : i32
      %add3A_168 = arith.addi %mul3A_166, %add3A_167 : i32
      %dma_wait3A_169 = arith.constant 0 : i32
      %dma_wait3A_170 = arith.constant 4 : i32
      %dma_wait3A_171 = arith.constant 0 : i32
      %dma_wait3A_172 = arith.constant 0 : i32
      %dma_wait3A_173 = tpu.memref_slice %arg8[%dma_wait3A_170, %dma_wait3A_171, %dma_wait3A_172] : memref<5x125x16xf32, #tpu.memory_space<vmem>> -> memref<1x125x16xf32, #tpu.memory_space<vmem>>
      %dma_wait3A_174 = tpu.memref_squeeze %dma_wait3A_173 : memref<1x125x16xf32, #tpu.memory_space<vmem>> -> memref<125x16xf32, #tpu.memory_space<vmem>>
      %dma_wait3A_175 = arith.constant 0 : i32
      %dma_wait3A_176 = tpu.memref_slice %arg6[%dma_wait3A_169, %dma_wait3A_175] : memref<80x125xi32, #tpu.memory_space<vmem>> -> memref<1x125xi32, #tpu.memory_space<vmem>>
      %dma_wait3A_177 = tpu.memref_squeeze %dma_wait3A_176 : memref<1x125xi32, #tpu.memory_space<vmem>> -> memref<125xi32, #tpu.memory_space<vmem>>
      %dma_wait3A_178 = arith.constant 0 : i32
      %dma_wait3A_179 = arith.constant 0 : i32
      %dma_wait3A_180 = tpu.memref_slice %arg2[%dma_wait3A_178, %dma_wait3A_179] : memref<10000x16xf32, #tpu.memory_space<hbm>> -> memref<10000x16xf32, #tpu.memory_space<hbm>>
      tpu.wait_indirect_dma semaphore(%arg14 : memref<!tpu.dma_semaphore, #tpu.memory_space<semaphore_mem>>) src(%dma_wait3A_180 : memref<10000x16xf32, #tpu.memory_space<hbm>>) dst(%dma_wait3A_174 : memref<125x16xf32, #tpu.memory_space<vmem>>)
      %run_scoped3A_181 = arith.constant 4 : i32
      "tpu.region"() ({
        %run_scoped3A_189 = tpu.sem_alloc : memref<!tpu.dma_semaphore, #tpu.memory_space<semaphore_mem>>
        %dma_start3A_190 = arith.constant 0 : i32
        %dma_start3A_191 = arith.constant 0 : i32
        %dma_start3A_192 = tpu.memref_slice %arg8[%run_scoped3A_181, %dma_start3A_190, %dma_start3A_191] : memref<5x125x16xf32, #tpu.memory_space<vmem>> -> memref<1x125x16xf32, #tpu.memory_space<vmem>>
        %dma_start3A_193 = tpu.memref_squeeze %dma_start3A_192 : memref<1x125x16xf32, #tpu.memory_space<vmem>> -> memref<125x16xf32, #tpu.memory_space<vmem>>
        %dma_start3A_194 = arith.constant 0 : i32
        %dma_start3A_195 = tpu.memref_slice %arg7[%add3A_168, %dma_start3A_194] : memref<80x125xi32, #tpu.memory_space<vmem>> -> memref<1x125xi32, #tpu.memory_space<vmem>>
        %dma_start3A_196 = tpu.memref_squeeze %dma_start3A_195 : memref<1x125xi32, #tpu.memory_space<vmem>> -> memref<125xi32, #tpu.memory_space<vmem>>
        %dma_start3A_197 = arith.constant 0 : i32
        %dma_start3A_198 = arith.constant 0 : i32
        %dma_start3A_199 = tpu.memref_slice %arg9[%dma_start3A_197, %dma_start3A_198] : memref<10240x16xf32, #tpu.memory_space<vmem_shared>> -> memref<10240x16xf32, #tpu.memory_space<vmem_shared>>
        tpu.enqueue_indirect_dma source(%dma_start3A_193 : memref<125x16xf32, #tpu.memory_space<vmem>>) target(%dma_start3A_199 : memref<10240x16xf32, #tpu.memory_space<vmem_shared>>) offsets(%dma_start3A_196 : memref<125xi32, #tpu.memory_space<vmem>>) semaphore(%run_scoped3A_189 : memref<!tpu.dma_semaphore, #tpu.memory_space<semaphore_mem>>) {add = true}
        %dma_wait3A_200 = arith.constant 0 : i32
        %dma_wait3A_201 = arith.constant 0 : i32
        %dma_wait3A_202 = tpu.memref_slice %arg8[%run_scoped3A_181, %dma_wait3A_200, %dma_wait3A_201] : memref<5x125x16xf32, #tpu.memory_space<vmem>> -> memref<1x125x16xf32, #tpu.memory_space<vmem>>
        %dma_wait3A_203 = tpu.memref_squeeze %dma_wait3A_202 : memref<1x125x16xf32, #tpu.memory_space<vmem>> -> memref<125x16xf32, #tpu.memory_space<vmem>>
        %dma_wait3A_204 = arith.constant 0 : i32
        %dma_wait3A_205 = tpu.memref_slice %arg7[%add3A_168, %dma_wait3A_204] : memref<80x125xi32, #tpu.memory_space<vmem>> -> memref<1x125xi32, #tpu.memory_space<vmem>>
        %dma_wait3A_206 = tpu.memref_squeeze %dma_wait3A_205 : memref<1x125xi32, #tpu.memory_space<vmem>> -> memref<125xi32, #tpu.memory_space<vmem>>
        %dma_wait3A_207 = arith.constant 0 : i32
        %dma_wait3A_208 = arith.constant 0 : i32
        %dma_wait3A_209 = tpu.memref_slice %arg9[%dma_wait3A_207, %dma_wait3A_208] : memref<10240x16xf32, #tpu.memory_space<vmem_shared>> -> memref<10240x16xf32, #tpu.memory_space<vmem_shared>>
        tpu.wait_indirect_dma semaphore(%run_scoped3A_189 : memref<!tpu.dma_semaphore, #tpu.memory_space<semaphore_mem>>) src(%dma_wait3A_203 : memref<125x16xf32, #tpu.memory_space<vmem>>) dst(%dma_wait3A_209 : memref<10240x16xf32, #tpu.memory_space<vmem_shared>>)
        tpu.yield
      }) : () -> ()
      %add3A_182 = arith.constant 5 : i32
      %add3A_183 = arith.addi %add3A_168, %add3A_182 : i32
      %lt3A_184 = arith.constant 80 : i32
      %lt3A_185 = arith.cmpi slt, %add3A_183, %lt3A_184 : i32
      %convert_element_type3A_186 = arith.extui %lt3A_185 : i1 to i32
      %cond3A_187 = arith.constant 0 : i32
      %cond3A_188 = arith.cmpi ne, %convert_element_type3A_186, %cond3A_187 : i32
      scf.if %cond3A_188 {
        %add3A_189 = arith.constant 5 : i32
        %add3A_190 = arith.addi %add3A_168, %add3A_189 : i32
        %dma_start3A_191 = arith.constant 4 : i32
        %dma_start3A_192 = arith.constant 0 : i32
        %dma_start3A_193 = arith.constant 0 : i32
        %dma_start3A_194 = tpu.memref_slice %arg8[%dma_start3A_191, %dma_start3A_192, %dma_start3A_193] : memref<5x125x16xf32, #tpu.memory_space<vmem>> -> memref<1x125x16xf32, #tpu.memory_space<vmem>>
        %dma_start3A_195 = tpu.memref_squeeze %dma_start3A_194 : memref<1x125x16xf32, #tpu.memory_space<vmem>> -> memref<125x16xf32, #tpu.memory_space<vmem>>
        %dma_start3A_196 = arith.constant 0 : i32
        %dma_start3A_197 = tpu.memref_slice %arg6[%add3A_190, %dma_start3A_196] : memref<80x125xi32, #tpu.memory_space<vmem>> -> memref<1x125xi32, #tpu.memory_space<vmem>>
        %dma_start3A_198 = tpu.memref_squeeze %dma_start3A_197 : memref<1x125xi32, #tpu.memory_space<vmem>> -> memref<125xi32, #tpu.memory_space<vmem>>
        %dma_start3A_199 = arith.constant 0 : i32
        %dma_start3A_200 = arith.constant 0 : i32
        %dma_start3A_201 = tpu.memref_slice %arg2[%dma_start3A_199, %dma_start3A_200] : memref<10000x16xf32, #tpu.memory_space<hbm>> -> memref<10000x16xf32, #tpu.memory_space<hbm>>
        tpu.enqueue_indirect_dma source(%dma_start3A_201 : memref<10000x16xf32, #tpu.memory_space<hbm>>) target(%dma_start3A_195 : memref<125x16xf32, #tpu.memory_space<vmem>>) offsets(%dma_start3A_198 : memref<125xi32, #tpu.memory_space<vmem>>) semaphore(%arg14 : memref<!tpu.dma_semaphore, #tpu.memory_space<semaphore_mem>>)
      } else {
      }
    }
    %scan3A_67 = arith.constant 16 : i32
    %barrier3A_68 = arith.constant 0 : index
    tpu.barrier barrier_id(%barrier3A_68)
    %mul3A_69 = arith.constant 10240 : i32
    %mul3A_70 = arith.muli %arg0, %mul3A_69 : i32
    %add3A_71 = arith.addi %mul3A_70, %mul3A_3 : i32
    "tpu.region"() ({
      %run_scoped3A_72 = tpu.sem_alloc : memref<!tpu.dma_semaphore, #tpu.memory_space<semaphore_mem>>
      %dma_start3A_73 = arith.constant 0 : i32
      %dma_start3A_74 = tpu.memref_slice %arg5[%add3A_71, %dma_start3A_73] : memref<20480x16xf32, #tpu.memory_space<hbm>> -> memref<640x16xf32, #tpu.memory_space<hbm>>
      %dma_start3A_75 = arith.constant 0 : i32
      %dma_start3A_76 = tpu.memref_slice %arg9[%mul3A_3, %dma_start3A_75] : memref<10240x16xf32, #tpu.memory_space<vmem_shared>> -> memref<640x16xf32, #tpu.memory_space<vmem_shared>>
      tpu.enqueue_dma source(%dma_start3A_76 : memref<640x16xf32, #tpu.memory_space<vmem_shared>>) target(%dma_start3A_74 : memref<640x16xf32, #tpu.memory_space<hbm>>) target_semaphore(%run_scoped3A_72 : memref<!tpu.dma_semaphore, #tpu.memory_space<semaphore_mem>>)
      %dma_wait3A = arith.constant 0 : i32
      %dma_wait3A_77 = tpu.memref_slice %arg5[%add3A_71, %dma_wait3A] : memref<20480x16xf32, #tpu.memory_space<hbm>> -> memref<640x16xf32, #tpu.memory_space<hbm>>
      %dma_wait3A_78 = arith.constant 0 : i32
      %dma_wait3A_79 = tpu.memref_slice %arg9[%mul3A_3, %dma_wait3A_78] : memref<10240x16xf32, #tpu.memory_space<vmem_shared>> -> memref<640x16xf32, #tpu.memory_space<vmem_shared>>
      tpu.wait_dma2 semaphore(%run_scoped3A_72 : memref<!tpu.dma_semaphore, #tpu.memory_space<semaphore_mem>>) src(%dma_wait3A_79 : memref<640x16xf32, #tpu.memory_space<vmem_shared>>) dst(%dma_wait3A_77 : memref<640x16xf32, #tpu.memory_space<hbm>>)
      tpu.yield
    }) : () -> ()
    return
  }
}

module attributes {stable_mosaic.version = 14 : i64} {
  func.func @_mm4_body(%arg0: memref<2500x512xf32, #tpu.memory_space<vmem>>, %arg1: memref<512x256xf32, #tpu.memory_space<vmem>>, %arg2: memref<2500x256xf32, #tpu.memory_space<vmem>>) attributes {dimension_semantics = [], scalar_prefetch = 0 : i64, scratch_operands = 0 : i64, tpu.core_type = #tpu.core_type<tc>} {
    %get3A = arith.constant 0 : index
    %get3A_0 = arith.constant 0 : index
    %get3A_1 = vector.load %arg0[%get3A, %get3A_0] : memref<2500x512xf32, #tpu.memory_space<vmem>>, vector<2500x512xf32>
    %get3A_2 = arith.constant 0 : index
    %get3A_3 = arith.constant 0 : index
    %get3A_4 = vector.load %arg1[%get3A_2, %get3A_3] : memref<512x256xf32, #tpu.memory_space<vmem>>, vector<512x256xf32>
    %dot_general3A = arith.constant dense<0.000000e+00> : vector<2500x256xf32>
    %dot_general3A_5 = tpu.matmul %get3A_1, %get3A_4, %dot_general3A {dimension_numbers = #tpu.dot_dimension_numbers<[1], [0], [0], [1], [0, 0, 1, 1], [], []>, transpose_lhs_hint = false} : vector<2500x512xf32>, vector<512x256xf32>, vector<2500x256xf32> -> vector<2500x256xf32>
    %swap3A = arith.constant 0 : index
    %swap3A_6 = arith.constant 0 : index
    %swap3A_7 = vector.load %arg2[%swap3A, %swap3A_6] : memref<2500x256xf32, #tpu.memory_space<vmem>>, vector<2500x256xf32>
    tpu.vector_store %arg2[%swap3A, %swap3A_6], %dot_general3A_5 {strides = array<i32>} : memref<2500x256xf32, #tpu.memory_space<vmem>>, vector<2500x256xf32>,
    return
  }
}

module attributes {stable_mosaic.version = 14 : i64} {
  func.func @_scale4_body(%arg0: memref<2500x256xf32, #tpu.memory_space<vmem>>, %arg1: memref<5120x128xf32, #tpu.memory_space<vmem>>, %arg2: memref<2500x128xf32, #tpu.memory_space<vmem>>) attributes {dimension_semantics = [], scalar_prefetch = 0 : i64, scratch_operands = 0 : i64, tpu.core_type = #tpu.core_type<tc>} {
    %get3A = arith.constant 0 : index
    %get3A_0 = arith.constant 0 : index
    %get3A_1 = vector.load %arg1[%get3A, %get3A_0] : memref<5120x128xf32, #tpu.memory_space<vmem>>, vector<2560x128xf32>
    %get3A_2 = arith.constant 2560 : index
    %get3A_3 = arith.constant 0 : index
    %get3A_4 = vector.load %arg1[%get3A_2, %get3A_3] : memref<5120x128xf32, #tpu.memory_space<vmem>>, vector<2560x128xf32>
    %add3A = arith.addf %get3A_1, %get3A_4 : vector<2560x128xf32>
    %add3A_5 = arith.constant 1.000000e+00 : f32
    %add3A_6 = vector.broadcast %add3A_5 : f32 to vector<2560x128xf32>
    %add3A_7 = arith.addf %add3A, %add3A_6 : vector<2560x128xf32>
    %rsqrt3A = math.rsqrt %add3A_7 : vector<2560x128xf32>
    %slice3A = vector.extract_strided_slice %rsqrt3A {offsets = [0, 0], sizes = [2500, 128], strides = [1, 1]} : vector<2560x128xf32> to vector<2500x128xf32>
    %get3A_8 = arith.constant 0 : index
    %get3A_9 = arith.constant 0 : index
    %get3A_10 = vector.load %arg0[%get3A_8, %get3A_9] : memref<2500x256xf32, #tpu.memory_space<vmem>>, vector<2500x128xf32>
    %mul3A = arith.mulf %get3A_10, %slice3A : vector<2500x128xf32>
    %swap3A = arith.constant 0 : index
    %swap3A_11 = arith.constant 0 : index
    %swap3A_12 = vector.load %arg2[%swap3A, %swap3A_11] : memref<2500x128xf32, #tpu.memory_space<vmem>>, vector<2500x128xf32>
    tpu.vector_store %arg2[%swap3A, %swap3A_11], %mul3A {strides = array<i32>} : memref<2500x128xf32, #tpu.memory_space<vmem>>, vector<2500x128xf32>,
    return
  }
}

module attributes {stable_mosaic.version = 14 : i64} {
  func.func @_combine_body(%arg0: memref<5120x128xf32, #tpu.memory_space<vmem>>, %arg1: memref<2500x256xf32, #tpu.memory_space<vmem>>, %arg2: memref<5120x128xf32, #tpu.memory_space<vmem>>, %arg3: memref<5120x64xf32, #tpu.memory_space<vmem>>, %arg4: memref<128x64xf32, #tpu.memory_space<vmem>>, %arg5: memref<1x128xf32, #tpu.memory_space<vmem>>, %arg6: memref<1x128xf32, #tpu.memory_space<vmem>>, %arg7: memref<2500x64xf32, #tpu.memory_space<vmem>>, %arg8: memref<2500x64xf32, #tpu.memory_space<vmem>>) attributes {dimension_semantics = [], scalar_prefetch = 0 : i64, scratch_operands = 0 : i64, tpu.core_type = #tpu.core_type<tc>} {
    %get3A = arith.constant 0 : index
    %get3A_0 = arith.constant 0 : index
    %get3A_1 = vector.load %arg2[%get3A, %get3A_0] : memref<5120x128xf32, #tpu.memory_space<vmem>>, vector<2560x128xf32>
    %get3A_2 = arith.constant 2560 : index
    %get3A_3 = arith.constant 0 : index
    %get3A_4 = vector.load %arg2[%get3A_2, %get3A_3] : memref<5120x128xf32, #tpu.memory_space<vmem>>, vector<2560x128xf32>
    %add3A = arith.addf %get3A_1, %get3A_4 : vector<2560x128xf32>
    %add3A_5 = arith.constant 1.000000e+00 : f32
    %add3A_6 = vector.broadcast %add3A_5 : f32 to vector<2560x128xf32>
    %add3A_7 = arith.addf %add3A, %add3A_6 : vector<2560x128xf32>
    %rsqrt3A = math.rsqrt %add3A_7 : vector<2560x128xf32>
    %slice3A = vector.extract_strided_slice %rsqrt3A {offsets = [0, 0], sizes = [2500, 128], strides = [1, 1]} : vector<2560x128xf32> to vector<2500x128xf32>
    %get3A_8 = arith.constant 0 : index
    %get3A_9 = arith.constant 0 : index
    %get3A_10 = vector.load %arg0[%get3A_8, %get3A_9] : memref<5120x128xf32, #tpu.memory_space<vmem>>, vector<2560x128xf32>
    %get3A_11 = arith.constant 2560 : index
    %get3A_12 = arith.constant 0 : index
    %get3A_13 = vector.load %arg0[%get3A_11, %get3A_12] : memref<5120x128xf32, #tpu.memory_space<vmem>>, vector<2560x128xf32>
    %add3A_14 = arith.addf %get3A_10, %get3A_13 : vector<2560x128xf32>
    %slice3A_15 = vector.extract_strided_slice %add3A_14 {offsets = [0, 0], sizes = [2500, 128], strides = [1, 1]} : vector<2560x128xf32> to vector<2500x128xf32>
    %mul3A = arith.mulf %slice3A, %slice3A_15 : vector<2500x128xf32>
    %mul3A_16 = arith.mulf %slice3A, %slice3A : vector<2500x128xf32>
    %get3A_17 = arith.constant 0 : index
    %get3A_18 = arith.constant 0 : index
    %get3A_19 = vector.load %arg1[%get3A_17, %get3A_18] : memref<2500x256xf32, #tpu.memory_space<vmem>>, vector<2500x128xf32>
    %mul3A_20 = arith.mulf %mul3A_16, %get3A_19 : vector<2500x128xf32>
    %add3A_21 = arith.addf %mul3A, %mul3A_20 : vector<2500x128xf32>
    %get3A_22 = arith.constant 0 : index
    %get3A_23 = arith.constant 0 : index
    %get3A_24 = vector.load %arg5[%get3A_22, %get3A_23] : memref<1x128xf32, #tpu.memory_space<vmem>>, vector<1x128xf32>
    %add3A_25 = vector.broadcast %get3A_24 : vector<1x128xf32> to vector<2500x128xf32>
    %add3A_26 = arith.addf %add3A_21, %add3A_25 : vector<2500x128xf32>
    %max3A = arith.constant 0.000000e+00 : f32
    %max3A_27 = vector.broadcast %max3A : f32 to vector<2500x128xf32>
    %max3A_28 = arith.maximumf %add3A_26, %max3A_27 : vector<2500x128xf32>
    %get3A_29 = arith.constant 0 : index
    %get3A_30 = arith.constant 128 : index
    %get3A_31 = vector.load %arg1[%get3A_29, %get3A_30] : memref<2500x256xf32, #tpu.memory_space<vmem>>, vector<2500x128xf32>
    %add3A_32 = arith.addf %max3A_28, %get3A_31 : vector<2500x128xf32>
    %get3A_33 = arith.constant 0 : index
    %get3A_34 = arith.constant 0 : index
    %get3A_35 = vector.load %arg6[%get3A_33, %get3A_34] : memref<1x128xf32, #tpu.memory_space<vmem>>, vector<1x128xf32>
    %add3A_36 = vector.broadcast %get3A_35 : vector<1x128xf32> to vector<2500x128xf32>
    %add3A_37 = arith.addf %add3A_32, %add3A_36 : vector<2500x128xf32>
    %get3A_38 = arith.constant 0 : index
    %get3A_39 = arith.constant 0 : index
    %get3A_40 = vector.load %arg4[%get3A_38, %get3A_39] : memref<128x64xf32, #tpu.memory_space<vmem>>, vector<128x64xf32>
    %dot_general3A = arith.constant dense<0.000000e+00> : vector<2500x64xf32>
    %dot_general3A_41 = tpu.matmul %add3A_37, %get3A_40, %dot_general3A {dimension_numbers = #tpu.dot_dimension_numbers<[1], [0], [0], [1], [0, 0, 1, 1], [], []>, transpose_lhs_hint = false} : vector<2500x128xf32>, vector<128x64xf32>, vector<2500x64xf32> -> vector<2500x64xf32>
    %get3A_42 = arith.constant 0 : index
    %get3A_43 = arith.constant 0 : index
    %get3A_44 = vector.load %arg3[%get3A_42, %get3A_43] : memref<5120x64xf32, #tpu.memory_space<vmem>>, vector<2560x64xf32>
    %get3A_45 = arith.constant 2560 : index
    %get3A_46 = arith.constant 0 : index
    %get3A_47 = vector.load %arg3[%get3A_45, %get3A_46] : memref<5120x64xf32, #tpu.memory_space<vmem>>, vector<2560x64xf32>
    %add3A_48 = arith.addf %get3A_44, %get3A_47 : vector<2560x64xf32>
    %add3A_49 = arith.constant 1.000000e+00 : f32
    %add3A_50 = vector.broadcast %add3A_49 : f32 to vector<2560x64xf32>
    %add3A_51 = arith.addf %add3A_48, %add3A_50 : vector<2560x64xf32>
    %rsqrt3A_52 = math.rsqrt %add3A_51 : vector<2560x64xf32>
    %slice3A_53 = vector.extract_strided_slice %rsqrt3A_52 {offsets = [0, 0], sizes = [2500, 64], strides = [1, 1]} : vector<2560x64xf32> to vector<2500x64xf32>
    %swap3A = arith.constant 0 : index
    %swap3A_54 = arith.constant 0 : index
    %swap3A_55 = vector.load %arg7[%swap3A, %swap3A_54] : memref<2500x64xf32, #tpu.memory_space<vmem>>, vector<2500x64xf32>
    tpu.vector_store %arg7[%swap3A, %swap3A_54], %dot_general3A_41 {strides = array<i32>} : memref<2500x64xf32, #tpu.memory_space<vmem>>, vector<2500x64xf32>,
    %mul3A_56 = arith.mulf %dot_general3A_41, %slice3A_53 : vector<2500x64xf32>
    %swap3A_57 = arith.constant 0 : index
    %swap3A_58 = arith.constant 0 : index
    %swap3A_59 = vector.load %arg8[%swap3A_57, %swap3A_58] : memref<2500x64xf32, #tpu.memory_space<vmem>>, vector<2500x64xf32>
    tpu.vector_store %arg8[%swap3A_57, %swap3A_58], %mul3A_56 {strides = array<i32>} : memref<2500x64xf32, #tpu.memory_space<vmem>>, vector<2500x64xf32>,
    return
  }
}

module attributes {stable_mosaic.version = 14 : i64} {
  func.func @_final_body(%arg0: memref<2560x128xf32, #tpu.memory_space<vmem>>, %arg1: memref<1250x128xf32, #tpu.memory_space<vmem>>, %arg2: memref<2560x128xf32, #tpu.memory_space<vmem>>, %arg3: memref<1x128xf32, #tpu.memory_space<vmem>>, %arg4: memref<128x128xf32, #tpu.memory_space<vmem>>, %arg5: memref<1250x128xf32, #tpu.memory_space<vmem>>) attributes {dimension_semantics = [], scalar_prefetch = 0 : i64, scratch_operands = 0 : i64, tpu.core_type = #tpu.core_type<tc>} {
    %get3A = arith.constant 0 : index
    %get3A_0 = arith.constant 0 : index
    %get3A_1 = vector.load %arg2[%get3A, %get3A_0] : memref<2560x128xf32, #tpu.memory_space<vmem>>, vector<1280x128xf32>
    %get3A_2 = arith.constant 1280 : index
    %get3A_3 = arith.constant 0 : index
    %get3A_4 = vector.load %arg2[%get3A_2, %get3A_3] : memref<2560x128xf32, #tpu.memory_space<vmem>>, vector<1280x128xf32>
    %add3A = arith.addf %get3A_1, %get3A_4 : vector<1280x128xf32>
    %add3A_5 = arith.constant 1.000000e+00 : f32
    %add3A_6 = vector.broadcast %add3A_5 : f32 to vector<1280x128xf32>
    %add3A_7 = arith.addf %add3A, %add3A_6 : vector<1280x128xf32>
    %rsqrt3A = math.rsqrt %add3A_7 : vector<1280x128xf32>
    %slice3A = vector.extract_strided_slice %rsqrt3A {offsets = [0, 0], sizes = [1250, 128], strides = [1, 1]} : vector<1280x128xf32> to vector<1250x128xf32>
    %get3A_8 = arith.constant 0 : index
    %get3A_9 = arith.constant 0 : index
    %get3A_10 = vector.load %arg0[%get3A_8, %get3A_9] : memref<2560x128xf32, #tpu.memory_space<vmem>>, vector<1280x128xf32>
    %get3A_11 = arith.constant 1280 : index
    %get3A_12 = arith.constant 0 : index
    %get3A_13 = vector.load %arg0[%get3A_11, %get3A_12] : memref<2560x128xf32, #tpu.memory_space<vmem>>, vector<1280x128xf32>
    %add3A_14 = arith.addf %get3A_10, %get3A_13 : vector<1280x128xf32>
    %slice3A_15 = vector.extract_strided_slice %add3A_14 {offsets = [0, 0], sizes = [1250, 128], strides = [1, 1]} : vector<1280x128xf32> to vector<1250x128xf32>
    %mul3A = arith.mulf %slice3A, %slice3A_15 : vector<1250x128xf32>
    %mul3A_16 = arith.mulf %slice3A, %slice3A : vector<1250x128xf32>
    %get3A_17 = arith.constant 0 : index
    %get3A_18 = arith.constant 0 : index
    %get3A_19 = vector.load %arg1[%get3A_17, %get3A_18] : memref<1250x128xf32, #tpu.memory_space<vmem>>, vector<1250x128xf32>
    %mul3A_20 = arith.mulf %mul3A_16, %get3A_19 : vector<1250x128xf32>
    %add3A_21 = arith.addf %mul3A, %mul3A_20 : vector<1250x128xf32>
    %get3A_22 = arith.constant 0 : index
    %get3A_23 = arith.constant 0 : index
    %get3A_24 = vector.load %arg3[%get3A_22, %get3A_23] : memref<1x128xf32, #tpu.memory_space<vmem>>, vector<1x128xf32>
    %add3A_25 = vector.broadcast %get3A_24 : vector<1x128xf32> to vector<1250x128xf32>
    %add3A_26 = arith.addf %add3A_21, %add3A_25 : vector<1250x128xf32>
    %reduce_max3A = vector.shape_cast %add3A_26 : vector<1250x128xf32> to vector<1x1250x128xf32>
    %reduce_max3A_27 = arith.constant dense<0xFF800000> : vector<1xf32>
    %reduce_max3A_28 = vector.multi_reduction <maximumf>, %reduce_max3A, %reduce_max3A_27 [1, 2] : vector<1x1250x128xf32> to vector<1xf32>
    %reduce_max3A_29 = vector.shape_cast %reduce_max3A_28 : vector<1xf32> to vector<1x1x1xf32>
    %reduce_max3A_30 = vector.extract %reduce_max3A_29[0, 0, 0] : f32 from vector<1x1x1xf32>
    %sub3A = vector.broadcast %reduce_max3A_30 : f32 to vector<1250x128xf32>
    %sub3A_31 = arith.subf %add3A_26, %sub3A : vector<1250x128xf32>
    %exp3A = math.exp %sub3A_31 : vector<1250x128xf32>
    %get3A_32 = arith.constant 0 : index
    %get3A_33 = arith.constant 0 : index
    %get3A_34 = vector.load %arg4[%get3A_32, %get3A_33] : memref<128x128xf32, #tpu.memory_space<vmem>>, vector<128x128xf32>
    %dot_general3A = arith.constant dense<0.000000e+00> : vector<1250x128xf32>
    %dot_general3A_35 = tpu.matmul %exp3A, %get3A_34, %dot_general3A {dimension_numbers = #tpu.dot_dimension_numbers<[1], [0], [0], [1], [0, 0, 1, 1], [], []>, transpose_lhs_hint = false} : vector<1250x128xf32>, vector<128x128xf32>, vector<1250x128xf32> -> vector<1250x128xf32>
    %div3A = arith.divf %exp3A, %dot_general3A_35 : vector<1250x128xf32>
    %swap3A = arith.constant 0 : index
    %swap3A_36 = arith.constant 0 : index
    %swap3A_37 = vector.load %arg5[%swap3A, %swap3A_36] : memref<1250x128xf32, #tpu.memory_space<vmem>>, vector<1250x128xf32>
    tpu.vector_store %arg5[%swap3A, %swap3A_36], %div3A {strides = array<i32>} : memref<1250x128xf32, #tpu.memory_space<vmem>>, vector<1250x128xf32>,
    return
  }
}

</mosaic_0001>

<sc_bundles>
// kernel: kernel.12.cloned.1.call-start
scs
__scs_entry_jumppad:
0x0: {  	(pc) =	sbr.rel $0x88, $3  }
0x1: {  	(tag) =	ssettag $0x0;
	lr =	simm.s32 $0x1  }
0x2: {  	[smem:$0x3F99] =	sst lr;
	_ =	strace $0xD0000000  }
0x3: {  	_ = 	snop  }
0x4: {  	_ = 	snop  }
0x5: {  	_ = 	snop  }
0x6: {  	_ = 	snop  }
0x7: {  	_ = 	snop  }
__scs_overlays_trampoline_lowered:
0x8: {  	[smem:$0x3FA8] =	sst s0  }
0x9: {  	[smem:$0x3FA9] =	sst s1  }
0xa: {  	[smem:$0x3FAA] =	sst s2  }
0xb: {  	[smem:$0x3FAB] =	sst s3  }
0xc: {  	[smem:$0x3FAC] =	sst s4  }
0xd: {  	[smem:$0x3FAD] =	sst s5  }
0xe: {  	[smem:$0x3FAE] =	sst s6  }
0xf: {  	[smem:$0x3FAF] =	sst s7  }
0x10: {  	[smem:$0x3FB0] =	sst s8  }
0x11: {  	[smem:$0x3FB1] =	sst s9;
	s0 =	simm.s32 @!p0 $0x0  }
0x12: {  	s1 =	sld [smem:$0x3F97];
	s0 =	simm.s32 @p0 $0x1  }
0x13: {  	[smem:$0x3FB2] =	sst s0;
	s0 =	simm.s32 @!p1 $0x0  }
0x14: {  	s2 =	sld [smem:$0x3F96];
	s0 =	simm.s32 @p1 $0x1  }
0x15: {  	[smem:$0x3FB3] =	sst s0;
	s0 =	simm.s32 @!p2 $0x0  }
0x16: {  	s3 =	sld [smem:$0x3FDB];
	s0 =	simm.s32 @p2 $0x1  }
0x17: {  	s4 =	simm.s32 $0x1BF5;
	[smem:$0x3FB5] =	sst s0  }
0x18: {  	s0 =	sld [smem:$0x3F98];
	_ =	swait.ge [sflag:s4], $0x0  }
0x19: {  	s7 =	sld [smem:$0x3F99]  }
0x1a: {  	s8 =	sadd.s32 $0xFFFFE003, lr  }
0x1b: {  	s9 =	sadd.s32 $0xFFFFFEF7, lr;
	s5 =	simm.s32 $0xFFFFFFFF;
	p2 =	slt.u32 s8, $0xFFFFF086  }
0x1c: {  	p1 =	slt.u32 s9, $0xF7A;
	s5 =	simm.s32 @!p2 $0x0  }
0x1d: {  	s5 =	simm.s32 @p1 $0x1;
	p0 =	seq.s32 s7, s2  }
0x1e: {  	s7 =	smul.u32 @!p0 $0xF7A, s2;
	p2 =	seq.s32 @!p0 s5, $0x0  }
0x1f: {  	s9 =	smul.u32 $0xF7A, s1;
	s8 =	simm.s32 @!p0 $0x1BF5;
	p2 =	por !p2, p0  }
0x20: {  	[sflag:s8] =	ssyncset.s32 @!p0 $0xFFFFF086;
	s6 =	sadd.s32 @!p0 s3, s7;
	s7 =	simm.s32 @!p0 $0x108  }
0x21: {  	s3 =	sadd.s32 s3, s9;
	s6 =	sadd.s32 @!p0 $0x88, s6;
	s7 =	simm.s32 @p2 $0x1082  }
0x22: {  	[simem:s7], [sflag:s8] =	dma.local @!p0 [hbm:s6], $0xF7A  }
0x23: {  	s9 =	sor.u32 $0xD0000000, s2;
	s6 =	simm.s32 $0x108;
	_ =	swait.ge @!p0 [sflag:s8], $0x0  }
0x24: {  	s3 =	sadd.s32 $0x88, s3;
	s6 =	simm.s32 @!p1 $0x1082;
	[sflag:s4] =	ssyncset.s32 $0xFFFFF086  }
0x25: {  	[simem:s6], [sflag:s4] =	dma.local [hbm:s3], $0xF7A  }
0x26: {  	[smem:$0x3F99] =	sst s1;
	(tag) =	ssettag s2;
	_ =	strace s9  }
0x27: {  	s1 =	sld [smem:$0x3FA9]  }
0x28: {  	s2 =	sld [smem:$0x3FAA]  }
0x29: {  	s4 =	sld [smem:$0x3FAC]  }
0x2a: {  	p0 =	seq.s32 s5, $0x0;
	s5 =	sld [smem:$0x3FAD]  }
0x2b: {  	s6 =	sld [smem:$0x3FAE]  }
0x2c: {  	s7 =	sld [smem:$0x3FAF]  }
0x2d: {  	s3 =	simm.s32 $0x108;
	s8 =	sld [smem:$0x3FB0]  }
0x2e: {  	s3 =	simm.s32 @!p0 $0x1082;
	s9 =	sld [smem:$0x3FB1]  }
0x2f: {  	lr =	sadd.s32 s0, s3;
	s0 =	sld [smem:$0x3FA8]  }
0x30: {  	s3 =	sld [smem:$0x3FAB]  }
0x31: {  	[smem:$0x3FB4] =	sst s10  }
0x32: {  	s10 =	sld [smem:$0x3FB2];
	_ =	sdelay $0x3  }
0x33: {  	p0 =	seq.s32 s10, $0x1;
	s10 =	sld [smem:$0x3FB4];
	_ =	sdelay $0x3  }
0x34: {  	[smem:$0x3FB4] =	sst s10  }
0x35: {  	s10 =	sld [smem:$0x3FB3];
	_ =	sdelay $0x3  }
0x36: {  	p1 =	seq.s32 s10, $0x1;
	s10 =	sld [smem:$0x3FB4];
	_ =	sdelay $0x3  }
0x37: {  	[smem:$0x3FB4] =	sst s10  }
0x38: {  	s10 =	sld [smem:$0x3FB5]  }
0x39: {  	_ = 	snop;
	(pc) =	sbr.ind lr, $3  }
0x3a: {  	_ = 	snop  }
0x3b: {  	_ = 	snop  }
0x3c: {  	p2 =	seq.s32 s10, $0x1;
	s10 =	sld [smem:$0x3FB4]  }
0x3d: {  	_ =	shalt  }
0x3e: {  	_ =	shalt  }
0x3f: {  	_ =	shalt  }
0x40: {  	_ =	shalt  }
0x41: {  	_ =	shalt  }
0x42: {  	_ =	shalt  }
0x43: {  	_ =	shalt  }
0x44: {  	_ =	shalt  }
0x45: {  	_ =	shalt  }
0x46: {  	_ =	shalt  }
0x47: {  	_ =	shalt  }
0x48: {  	_ =	shalt  }
0x49: {  	_ =	shalt  }
0x4a: {  	_ =	shalt  }
0x4b: {  	_ =	shalt  }
0x4c: {  	_ =	shalt  }
0x4d: {  	_ =	shalt  }
0x4e: {  	_ =	shalt  }
0x4f: {  	_ =	shalt  }
0x50: {  	_ =	shalt  }
0x51: {  	_ =	shalt  }
0x52: {  	_ =	shalt  }
0x53: {  	_ =	shalt  }
0x54: {  	_ =	shalt  }
0x55: {  	_ =	shalt  }
0x56: {  	_ =	shalt  }
0x57: {  	_ =	shalt  }
0x58: {  	_ =	shalt  }
0x59: {  	_ =	shalt  }
0x5a: {  	_ =	shalt  }
0x5b: {  	_ =	shalt  }
0x5c: {  	_ =	shalt  }
0x5d: {  	_ =	shalt  }
0x5e: {  	_ =	shalt  }
0x5f: {  	_ =	shalt  }
0x60: {  	_ =	shalt  }
0x61: {  	_ =	shalt  }
0x62: {  	_ =	shalt  }
0x63: {  	_ =	shalt  }
0x64: {  	_ =	shalt  }
0x65: {  	_ =	shalt  }
0x66: {  	_ =	shalt  }
0x67: {  	_ =	shalt  }
0x68: {  	_ =	shalt  }
0x69: {  	_ =	shalt  }
0x6a: {  	_ =	shalt  }
0x6b: {  	_ =	shalt  }
0x6c: {  	_ =	shalt  }
0x6d: {  	_ =	shalt  }
0x6e: {  	_ =	shalt  }
0x6f: {  	_ =	shalt  }
0x70: {  	_ =	shalt  }
0x71: {  	_ =	shalt  }
0x72: {  	_ =	shalt  }
0x73: {  	_ =	shalt  }
0x74: {  	_ =	shalt  }
0x75: {  	_ =	shalt  }
0x76: {  	_ =	shalt  }
0x77: {  	_ =	shalt  }
0x78: {  	_ =	shalt  }
0x79: {  	_ =	shalt  }
0x7a: {  	_ =	shalt  }
0x7b: {  	_ =	shalt  }
0x7c: {  	_ =	shalt  }
0x7d: {  	_ =	shalt  }
0x7e: {  	_ =	shalt  }
0x7f: {  	_ =	shalt  }
0x80: {  	_ =	shalt  }
0x81: {  	_ =	shalt  }
0x82: {  	_ =	shalt  }
0x83: {  	_ =	shalt  }
0x84: {  	_ =	shalt  }
0x85: {  	_ =	shalt  }
0x86: {  	_ =	shalt  }
0x87: {  	_ =	shalt  }
.Lfunc_end0:
.L_simem_size_0:
called_computation.1_lowered:
.L_overlay_start_0:
0x88: {  	s2 =	sld [smem:$0x3FD9]  }
0x89: {  	s3 =	sld [smem:$0x3FFE];
	_ =	sdelay $0x1  }
0x8a: {  	s1 =	srdreg.scid  }
0x8b: {  	s0 =	sand.u32 $0x1, s1  }
0x8c: {  	s16 =	sshll.u32 s0, $0xA;
	s2 =	sadd.s32 s3, s2  }
0x8d: {  	s2 =	sadd.s32 s2, s16  }
0x8e: {  	[smem:$0x3FC0] =	sst s2  }
0x8f: {  	_ = 	snop  }
0x90: {  	(tm) =	ssettm $0x1  }
0x91: {  	s17 =	sld [smem:$0x3FFB];
	_ =	sdelay $0x3  }
0x92: {  	_ =	strace s17  }
0x93: {  	s2 =	sld [smem:$0x3FFC];
	_ =	sdelay $0x3  }
0x94: {  	_ =	strace s2  }
0x95: {  	s2 =	sld [smem:$0x3FFD];
	_ =	sdelay $0x3  }
0x96: {  	_ =	strace s2  }
0x97: {  	_ =	strace $0x8FFFFFFF  }
0x98: {  	s18 =	sld [smem:$0x3FDB];
	_ =	sdelay $0x1  }
0x99: {  	s19 =	simm.s32 $_scs_section_size  }
0x9a: {  	s4 =	simm.s32 $_size__tile_overlayer_lowered;
	s5 =	simm.s32 $_tile_overlayer_lowered  }
0x9b: {  	s22 =	simm.s32 $0x1BFF;
	s21 =	sshll.u32 s5, $0x1;
	s2 =	sadd.s32 s19, s18  }
0x9c: {  	s6 =	simm.s32 $0x0;
	s20 =	sshll.u32 s4, $0x1;
	s4 =	sadd.s32 s21, s2  }
0x9d: {  	[timem:s6], [sflag:s22] =	dma.local [hbm:s4], s20  }
0x9e: {  	_ =	swait.ge [sflag:s22], s20  }
0x9f: {  	s3 =	ssub.s32 $0x0, s20;
	[sflag:s22] =	ssyncset.done $0x0  }
0xa0: {  	[sflag:s22] =	ssyncadd.s32 s3;
	_ =	sdelay $0x1  }
0xa1: {  	s23 =	simm.s32 $0x1B8B  }
0xa2: {  	_ =	swait.ge [sflag:s23], $0x1  }
0xa3: {  	[sflag:s23] =	ssyncset.done $0x0  }
0xa4: {  	s25 =	simm.s32 $0x1B8E;
	s24 =	sld [smem:$0x3FFE];
	[sflag:s23] =	ssyncadd.s32 $0xFFFFFFFF  }
0xa5: {  	s26 =	simm.s32 $execute0_lowered;
	[smem:$0x3FD2] =	sst s25  }
0xa6: {  	s4 =	sshll.u32 s26, $0x1;
	_ =	strace $0x80000049;
	[dreg:$0x1] =	wrdreg $0xFFFFFFFF  }
0xa7: {  	s28 =	simm.s32 $_size_execute0_lowered;
	s2 =	sadd.s32 s2, s4;
	[dreg:$0x0] =	wrdreg $0x0  }
0xa8: {  	s4 =	sshll.u32 s28, $0x1;
	[dreg:$0x2] =	wrdreg s2  }
0xa9: {  	[dreg:$0x3] =	wrdreg s4  }
0xaa: {  	[dreg:$0x4] =	wrdreg $0xC0  }
0xab: {  	_ =	task [dreg:s6], $0x5FFFF  }
0xac: {  	[dreg:$0x1] =	wrdreg $0xFFFFFFFF  }
0xad: {  	[dreg:$0x0] =	wrdreg $0x60  }
0xae: {  	[dreg:$0x2] =	wrdreg s24  }
0xaf: {  	[dreg:$0x3] =	wrdreg $0x9E200  }
0xb0: {  	[dreg:$0x4] =	wrdreg $0x9  }
0xb1: {  	_ =	task.clear_ibuf [dreg:s6], $0x5FFFF;
	_ =	strace $0x90000049  }
0xb2: {  	s29 =	simm.s32 $0x9;
	_ =	strace $0x8000004B  }
0xb3: {  	_ =	swait.ge [sflag:s29], $0x1  }
0xb4: {  	[sflag:s29] =	ssyncadd.s32 $0xFFFFFFFF  }
0xb5: {  	_ =	strace $0x9000004B  }
0xb6: {  	_ =	sfence  }
0xb7: {  	s30 =	sld [smem:$0x0];
	_ =	sdelay $0x2  }
0xb8: {  	s31 =	sshll.u32 s1, $0xD;
	s1 =	sshrl.u32 s1, $0x2  }
0xb9: {  	s3 =	sand.u32 $0x4000, s31;
	s1 =	sadd.s32 s1, s30  }
0xba: {  	s0 =	sor.u32 s3, s0;
	s1 =	sshll.u32 s1, $0x11  }
0xbb: {  	s0 =	sor.u32 s1, s0  }
0xbc: {  	s0 =	sadd.s32 $0x8F2B, s0  }
0xbd: {  	[sflag:s0] =	ssyncadd.remote.s32 $0x1  }
0xbe: {  	_ =	sfence.sel $0xFFFF  }
0xbf: {  	[dreg:$0x0] =	wrdreg $0xFFFFFFFF;
	(pc) =	sbr.abs _section_cstart, $3  }
0xc0: {  	[dreg:$0x1] =	wrdreg $0xFFFFFFFF  }
0xc1: {  	_ =	task.clear_ibuf [dreg:s6], $0x2FFFF;
	_ =	strace $0x9FFFFFFF  }
0xc2: {  	(tm) =	ssettm $0x7FFFFFFF  }
0xc3: {  	_ =	shalt  }
tec
execute0_lowered:
.L_overlay_start_1:
0x0: {  	(tag) =	ssettag $0x1  }
0x1: {  	s0 =	srdreg.scid  }
0x2: {  	s11 =	stileid.u32;
	s5 =	rddreg [dreg:$0x0]  }
0x3: {  	s2 =	rddreg [dreg:$0x1];
	s3 =	simm.s32 $0x0;
	s10 =	simm.s32 $0x6  }
0x4: {  	s14 =	simm.s32 $0x7D;
	s15 =	simm.s32 $0x5000;
	s17 =	simm.s32 $0x5FA0  }
0x5: {  	s19 =	simm.s32 $0x6F40;
	s21 =	simm.s32 $0x7EE0;
	s28 =	simm.s32 $0x4  }
0x6: {  	s29 =	simm.s32 $0x5;
	s30 =	simm.s32 $0x4D80;
	s31 =	simm.s32 $0x4E00  }
0x7: {  	s16 =	simm.s32 $0x0;
	s0 =	sand.u32 $0x1, s0;
	s7 =	smul.u32 $0x5000, s11  }
0x8: {  	s6 =	smul.u32 $0xA00, s11;
	[smem:$0x7FF] =	sst s3;
	s4 =	sadd.s32 $0x20A00, s5  }
0x9: {  	s26 =	sshll.u32 s11, $0x6;
	s1 =	sshll.u32 s0, $0x4;
	s8 =	smul.u32 $0xA000, s0  }
0xa: {  	_ =	strace $0x8000004A;
	s0 =	ssub.s32 $0x2, s0;
	s12 =	sor.u32 $0x1C06, s26  }
0xb: {  	s26 =	simm.s32 $0x3;
	s1 =	sor.u32 s11, s1;
	s9 =	sshrl.u32 s7, $0x3  }
0xc: {  	s24 =	sshrl.u32 s0, $0x1;
	s25 =	sadd.s32 s7, s2;
	s11 =	simm.s32 $0x4F80  }
0xd: {  	s1 =	smul.u32 $0x2800, s1;
	s6 =	sadd.s32 s6, s8;
	s22 =	sadd.s32 s9, s5  }
0xe: {  	s0 =	ssub.s32 s0, s24;
	s13 =	sshrl.u32 s25, $0x3;
	s24 =	simm.s32 $0x1  }
0xf: {  	s25 =	simm.s32 $0x2;
	s23 =	sadd.s32 s6, s5;
	s7 =	sadd.s32 $0x16A00, s22  }
0x10: {  	s9 =	smax.u32 s0, $0x1;
	s0 =	simm.s32 $0x4F00;
	s1 =	sshrl.u32 s1, $0x3  }
0x11: {  	s8 =	sadd.s32 $0x2A800, s23;
	s23 =	simm.s32 $0x8E80;
	s1 =	sadd.s32 s1, s5  }
0x12: {  	s5 =	sadd.s32 $0x2A00, s1;
	s6 =	sadd.s32 $0xCA00, s1;
	s1 =	simm.s32 $0x4E80  }
.LBB2_1:
0x13: {  	[tilespmem:s3], [sflag:$0x6] =	stream.linear.gather [hbm4b:s5+s3], $0x2800, $0x38;
	[tilespmem:$0xEE20] =	vst v63  }
0x14: {  	_ =	swait.ge [sflag:s10], $0x2800  }
0x15: {  	[sflag:s10] =	ssyncset.done $0x0  }
0x16: {  	s18 =	simm.s32 $0x2800;
	[sflag:s10] =	ssyncadd.s32 $0xFFFFD800  }
0x17: {  	[tilespmem:s18], [sflag:$0x6] =	stream.linear.gather [hbm4b:s6+s3], $0x2800, $0x38;
	[tilespmem:$0xEE20] =	vst v63  }
0x18: {  	_ =	swait.ge [sflag:s10], $0x2800  }
0x19: {  	[sflag:s10] =	ssyncset.done $0x0  }
0x1a: {  	[sflag:s10] =	ssyncadd.s32 $0xFFFFD800  }
0x1b: {  	[spmem:s13], [sflag:s12] =	dma.local [hbm:s7], $0xA00  }
0x1c: {  	_ =	swait.ge [sflag:s10], $0xA00  }
0x1d: {  	[sflag:s10] =	ssyncset.done $0x0  }
0x1e: {  	[sflag:s10] =	ssyncadd.s32 $0xFFFFF600  }
0x1f: {  	[bflag:$0x0] =	sbarrier.arrive $0xFFFF  }
0x20: {  	[tilespmem:s15], [sflag:$0x1] =	stream.indirect.gather [hbm4b:s4+s14], $0x20, s3, s14, $0xb8;
	[tilespmem:$0xEE20] =	vst v63  }
0x21: {  	s22 =	simm.s32 $0x80  }
0x22: {  	[tilespmem:s17], [sflag:$0x2] =	stream.indirect.gather [hbm4b:s4+s14], $0x20, s22, s14, $0xb8;
	[tilespmem:$0xEE20] =	vst v63  }
0x23: {  	s20 =	simm.s32 $0x100  }
0x24: {  	[tilespmem:s19], [sflag:$0x3] =	stream.indirect.gather [hbm4b:s4+s14], $0x20, s20, s14, $0xb8;
	[tilespmem:$0xEE20] =	vst v63  }
0x25: {  	s22 =	simm.s32 $0x180  }
0x26: {  	[tilespmem:s21], [sflag:$0x4] =	stream.indirect.gather [hbm4b:s4+s14], $0x20, s22, s14, $0xb8;
	[tilespmem:$0xEE20] =	vst v63  }
0x27: {  	s20 =	simm.s32 $0x200  }
0x28: {  	[tilespmem:s23], [sflag:$0x5] =	stream.indirect.gather [hbm4b:s4+s14], $0x20, s20, s14, $0xb8;
	[tilespmem:$0xEE20] =	vst v63  }
0x29: {  	_ =	swait.ge [sflag:s24], $0xFA0  }
0x2a: {  	[sflag:s24] =	ssyncset.done $0x0  }
0x2b: {  	s22 =	simm.s32 $0x2800;
	[sflag:s24] =	ssyncadd.s32 $0xFFFFF060  }
0x2c: {  	[spmem:s2] =	stream.indirect.scatter.add.f32 [tilespmem:s15], [sflag:$0x6], $0x20, s22, s14, $0xb8;
	[tilespmem:$0xEE20] =	vst v63  }
0x2d: {  	_ =	swait.ge [sflag:s10], $0xFA0  }
0x2e: {  	[sflag:s10] =	ssyncset.done $0x0  }
0x2f: {  	s20 =	simm.s32 $0x280;
	[sflag:s10] =	ssyncadd.s32 $0xFFFFF060  }
0x30: {  	[tilespmem:s15], [sflag:$0x1] =	stream.indirect.gather [hbm4b:s4+s14], $0x20, s20, s14, $0xb8;
	[tilespmem:$0xEE20] =	vst v63  }
0x31: {  	_ =	swait.ge [sflag:s25], $0xFA0  }
0x32: {  	[sflag:s25] =	ssyncset.done $0x0  }
0x33: {  	s22 =	simm.s32 $0x2880;
	[sflag:s25] =	ssyncadd.s32 $0xFFFFF060  }
0x34: {  	[spmem:s2] =	stream.indirect.scatter.add.f32 [tilespmem:s17], [sflag:$0x6], $0x20, s22, s14, $0xb8;
	[tilespmem:$0xEE20] =	vst v63  }
0x35: {  	_ =	swait.ge [sflag:s10], $0xFA0  }
0x36: {  	[sflag:s10] =	ssyncset.done $0x0  }
0x37: {  	s20 =	simm.s32 $0x300;
	[sflag:s10] =	ssyncadd.s32 $0xFFFFF060  }
0x38: {  	[tilespmem:s17], [sflag:$0x2] =	stream.indirect.gather [hbm4b:s4+s14], $0x20, s20, s14, $0xb8;
	[tilespmem:$0xEE20] =	vst v63  }
0x39: {  	_ =	swait.ge [sflag:s26], $0xFA0  }
0x3a: {  	[sflag:s26] =	ssyncset.done $0x0  }
0x3b: {  	s22 =	simm.s32 $0x2900;
	[sflag:s26] =	ssyncadd.s32 $0xFFFFF060  }
0x3c: {  	[spmem:s2] =	stream.indirect.scatter.add.f32 [tilespmem:s19], [sflag:$0x6], $0x20, s22, s14, $0xb8;
	[tilespmem:$0xEE20] =	vst v63  }
0x3d: {  	_ =	swait.ge [sflag:s10], $0xFA0  }
0x3e: {  	[sflag:s10] =	ssyncset.done $0x0  }
0x3f: {  	s20 =	simm.s32 $0x380;
	[sflag:s10] =	ssyncadd.s32 $0xFFFFF060  }
0x40: {  	[tilespmem:s19], [sflag:$0x3] =	stream.indirect.gather [hbm4b:s4+s14], $0x20, s20, s14, $0xb8;
	[tilespmem:$0xEE20] =	vst v63  }
0x41: {  	_ =	swait.ge [sflag:s28], $0xFA0  }
0x42: {  	[sflag:s28] =	ssyncset.done $0x0  }
0x43: {  	s22 =	simm.s32 $0x2980;
	[sflag:s28] =	ssyncadd.s32 $0xFFFFF060  }
0x44: {  	[spmem:s2] =	stream.indirect.scatter.add.f32 [tilespmem:s21], [sflag:$0x6], $0x20, s22, s14, $0xb8;
	[tilespmem:$0xEE20] =	vst v63  }
0x45: {  	_ =	swait.ge [sflag:s10], $0xFA0  }
0x46: {  	[sflag:s10] =	ssyncset.done $0x0  }
0x47: {  	s20 =	simm.s32 $0x400;
	[sflag:s10] =	ssyncadd.s32 $0xFFFFF060  }
0x48: {  	[tilespmem:s21], [sflag:$0x4] =	stream.indirect.gather [hbm4b:s4+s14], $0x20, s20, s14, $0xb8;
	[tilespmem:$0xEE20] =	vst v63  }
0x49: {  	_ =	swait.ge [sflag:s29], $0xFA0  }
0x4a: {  	[sflag:s29] =	ssyncset.done $0x0  }
0x4b: {  	s22 =	simm.s32 $0x2A00;
	[sflag:s29] =	ssyncadd.s32 $0xFFFFF060  }
0x4c: {  	[spmem:s2] =	stream.indirect.scatter.add.f32 [tilespmem:s23], [sflag:$0x6], $0x20, s22, s14, $0xb8;
	[tilespmem:$0xEE20] =	vst v63  }
0x4d: {  	_ =	swait.ge [sflag:s10], $0xFA0  }
0x4e: {  	[sflag:s10] =	ssyncset.done $0x0  }
0x4f: {  	s18 =	simm.s32 $0xA00;
	s20 =	simm.s32 $0x480;
	[sflag:s10] =	ssyncadd.s32 $0xFFFFF060  }
.LBB2_2:
0x50: {  	[tilespmem:s23], [sflag:$0x5] =	stream.indirect.gather [hbm4b:s4+s14], $0x20, s20, s14, $0xb8;
	[tilespmem:$0xEE20] =	vst v63  }
0x51: {  	s20 =	smov.u32 s18  }
0x52: {  	p0 =	sne.s32 s18, $0x8C00;
	s18 =	sadd.s32 $0xA00, s18;
	_ =	swait.ge [sflag:s24], $0xFA0  }
0x53: {  	s20 =	sshra.s32 s20, $0x2;
	[sflag:s24] =	ssyncset.done $0x0  }
0x54: {  	s22 =	sadd.s32 $0x2800, s20;
	[sflag:s24] =	ssyncadd.s32 $0xFFFFF060  }
0x55: {  	[spmem:s2] =	stream.indirect.scatter.add.f32 [tilespmem:s15], [sflag:$0x6], $0x20, s22, s14, $0xb8;
	[tilespmem:$0xEE20] =	vst v63  }
0x56: {  	_ =	swait.ge [sflag:s10], $0xFA0  }
0x57: {  	[sflag:s10] =	ssyncset.done $0x0  }
0x58: {  	s22 =	sadd.s32 $0x280, s20;
	[sflag:s10] =	ssyncadd.s32 $0xFFFFF060  }
0x59: {  	[tilespmem:s15], [sflag:$0x1] =	stream.indirect.gather [hbm4b:s4+s14], $0x20, s22, s14, $0xb8;
	[tilespmem:$0xEE20] =	vst v63  }
0x5a: {  	_ =	swait.ge [sflag:s25], $0xFA0  }
0x5b: {  	[sflag:s25] =	ssyncset.done $0x0  }
0x5c: {  	s22 =	sadd.s32 $0x2880, s20;
	[sflag:s25] =	ssyncadd.s32 $0xFFFFF060  }
0x5d: {  	[spmem:s2] =	stream.indirect.scatter.add.f32 [tilespmem:s17], [sflag:$0x6], $0x20, s22, s14, $0xb8;
	[tilespmem:$0xEE20] =	vst v63  }
0x5e: {  	_ =	swait.ge [sflag:s10], $0xFA0  }
0x5f: {  	[sflag:s10] =	ssyncset.done $0x0  }
0x60: {  	s22 =	sadd.s32 $0x300, s20;
	[sflag:s10] =	ssyncadd.s32 $0xFFFFF060  }
0x61: {  	[tilespmem:s17], [sflag:$0x2] =	stream.indirect.gather [hbm4b:s4+s14], $0x20, s22, s14, $0xb8;
	[tilespmem:$0xEE20] =	vst v63  }
0x62: {  	_ =	swait.ge [sflag:s26], $0xFA0  }
0x63: {  	[sflag:s26] =	ssyncset.done $0x0  }
0x64: {  	s22 =	sadd.s32 $0x2900, s20;
	[sflag:s26] =	ssyncadd.s32 $0xFFFFF060  }
0x65: {  	[spmem:s2] =	stream.indirect.scatter.add.f32 [tilespmem:s19], [sflag:$0x6], $0x20, s22, s14, $0xb8;
	[tilespmem:$0xEE20] =	vst v63  }
0x66: {  	_ =	swait.ge [sflag:s10], $0xFA0  }
0x67: {  	[sflag:s10] =	ssyncset.done $0x0  }
0x68: {  	s22 =	sadd.s32 $0x380, s20;
	[sflag:s10] =	ssyncadd.s32 $0xFFFFF060  }
0x69: {  	[tilespmem:s19], [sflag:$0x3] =	stream.indirect.gather [hbm4b:s4+s14], $0x20, s22, s14, $0xb8;
	[tilespmem:$0xEE20] =	vst v63  }
0x6a: {  	_ =	swait.ge [sflag:s28], $0xFA0  }
0x6b: {  	[sflag:s28] =	ssyncset.done $0x0  }
0x6c: {  	s22 =	sadd.s32 $0x2980, s20;
	[sflag:s28] =	ssyncadd.s32 $0xFFFFF060  }
0x6d: {  	[spmem:s2] =	stream.indirect.scatter.add.f32 [tilespmem:s21], [sflag:$0x6], $0x20, s22, s14, $0xb8;
	[tilespmem:$0xEE20] =	vst v63  }
0x6e: {  	_ =	swait.ge [sflag:s10], $0xFA0  }
0x6f: {  	[sflag:s10] =	ssyncset.done $0x0  }
0x70: {  	s22 =	sadd.s32 $0x400, s20;
	[sflag:s10] =	ssyncadd.s32 $0xFFFFF060  }
0x71: {  	[tilespmem:s21], [sflag:$0x4] =	stream.indirect.gather [hbm4b:s4+s14], $0x20, s22, s14, $0xb8;
	[tilespmem:$0xEE20] =	vst v63  }
0x72: {  	_ =	swait.ge [sflag:s29], $0xFA0  }
0x73: {  	[sflag:s29] =	ssyncset.done $0x0  }
.Ltmp0:
0x74: {  	s22 =	sadd.s32 $0x2A00, s20;
	[sflag:s29] =	ssyncadd.s32 $0xFFFFF060;
	(pc) =	sbr.rel @p0 .LBB2_2-.Ltmp0, $4  }
0x75: {  	[spmem:s2] =	stream.indirect.scatter.add.f32 [tilespmem:s23], [sflag:$0x6], $0x20, s22, s14, $0xb8;
	[tilespmem:$0xEE20] =	vst v63  }
0x76: {  	_ =	swait.ge [sflag:s10], $0xFA0  }
0x77: {  	[sflag:s10] =	ssyncset.done $0x0  }
0x78: {  	s20 =	sadd.s32 $0x480, s20;
	[sflag:s10] =	ssyncadd.s32 $0xFFFFF060  }
0x79: {  	[tilespmem:s23], [sflag:$0x5] =	stream.indirect.gather [hbm4b:s4+s14], $0x20, s20, s14, $0xb8;
	[tilespmem:$0xEE20] =	vst v63  }
0x7a: {  	_ =	swait.ge [sflag:s24], $0xFA0  }
0x7b: {  	[sflag:s24] =	ssyncset.done $0x0  }
0x7c: {  	[sflag:s24] =	ssyncadd.s32 $0xFFFFF060  }
0x7d: {  	[spmem:s2] =	stream.indirect.scatter.add.f32 [tilespmem:s15], [sflag:$0x6], $0x20, s30, s14, $0xb8;
	[tilespmem:$0xEE20] =	vst v63  }
0x7e: {  	_ =	swait.ge [sflag:s10], $0xFA0  }
0x7f: {  	[sflag:s10] =	ssyncset.done $0x0  }
0x80: {  	[sflag:s10] =	ssyncadd.s32 $0xFFFFF060  }
0x81: {  	_ =	swait.ge [sflag:s25], $0xFA0  }
0x82: {  	[sflag:s25] =	ssyncset.done $0x0  }
0x83: {  	[sflag:s25] =	ssyncadd.s32 $0xFFFFF060  }
0x84: {  	[spmem:s2] =	stream.indirect.scatter.add.f32 [tilespmem:s17], [sflag:$0x6], $0x20, s31, s14, $0xb8;
	[tilespmem:$0xEE20] =	vst v63  }
0x85: {  	_ =	swait.ge [sflag:s10], $0xFA0  }
0x86: {  	[sflag:s10] =	ssyncset.done $0x0  }
0x87: {  	[sflag:s10] =	ssyncadd.s32 $0xFFFFF060  }
0x88: {  	_ =	swait.ge [sflag:s26], $0xFA0  }
0x89: {  	[sflag:s26] =	ssyncset.done $0x0  }
0x8a: {  	[sflag:s26] =	ssyncadd.s32 $0xFFFFF060  }
0x8b: {  	[spmem:s2] =	stream.indirect.scatter.add.f32 [tilespmem:s19], [sflag:$0x6], $0x20, s1, s14, $0xb8;
	[tilespmem:$0xEE20] =	vst v63  }
0x8c: {  	_ =	swait.ge [sflag:s10], $0xFA0  }
0x8d: {  	[sflag:s10] =	ssyncset.done $0x0  }
0x8e: {  	[sflag:s10] =	ssyncadd.s32 $0xFFFFF060  }
0x8f: {  	_ =	swait.ge [sflag:s28], $0xFA0  }
0x90: {  	[sflag:s28] =	ssyncset.done $0x0  }
0x91: {  	[sflag:s28] =	ssyncadd.s32 $0xFFFFF060  }
0x92: {  	[spmem:s2] =	stream.indirect.scatter.add.f32 [tilespmem:s21], [sflag:$0x6], $0x20, s0, s14, $0xb8;
	[tilespmem:$0xEE20] =	vst v63  }
0x93: {  	_ =	swait.ge [sflag:s10], $0xFA0  }
0x94: {  	[sflag:s10] =	ssyncset.done $0x0  }
0x95: {  	[sflag:s10] =	ssyncadd.s32 $0xFFFFF060  }
0x96: {  	_ =	swait.ge [sflag:s29], $0xFA0  }
0x97: {  	[sflag:s29] =	ssyncset.done $0x0  }
0x98: {  	[sflag:s29] =	ssyncadd.s32 $0xFFFFF060  }
0x99: {  	[spmem:s2] =	stream.indirect.scatter.add.f32 [tilespmem:s23], [sflag:$0x6], $0x20, s11, s14, $0xb8;
	[tilespmem:$0xEE20] =	vst v63  }
0x9a: {  	_ =	swait.ge [sflag:s10], $0xFA0  }
0x9b: {  	s16 =	sadd.s32 $0x1, s16;
	[sflag:s10] =	ssyncset.done $0x0  }
0x9c: {  	p0 =	sne.s32 s16, s9;
	[sflag:s10] =	ssyncadd.s32 $0xFFFFF060  }
.Ltmp1:
0x9d: {  	[bflag:$0x0] =	sbarrier.arrive $0xFFFF;
	(pc) =	sbr.rel @p0 .LBB2_1-.Ltmp1, $4  }
0x9e: {  	[hbm:s8], [sflag:s12] =	dma.local [spmem:s13], $0xA00  }
0x9f: {  	_ =	swait.ge [sflag:s10], $0xA00  }
0xa0: {  	[sflag:s10] =	ssyncset.done $0x0  }
0xa1: {  	[sflag:s10] =	ssyncadd.s32 $0xFFFFF600  }
0xa2: {  	_ =	sfence.sel $0x180000  }
0xa3: {  	[bflag:$0x0] =	sbarrier.arrive $0xFFFF  }
0xa4: {  	_ =	strace $0x9000004A  }
0xa5: {  	s0 =	stileid.u32;
	[bflag:$0x2] =	sbarrier.arrive $0xFFFF  }
0xa6: {  	p0 =	sne.s32 s0, $0x0;
	s0 =	rddreg [dreg:$0x2]  }
0xa7: {  	s0 =	sadd.s32 @!p0 $0x100000, s0  }
0xa8: {  	[sflag:s0] =	ssyncadd.tile.s32 @!p0 $0x1;
	_ =	shalt  }
.Lfunc_end2:
_tile_overlayer_lowered:
.L_overlay_start_2:
0xa9: {  	(tag) =	ssettag $0x2  }
0xaa: {  	s0 =	rddreg [dreg:$0x0];
	s2 =	stileid.u32  }
0xab: {  	s1 =	rddreg [dreg:$0x1];
	p0 =	sne.s32 s2, $0x0  }
0xac: {  	s3 =	rddreg [dreg:$0x2];
	[bflag:$0x3] =	sbarrier.arrive $0xFFFF;
	s2 =	simm.s32 @!p0 $0x1C06  }
0xad: {  	[timem:s3], [sflag:s2] =	dma.local @!p0 [hbm:s0], s1  }
0xae: {  	s0 =	simm.s32 @!p0 $0x6  }
0xaf: {  	_ =	swait.ge @!p0 [sflag:s0], s1  }
0xb0: {  	s1 =	ssub.s32 @!p0 $0x0, s1;
	[sflag:s0] =	ssyncset.done @!p0 $0x0  }
0xb1: {  	[sflag:s0] =	ssyncadd.s32 @!p0 s1  }
0xb2: {  	[bflag:$0x3] =	sbarrier.arrive $0xFFFF  }
0xb3: {  	_ =	shalt  }

// kernel: kernel.15.cloned.1.call-start
scs
__scs_entry_jumppad:
0x0: {  	(pc) =	sbr.rel $0x88, $3  }
0x1: {  	(tag) =	ssettag $0x0;
	lr =	simm.s32 $0x1  }
0x2: {  	[smem:$0x3F99] =	sst lr;
	_ =	strace $0xD0000000  }
0x3: {  	_ = 	snop  }
0x4: {  	_ = 	snop  }
0x5: {  	_ = 	snop  }
0x6: {  	_ = 	snop  }
0x7: {  	_ = 	snop  }
__scs_overlays_trampoline_lowered:
0x8: {  	[smem:$0x3FA8] =	sst s0  }
0x9: {  	[smem:$0x3FA9] =	sst s1  }
0xa: {  	[smem:$0x3FAA] =	sst s2  }
0xb: {  	[smem:$0x3FAB] =	sst s3  }
0xc: {  	[smem:$0x3FAC] =	sst s4  }
0xd: {  	[smem:$0x3FAD] =	sst s5  }
0xe: {  	[smem:$0x3FAE] =	sst s6  }
0xf: {  	[smem:$0x3FAF] =	sst s7  }
0x10: {  	[smem:$0x3FB0] =	sst s8  }
0x11: {  	[smem:$0x3FB1] =	sst s9;
	s0 =	simm.s32 @!p0 $0x0  }
0x12: {  	s1 =	sld [smem:$0x3F97];
	s0 =	simm.s32 @p0 $0x1  }
0x13: {  	[smem:$0x3FB2] =	sst s0;
	s0 =	simm.s32 @!p1 $0x0  }
0x14: {  	s2 =	sld [smem:$0x3F96];
	s0 =	simm.s32 @p1 $0x1  }
0x15: {  	[smem:$0x3FB3] =	sst s0;
	s0 =	simm.s32 @!p2 $0x0  }
0x16: {  	s3 =	sld [smem:$0x3FDB];
	s0 =	simm.s32 @p2 $0x1  }
0x17: {  	s4 =	simm.s32 $0x1BF5;
	[smem:$0x3FB5] =	sst s0  }
0x18: {  	s0 =	sld [smem:$0x3F98];
	_ =	swait.ge [sflag:s4], $0x0  }
0x19: {  	s7 =	sld [smem:$0x3F99]  }
0x1a: {  	s8 =	sadd.s32 $0xFFFFE003, lr  }
0x1b: {  	s9 =	sadd.s32 $0xFFFFFEF7, lr;
	s5 =	simm.s32 $0xFFFFFFFF;
	p2 =	slt.u32 s8, $0xFFFFF086  }
0x1c: {  	p1 =	slt.u32 s9, $0xF7A;
	s5 =	simm.s32 @!p2 $0x0  }
0x1d: {  	s5 =	simm.s32 @p1 $0x1;
	p0 =	seq.s32 s7, s2  }
0x1e: {  	s7 =	smul.u32 @!p0 $0xF7A, s2;
	p2 =	seq.s32 @!p0 s5, $0x0  }
0x1f: {  	s9 =	smul.u32 $0xF7A, s1;
	s8 =	simm.s32 @!p0 $0x1BF5;
	p2 =	por !p2, p0  }
0x20: {  	[sflag:s8] =	ssyncset.s32 @!p0 $0xFFFFF086;
	s6 =	sadd.s32 @!p0 s3, s7;
	s7 =	simm.s32 @!p0 $0x108  }
0x21: {  	s3 =	sadd.s32 s3, s9;
	s6 =	sadd.s32 @!p0 $0x88, s6;
	s7 =	simm.s32 @p2 $0x1082  }
0x22: {  	[simem:s7], [sflag:s8] =	dma.local @!p0 [hbm:s6], $0xF7A  }
0x23: {  	s9 =	sor.u32 $0xD0000000, s2;
	s6 =	simm.s32 $0x108;
	_ =	swait.ge @!p0 [sflag:s8], $0x0  }
0x24: {  	s3 =	sadd.s32 $0x88, s3;
	s6 =	simm.s32 @!p1 $0x1082;
	[sflag:s4] =	ssyncset.s32 $0xFFFFF086  }
0x25: {  	[simem:s6], [sflag:s4] =	dma.local [hbm:s3], $0xF7A  }
0x26: {  	[smem:$0x3F99] =	sst s1;
	(tag) =	ssettag s2;
	_ =	strace s9  }
0x27: {  	s1 =	sld [smem:$0x3FA9]  }
0x28: {  	s2 =	sld [smem:$0x3FAA]  }
0x29: {  	s4 =	sld [smem:$0x3FAC]  }
0x2a: {  	p0 =	seq.s32 s5, $0x0;
	s5 =	sld [smem:$0x3FAD]  }
0x2b: {  	s6 =	sld [smem:$0x3FAE]  }
0x2c: {  	s7 =	sld [smem:$0x3FAF]  }
0x2d: {  	s3 =	simm.s32 $0x108;
	s8 =	sld [smem:$0x3FB0]  }
0x2e: {  	s3 =	simm.s32 @!p0 $0x1082;
	s9 =	sld [smem:$0x3FB1]  }
0x2f: {  	lr =	sadd.s32 s0, s3;
	s0 =	sld [smem:$0x3FA8]  }
0x30: {  	s3 =	sld [smem:$0x3FAB]  }
0x31: {  	[smem:$0x3FB4] =	sst s10  }
0x32: {  	s10 =	sld [smem:$0x3FB2];
	_ =	sdelay $0x3  }
0x33: {  	p0 =	seq.s32 s10, $0x1;
	s10 =	sld [smem:$0x3FB4];
	_ =	sdelay $0x3  }
0x34: {  	[smem:$0x3FB4] =	sst s10  }
0x35: {  	s10 =	sld [smem:$0x3FB3];
	_ =	sdelay $0x3  }
0x36: {  	p1 =	seq.s32 s10, $0x1;
	s10 =	sld [smem:$0x3FB4];
	_ =	sdelay $0x3  }
0x37: {  	[smem:$0x3FB4] =	sst s10  }
0x38: {  	s10 =	sld [smem:$0x3FB5]  }
0x39: {  	_ = 	snop;
	(pc) =	sbr.ind lr, $3  }
0x3a: {  	_ = 	snop  }
0x3b: {  	_ = 	snop  }
0x3c: {  	p2 =	seq.s32 s10, $0x1;
	s10 =	sld [smem:$0x3FB4]  }
0x3d: {  	_ =	shalt  }
0x3e: {  	_ =	shalt  }
0x3f: {  	_ =	shalt  }
0x40: {  	_ =	shalt  }
0x41: {  	_ =	shalt  }
0x42: {  	_ =	shalt  }
0x43: {  	_ =	shalt  }
0x44: {  	_ =	shalt  }
0x45: {  	_ =	shalt  }
0x46: {  	_ =	shalt  }
0x47: {  	_ =	shalt  }
0x48: {  	_ =	shalt  }
0x49: {  	_ =	shalt  }
0x4a: {  	_ =	shalt  }
0x4b: {  	_ =	shalt  }
0x4c: {  	_ =	shalt  }
0x4d: {  	_ =	shalt  }
0x4e: {  	_ =	shalt  }
0x4f: {  	_ =	shalt  }
0x50: {  	_ =	shalt  }
0x51: {  	_ =	shalt  }
0x52: {  	_ =	shalt  }
0x53: {  	_ =	shalt  }
0x54: {  	_ =	shalt  }
0x55: {  	_ =	shalt  }
0x56: {  	_ =	shalt  }
0x57: {  	_ =	shalt  }
0x58: {  	_ =	shalt  }
0x59: {  	_ =	shalt  }
0x5a: {  	_ =	shalt  }
0x5b: {  	_ =	shalt  }
0x5c: {  	_ =	shalt  }
0x5d: {  	_ =	shalt  }
0x5e: {  	_ =	shalt  }
0x5f: {  	_ =	shalt  }
0x60: {  	_ =	shalt  }
0x61: {  	_ =	shalt  }
0x62: {  	_ =	shalt  }
0x63: {  	_ =	shalt  }
0x64: {  	_ =	shalt  }
0x65: {  	_ =	shalt  }
0x66: {  	_ =	shalt  }
0x67: {  	_ =	shalt  }
0x68: {  	_ =	shalt  }
0x69: {  	_ =	shalt  }
0x6a: {  	_ =	shalt  }
0x6b: {  	_ =	shalt  }
0x6c: {  	_ =	shalt  }
0x6d: {  	_ =	shalt  }
0x6e: {  	_ =	shalt  }
0x6f: {  	_ =	shalt  }
0x70: {  	_ =	shalt  }
0x71: {  	_ =	shalt  }
0x72: {  	_ =	shalt  }
0x73: {  	_ =	shalt  }
0x74: {  	_ =	shalt  }
0x75: {  	_ =	shalt  }
0x76: {  	_ =	shalt  }
0x77: {  	_ =	shalt  }
0x78: {  	_ =	shalt  }
0x79: {  	_ =	shalt  }
0x7a: {  	_ =	shalt  }
0x7b: {  	_ =	shalt  }
0x7c: {  	_ =	shalt  }
0x7d: {  	_ =	shalt  }
0x7e: {  	_ =	shalt  }
0x7f: {  	_ =	shalt  }
0x80: {  	_ =	shalt  }
0x81: {  	_ =	shalt  }
0x82: {  	_ =	shalt  }
0x83: {  	_ =	shalt  }
0x84: {  	_ =	shalt  }
0x85: {  	_ =	shalt  }
0x86: {  	_ =	shalt  }
0x87: {  	_ =	shalt  }
.Lfunc_end0:
.L_simem_size_0:
called_computation.2_lowered:
.L_overlay_start_0:
0x88: {  	s2 =	sld [smem:$0x3FD9]  }
0x89: {  	s3 =	sld [smem:$0x3FFE];
	_ =	sdelay $0x1  }
0x8a: {  	s1 =	srdreg.scid  }
0x8b: {  	s0 =	sand.u32 $0x1, s1  }
0x8c: {  	s17 =	sshll.u32 s0, $0xA;
	s2 =	sadd.s32 s3, s2  }
0x8d: {  	s2 =	sadd.s32 s2, s17  }
0x8e: {  	[smem:$0x3FC0] =	sst s2  }
0x8f: {  	_ = 	snop  }
0x90: {  	s2 =	sld [smem:$0x3FD0];
	(tm) =	ssettm $0x1  }
0x91: {  	s18 =	sld [smem:$0x3FFB];
	_ =	sdelay $0x3  }
0x92: {  	_ =	strace s18  }
0x93: {  	s3 =	sld [smem:$0x3FFC];
	_ =	sdelay $0x3  }
0x94: {  	_ =	strace s3  }
0x95: {  	s3 =	sld [smem:$0x3FFD];
	_ =	sdelay $0x3  }
0x96: {  	_ =	strace s3  }
0x97: {  	_ =	strace $0x8FFFFFFF  }
0x98: {  	s19 =	sld [smem:$0x3FDB];
	_ =	sdelay $0x1  }
0x99: {  	s4 =	simm.s32 $_scs_section_size  }
0x9a: {  	s5 =	simm.s32 $_size__tile_overlayer_lowered;
	s6 =	simm.s32 $_tile_overlayer_lowered  }
0x9b: {  	s22 =	simm.s32 $0x1BFF;
	s21 =	sshll.u32 s6, $0x1;
	s3 =	sadd.s32 s4, s19  }
0x9c: {  	s7 =	simm.s32 $0x0;
	s20 =	sshll.u32 s5, $0x1;
	s5 =	sadd.s32 s21, s3  }
0x9d: {  	[timem:s7], [sflag:s22] =	dma.local [hbm:s5], s20  }
0x9e: {  	_ =	swait.ge [sflag:s22], s20  }
0x9f: {  	s4 =	ssub.s32 $0x0, s20;
	[sflag:s22] =	ssyncset.done $0x0  }
0xa0: {  	[sflag:s22] =	ssyncadd.s32 s4;
	_ =	sdelay $0x1  }
0xa1: {  	s23 =	simm.s32 $0x1B8B  }
0xa2: {  	_ =	swait.ge [sflag:s23], $0x1  }
0xa3: {  	[sflag:s23] =	ssyncset.done $0x0  }
0xa4: {  	s25 =	simm.s32 $0x1B8E;
	s24 =	sld [smem:$0x3FFE];
	[sflag:s23] =	ssyncadd.s32 $0xFFFFFFFF  }
0xa5: {  	s26 =	simm.s32 $execute0_lowered;
	[smem:$0x3FD2] =	sst s25  }
0xa6: {  	s5 =	sshll.u32 s26, $0x1;
	_ =	strace $0x8000004C;
	[dreg:$0x1] =	wrdreg $0xFFFFFFFF  }
0xa7: {  	s28 =	simm.s32 $_size_execute0_lowered;
	s3 =	sadd.s32 s3, s5;
	[dreg:$0x0] =	wrdreg $0x0  }
0xa8: {  	s5 =	sshll.u32 s28, $0x1;
	[dreg:$0x2] =	wrdreg s3  }
0xa9: {  	[dreg:$0x3] =	wrdreg s5  }
0xaa: {  	[dreg:$0x4] =	wrdreg $0xC0  }
0xab: {  	_ =	task [dreg:s7], $0x5FFFF  }
0xac: {  	[dreg:$0x1] =	wrdreg $0xFFFFFFFF  }
0xad: {  	[dreg:$0x0] =	wrdreg $0x60  }
0xae: {  	[dreg:$0x2] =	wrdreg s2  }
0xaf: {  	[dreg:$0x3] =	wrdreg s24  }
0xb0: {  	[dreg:$0x4] =	wrdreg $0x77100  }
0xb1: {  	[dreg:$0x5] =	wrdreg $0x9  }
0xb2: {  	_ =	task.clear_ibuf [dreg:s7], $0x6FFFF;
	_ =	strace $0x9000004C  }
0xb3: {  	s29 =	simm.s32 $0x9;
	_ =	strace $0x8000004E  }
0xb4: {  	_ =	swait.ge [sflag:s29], $0x1  }
0xb5: {  	[sflag:s29] =	ssyncadd.s32 $0xFFFFFFFF  }
0xb6: {  	_ =	strace $0x9000004E  }
0xb7: {  	_ =	sfence  }
0xb8: {  	s30 =	sld [smem:$0x0];
	_ =	sdelay $0x2  }
0xb9: {  	s31 =	sshll.u32 s1, $0xD;
	s1 =	sshrl.u32 s1, $0x2  }
0xba: {  	s3 =	sand.u32 $0x4000, s31;
	s1 =	sadd.s32 s1, s30  }
0xbb: {  	s0 =	sor.u32 s3, s0;
	s1 =	sshll.u32 s1, $0x11  }
0xbc: {  	s0 =	sor.u32 s1, s0  }
0xbd: {  	s0 =	sadd.s32 $0x8F2B, s0  }
0xbe: {  	[sflag:s0] =	ssyncadd.remote.s32 $0x1  }
0xbf: {  	_ =	sfence.sel $0xFFFF  }
0xc0: {  	[dreg:$0x0] =	wrdreg $0xFFFFFFFF;
	(pc) =	sbr.abs _section_cstart, $3  }
0xc1: {  	[dreg:$0x1] =	wrdreg $0xFFFFFFFF  }
0xc2: {  	_ =	task.clear_ibuf [dreg:s7], $0x2FFFF;
	_ =	strace $0x9FFFFFFF  }
0xc3: {  	(tm) =	ssettm $0x7FFFFFFF  }
tec
execute0_lowered:
.L_overlay_start_1:
0x0: {  	(tag) =	ssettag $0x1  }
0x1: {  	s2 =	rddreg [dreg:$0x0]  }
0x2: {  	s0 =	srdreg.scid;
	s5 =	rddreg [dreg:$0x1]  }
0x3: {  	s11 =	stileid.u32;
	s3 =	rddreg [dreg:$0x2];
	s4 =	simm.s32 $0x0  }
0x4: {  	s10 =	simm.s32 $0x6;
	s14 =	simm.s32 $0x7D;
	s15 =	simm.s32 $0x5000  }
0x5: {  	s17 =	simm.s32 $0x57D0;
	s19 =	simm.s32 $0x5FA0;
	s21 =	simm.s32 $0x6770  }
0x6: {  	s28 =	simm.s32 $0x4;
	s29 =	simm.s32 $0x5;
	s30 =	simm.s32 $0x4D80  }
0x7: {  	s31 =	simm.s32 $0x4E00;
	s16 =	simm.s32 $0x0;
	s7 =	smul.u32 $0x2800, s11  }
0x8: {  	s0 =	sand.u32 $0x1, s0;
	s6 =	smul.u32 $0x500, s11;
	[smem:$0x7FF] =	sst s4  }
0x9: {  	s26 =	sshll.u32 s11, $0x6;
	s1 =	sshll.u32 s0, $0x4;
	s8 =	smul.u32 $0x5000, s0  }
0xa: {  	_ =	strace $0x8000004D;
	s0 =	ssub.s32 $0x2, s0;
	s12 =	sor.u32 $0x1C06, s26  }
0xb: {  	s26 =	simm.s32 $0x3;
	s1 =	sor.u32 s11, s1;
	s9 =	sshrl.u32 s7, $0x3  }
0xc: {  	s24 =	sshrl.u32 s0, $0x1;
	s25 =	sadd.s32 s7, s3;
	s11 =	simm.s32 $0x4F80  }
0xd: {  	s1 =	smul.u32 $0x2800, s1;
	s6 =	sadd.s32 s6, s8;
	s22 =	sadd.s32 s9, s5  }
0xe: {  	s0 =	ssub.s32 s0, s24;
	s13 =	sshrl.u32 s25, $0x3;
	s24 =	simm.s32 $0x1  }
0xf: {  	s25 =	simm.s32 $0x2;
	s23 =	sadd.s32 s6, s5;
	s7 =	sadd.s32 $0x16A00, s22  }
0x10: {  	s9 =	smax.u32 s0, $0x1;
	s0 =	simm.s32 $0x4F00;
	s1 =	sshrl.u32 s1, $0x3  }
0x11: {  	s8 =	sadd.s32 $0x1BA00, s23;
	s23 =	simm.s32 $0x6F40;
	s1 =	sadd.s32 s1, s5  }
0x12: {  	s5 =	sadd.s32 $0x2A00, s1;
	s6 =	sadd.s32 $0xCA00, s1;
	s1 =	simm.s32 $0x4E80  }
.LBB2_1:
0x13: {  	[tilespmem:s4], [sflag:$0x6] =	stream.linear.gather [hbm4b:s5+s4], $0x2800, $0x38;
	[tilespmem:$0x9F10] =	vst v63  }
0x14: {  	_ =	swait.ge [sflag:s10], $0x2800  }
0x15: {  	[sflag:s10] =	ssyncset.done $0x0  }
0x16: {  	s18 =	simm.s32 $0x2800;
	[sflag:s10] =	ssyncadd.s32 $0xFFFFD800  }
0x17: {  	[tilespmem:s18], [sflag:$0x6] =	stream.linear.gather [hbm4b:s6+s4], $0x2800, $0x38;
	[tilespmem:$0x9F10] =	vst v63  }
0x18: {  	_ =	swait.ge [sflag:s10], $0x2800  }
0x19: {  	[sflag:s10] =	ssyncset.done $0x0  }
0x1a: {  	[sflag:s10] =	ssyncadd.s32 $0xFFFFD800  }
0x1b: {  	[spmem:s13], [sflag:s12] =	dma.local [hbm:s7], $0x500  }
0x1c: {  	_ =	swait.ge [sflag:s10], $0x500  }
0x1d: {  	[sflag:s10] =	ssyncset.done $0x0  }
0x1e: {  	[sflag:s10] =	ssyncadd.s32 $0xFFFFFB00  }
0x1f: {  	[bflag:$0x0] =	sbarrier.arrive $0xFFFF  }
0x20: {  	[tilespmem:s15], [sflag:$0x1] =	stream.indirect.gather [hbm4b:s2+s14], $0x10, s4, s14, $0xb8;
	[tilespmem:$0x9F10] =	vst v63  }
0x21: {  	s22 =	simm.s32 $0x80  }
0x22: {  	[tilespmem:s17], [sflag:$0x2] =	stream.indirect.gather [hbm4b:s2+s14], $0x10, s22, s14, $0xb8;
	[tilespmem:$0x9F10] =	vst v63  }
0x23: {  	s20 =	simm.s32 $0x100  }
0x24: {  	[tilespmem:s19], [sflag:$0x3] =	stream.indirect.gather [hbm4b:s2+s14], $0x10, s20, s14, $0xb8;
	[tilespmem:$0x9F10] =	vst v63  }
0x25: {  	s22 =	simm.s32 $0x180  }
0x26: {  	[tilespmem:s21], [sflag:$0x4] =	stream.indirect.gather [hbm4b:s2+s14], $0x10, s22, s14, $0xb8;
	[tilespmem:$0x9F10] =	vst v63  }
0x27: {  	s20 =	simm.s32 $0x200  }
0x28: {  	[tilespmem:s23], [sflag:$0x5] =	stream.indirect.gather [hbm4b:s2+s14], $0x10, s20, s14, $0xb8;
	[tilespmem:$0x9F10] =	vst v63  }
0x29: {  	_ =	swait.ge [sflag:s24], $0x7D0  }
0x2a: {  	[sflag:s24] =	ssyncset.done $0x0  }
0x2b: {  	s22 =	simm.s32 $0x2800;
	[sflag:s24] =	ssyncadd.s32 $0xFFFFF830  }
0x2c: {  	[spmem:s3] =	stream.indirect.scatter.add.f32 [tilespmem:s15], [sflag:$0x6], $0x10, s22, s14, $0xb8;
	[tilespmem:$0x9F10] =	vst v63  }
0x2d: {  	_ =	swait.ge [sflag:s10], $0x7D0  }
0x2e: {  	[sflag:s10] =	ssyncset.done $0x0  }
0x2f: {  	s20 =	simm.s32 $0x280;
	[sflag:s10] =	ssyncadd.s32 $0xFFFFF830  }
0x30: {  	[tilespmem:s15], [sflag:$0x1] =	stream.indirect.gather [hbm4b:s2+s14], $0x10, s20, s14, $0xb8;
	[tilespmem:$0x9F10] =	vst v63  }
0x31: {  	_ =	swait.ge [sflag:s25], $0x7D0  }
0x32: {  	[sflag:s25] =	ssyncset.done $0x0  }
0x33: {  	s22 =	simm.s32 $0x2880;
	[sflag:s25] =	ssyncadd.s32 $0xFFFFF830  }
0x34: {  	[spmem:s3] =	stream.indirect.scatter.add.f32 [tilespmem:s17], [sflag:$0x6], $0x10, s22, s14, $0xb8;
	[tilespmem:$0x9F10] =	vst v63  }
0x35: {  	_ =	swait.ge [sflag:s10], $0x7D0  }
0x36: {  	[sflag:s10] =	ssyncset.done $0x0  }
0x37: {  	s20 =	simm.s32 $0x300;
	[sflag:s10] =	ssyncadd.s32 $0xFFFFF830  }
0x38: {  	[tilespmem:s17], [sflag:$0x2] =	stream.indirect.gather [hbm4b:s2+s14], $0x10, s20, s14, $0xb8;
	[tilespmem:$0x9F10] =	vst v63  }
0x39: {  	_ =	swait.ge [sflag:s26], $0x7D0  }
0x3a: {  	[sflag:s26] =	ssyncset.done $0x0  }
0x3b: {  	s22 =	simm.s32 $0x2900;
	[sflag:s26] =	ssyncadd.s32 $0xFFFFF830  }
0x3c: {  	[spmem:s3] =	stream.indirect.scatter.add.f32 [tilespmem:s19], [sflag:$0x6], $0x10, s22, s14, $0xb8;
	[tilespmem:$0x9F10] =	vst v63  }
0x3d: {  	_ =	swait.ge [sflag:s10], $0x7D0  }
0x3e: {  	[sflag:s10] =	ssyncset.done $0x0  }
0x3f: {  	s20 =	simm.s32 $0x380;
	[sflag:s10] =	ssyncadd.s32 $0xFFFFF830  }
0x40: {  	[tilespmem:s19], [sflag:$0x3] =	stream.indirect.gather [hbm4b:s2+s14], $0x10, s20, s14, $0xb8;
	[tilespmem:$0x9F10] =	vst v63  }
0x41: {  	_ =	swait.ge [sflag:s28], $0x7D0  }
0x42: {  	[sflag:s28] =	ssyncset.done $0x0  }
0x43: {  	s22 =	simm.s32 $0x2980;
	[sflag:s28] =	ssyncadd.s32 $0xFFFFF830  }
0x44: {  	[spmem:s3] =	stream.indirect.scatter.add.f32 [tilespmem:s21], [sflag:$0x6], $0x10, s22, s14, $0xb8;
	[tilespmem:$0x9F10] =	vst v63  }
0x45: {  	_ =	swait.ge [sflag:s10], $0x7D0  }
0x46: {  	[sflag:s10] =	ssyncset.done $0x0  }
0x47: {  	s20 =	simm.s32 $0x400;
	[sflag:s10] =	ssyncadd.s32 $0xFFFFF830  }
0x48: {  	[tilespmem:s21], [sflag:$0x4] =	stream.indirect.gather [hbm4b:s2+s14], $0x10, s20, s14, $0xb8;
	[tilespmem:$0x9F10] =	vst v63  }
0x49: {  	_ =	swait.ge [sflag:s29], $0x7D0  }
0x4a: {  	[sflag:s29] =	ssyncset.done $0x0  }
0x4b: {  	s22 =	simm.s32 $0x2A00;
	[sflag:s29] =	ssyncadd.s32 $0xFFFFF830  }
0x4c: {  	[spmem:s3] =	stream.indirect.scatter.add.f32 [tilespmem:s23], [sflag:$0x6], $0x10, s22, s14, $0xb8;
	[tilespmem:$0x9F10] =	vst v63  }
0x4d: {  	_ =	swait.ge [sflag:s10], $0x7D0  }
0x4e: {  	[sflag:s10] =	ssyncset.done $0x0  }
0x4f: {  	s18 =	simm.s32 $0xA00;
	s20 =	simm.s32 $0x480;
	[sflag:s10] =	ssyncadd.s32 $0xFFFFF830  }
.LBB2_2:
0x50: {  	[tilespmem:s23], [sflag:$0x5] =	stream.indirect.gather [hbm4b:s2+s14], $0x10, s20, s14, $0xb8;
	[tilespmem:$0x9F10] =	vst v63  }
0x51: {  	s20 =	smov.u32 s18  }
0x52: {  	p0 =	sne.s32 s18, $0x8C00;
	s18 =	sadd.s32 $0xA00, s18;
	_ =	swait.ge [sflag:s24], $0x7D0  }
0x53: {  	s20 =	sshra.s32 s20, $0x2;
	[sflag:s24] =	ssyncset.done $0x0  }
0x54: {  	s22 =	sadd.s32 $0x2800, s20;
	[sflag:s24] =	ssyncadd.s32 $0xFFFFF830  }
0x55: {  	[spmem:s3] =	stream.indirect.scatter.add.f32 [tilespmem:s15], [sflag:$0x6], $0x10, s22, s14, $0xb8;
	[tilespmem:$0x9F10] =	vst v63  }
0x56: {  	_ =	swait.ge [sflag:s10], $0x7D0  }
0x57: {  	[sflag:s10] =	ssyncset.done $0x0  }
0x58: {  	s22 =	sadd.s32 $0x280, s20;
	[sflag:s10] =	ssyncadd.s32 $0xFFFFF830  }
0x59: {  	[tilespmem:s15], [sflag:$0x1] =	stream.indirect.gather [hbm4b:s2+s14], $0x10, s22, s14, $0xb8;
	[tilespmem:$0x9F10] =	vst v63  }
0x5a: {  	_ =	swait.ge [sflag:s25], $0x7D0  }
0x5b: {  	[sflag:s25] =	ssyncset.done $0x0  }
0x5c: {  	s22 =	sadd.s32 $0x2880, s20;
	[sflag:s25] =	ssyncadd.s32 $0xFFFFF830  }
0x5d: {  	[spmem:s3] =	stream.indirect.scatter.add.f32 [tilespmem:s17], [sflag:$0x6], $0x10, s22, s14, $0xb8;
	[tilespmem:$0x9F10] =	vst v63  }
0x5e: {  	_ =	swait.ge [sflag:s10], $0x7D0  }
0x5f: {  	[sflag:s10] =	ssyncset.done $0x0  }
0x60: {  	s22 =	sadd.s32 $0x300, s20;
	[sflag:s10] =	ssyncadd.s32 $0xFFFFF830  }
0x61: {  	[tilespmem:s17], [sflag:$0x2] =	stream.indirect.gather [hbm4b:s2+s14], $0x10, s22, s14, $0xb8;
	[tilespmem:$0x9F10] =	vst v63  }
0x62: {  	_ =	swait.ge [sflag:s26], $0x7D0  }
0x63: {  	[sflag:s26] =	ssyncset.done $0x0  }
0x64: {  	s22 =	sadd.s32 $0x2900, s20;
	[sflag:s26] =	ssyncadd.s32 $0xFFFFF830  }
0x65: {  	[spmem:s3] =	stream.indirect.scatter.add.f32 [tilespmem:s19], [sflag:$0x6], $0x10, s22, s14, $0xb8;
	[tilespmem:$0x9F10] =	vst v63  }
0x66: {  	_ =	swait.ge [sflag:s10], $0x7D0  }
0x67: {  	[sflag:s10] =	ssyncset.done $0x0  }
0x68: {  	s22 =	sadd.s32 $0x380, s20;
	[sflag:s10] =	ssyncadd.s32 $0xFFFFF830  }
0x69: {  	[tilespmem:s19], [sflag:$0x3] =	stream.indirect.gather [hbm4b:s2+s14], $0x10, s22, s14, $0xb8;
	[tilespmem:$0x9F10] =	vst v63  }
0x6a: {  	_ =	swait.ge [sflag:s28], $0x7D0  }
0x6b: {  	[sflag:s28] =	ssyncset.done $0x0  }
0x6c: {  	s22 =	sadd.s32 $0x2980, s20;
	[sflag:s28] =	ssyncadd.s32 $0xFFFFF830  }
0x6d: {  	[spmem:s3] =	stream.indirect.scatter.add.f32 [tilespmem:s21], [sflag:$0x6], $0x10, s22, s14, $0xb8;
	[tilespmem:$0x9F10] =	vst v63  }
0x6e: {  	_ =	swait.ge [sflag:s10], $0x7D0  }
0x6f: {  	[sflag:s10] =	ssyncset.done $0x0  }
0x70: {  	s22 =	sadd.s32 $0x400, s20;
	[sflag:s10] =	ssyncadd.s32 $0xFFFFF830  }
0x71: {  	[tilespmem:s21], [sflag:$0x4] =	stream.indirect.gather [hbm4b:s2+s14], $0x10, s22, s14, $0xb8;
	[tilespmem:$0x9F10] =	vst v63  }
0x72: {  	_ =	swait.ge [sflag:s29], $0x7D0  }
0x73: {  	[sflag:s29] =	ssyncset.done $0x0  }
.Ltmp0:
0x74: {  	s22 =	sadd.s32 $0x2A00, s20;
	[sflag:s29] =	ssyncadd.s32 $0xFFFFF830;
	(pc) =	sbr.rel @p0 .LBB2_2-.Ltmp0, $4  }
0x75: {  	[spmem:s3] =	stream.indirect.scatter.add.f32 [tilespmem:s23], [sflag:$0x6], $0x10, s22, s14, $0xb8;
	[tilespmem:$0x9F10] =	vst v63  }
0x76: {  	_ =	swait.ge [sflag:s10], $0x7D0  }
0x77: {  	[sflag:s10] =	ssyncset.done $0x0  }
0x78: {  	s20 =	sadd.s32 $0x480, s20;
	[sflag:s10] =	ssyncadd.s32 $0xFFFFF830  }
0x79: {  	[tilespmem:s23], [sflag:$0x5] =	stream.indirect.gather [hbm4b:s2+s14], $0x10, s20, s14, $0xb8;
	[tilespmem:$0x9F10] =	vst v63  }
0x7a: {  	_ =	swait.ge [sflag:s24], $0x7D0  }
0x7b: {  	[sflag:s24] =	ssyncset.done $0x0  }
0x7c: {  	[sflag:s24] =	ssyncadd.s32 $0xFFFFF830  }
0x7d: {  	[spmem:s3] =	stream.indirect.scatter.add.f32 [tilespmem:s15], [sflag:$0x6], $0x10, s30, s14, $0xb8;
	[tilespmem:$0x9F10] =	vst v63  }
0x7e: {  	_ =	swait.ge [sflag:s10], $0x7D0  }
0x7f: {  	[sflag:s10] =	ssyncset.done $0x0  }
0x80: {  	[sflag:s10] =	ssyncadd.s32 $0xFFFFF830  }
0x81: {  	_ =	swait.ge [sflag:s25], $0x7D0  }
0x82: {  	[sflag:s25] =	ssyncset.done $0x0  }
0x83: {  	[sflag:s25] =	ssyncadd.s32 $0xFFFFF830  }
0x84: {  	[spmem:s3] =	stream.indirect.scatter.add.f32 [tilespmem:s17], [sflag:$0x6], $0x10, s31, s14, $0xb8;
	[tilespmem:$0x9F10] =	vst v63  }
0x85: {  	_ =	swait.ge [sflag:s10], $0x7D0  }
0x86: {  	[sflag:s10] =	ssyncset.done $0x0  }
0x87: {  	[sflag:s10] =	ssyncadd.s32 $0xFFFFF830  }
0x88: {  	_ =	swait.ge [sflag:s26], $0x7D0  }
0x89: {  	[sflag:s26] =	ssyncset.done $0x0  }
0x8a: {  	[sflag:s26] =	ssyncadd.s32 $0xFFFFF830  }
0x8b: {  	[spmem:s3] =	stream.indirect.scatter.add.f32 [tilespmem:s19], [sflag:$0x6], $0x10, s1, s14, $0xb8;
	[tilespmem:$0x9F10] =	vst v63  }
0x8c: {  	_ =	swait.ge [sflag:s10], $0x7D0  }
0x8d: {  	[sflag:s10] =	ssyncset.done $0x0  }
0x8e: {  	[sflag:s10] =	ssyncadd.s32 $0xFFFFF830  }
0x8f: {  	_ =	swait.ge [sflag:s28], $0x7D0  }
0x90: {  	[sflag:s28] =	ssyncset.done $0x0  }
0x91: {  	[sflag:s28] =	ssyncadd.s32 $0xFFFFF830  }
0x92: {  	[spmem:s3] =	stream.indirect.scatter.add.f32 [tilespmem:s21], [sflag:$0x6], $0x10, s0, s14, $0xb8;
	[tilespmem:$0x9F10] =	vst v63  }
0x93: {  	_ =	swait.ge [sflag:s10], $0x7D0  }
0x94: {  	[sflag:s10] =	ssyncset.done $0x0  }
0x95: {  	[sflag:s10] =	ssyncadd.s32 $0xFFFFF830  }
0x96: {  	_ =	swait.ge [sflag:s29], $0x7D0  }
0x97: {  	[sflag:s29] =	ssyncset.done $0x0  }
0x98: {  	[sflag:s29] =	ssyncadd.s32 $0xFFFFF830  }
0x99: {  	[spmem:s3] =	stream.indirect.scatter.add.f32 [tilespmem:s23], [sflag:$0x6], $0x10, s11, s14, $0xb8;
	[tilespmem:$0x9F10] =	vst v63  }
0x9a: {  	_ =	swait.ge [sflag:s10], $0x7D0  }
0x9b: {  	s16 =	sadd.s32 $0x1, s16;
	[sflag:s10] =	ssyncset.done $0x0  }
0x9c: {  	p0 =	sne.s32 s16, s9;
	[sflag:s10] =	ssyncadd.s32 $0xFFFFF830  }
.Ltmp1:
0x9d: {  	[bflag:$0x0] =	sbarrier.arrive $0xFFFF;
	(pc) =	sbr.rel @p0 .LBB2_1-.Ltmp1, $4  }
0x9e: {  	[hbm:s8], [sflag:s12] =	dma.local [spmem:s13], $0x500  }
0x9f: {  	_ =	swait.ge [sflag:s10], $0x500  }
0xa0: {  	[sflag:s10] =	ssyncset.done $0x0  }
0xa1: {  	[sflag:s10] =	ssyncadd.s32 $0xFFFFFB00  }
0xa2: {  	_ =	sfence.sel $0x180000  }
0xa3: {  	[bflag:$0x0] =	sbarrier.arrive $0xFFFF  }
0xa4: {  	_ =	strace $0x9000004D  }
0xa5: {  	s0 =	stileid.u32;
	[bflag:$0x2] =	sbarrier.arrive $0xFFFF  }
0xa6: {  	p0 =	sne.s32 s0, $0x0;
	s0 =	rddreg [dreg:$0x3]  }
0xa7: {  	s0 =	sadd.s32 @!p0 $0x100000, s0  }
0xa8: {  	[sflag:s0] =	ssyncadd.tile.s32 @!p0 $0x1;
	_ =	shalt  }
.Lfunc_end2:
_tile_overlayer_lowered:
.L_overlay_start_2:
0xa9: {  	(tag) =	ssettag $0x2  }
0xaa: {  	s0 =	rddreg [dreg:$0x0];
	s2 =	stileid.u32  }
0xab: {  	s1 =	rddreg [dreg:$0x1];
	p0 =	sne.s32 s2, $0x0  }
0xac: {  	s3 =	rddreg [dreg:$0x2];
	[bflag:$0x3] =	sbarrier.arrive $0xFFFF;
	s2 =	simm.s32 @!p0 $0x1C06  }
0xad: {  	[timem:s3], [sflag:s2] =	dma.local @!p0 [hbm:s0], s1  }
0xae: {  	s0 =	simm.s32 @!p0 $0x6  }
0xaf: {  	_ =	swait.ge @!p0 [sflag:s0], s1  }
0xb0: {  	s1 =	ssub.s32 @!p0 $0x0, s1;
	[sflag:s0] =	ssyncset.done @!p0 $0x0  }
0xb1: {  	[sflag:s0] =	ssyncadd.s32 @!p0 s1  }
0xb2: {  	[bflag:$0x3] =	sbarrier.arrive $0xFFFF  }
0xb3: {  	_ =	shalt  }

// kernel: kernel.9.cloned.1.call-start
scs
__scs_entry_jumppad:
0x0: {  	(pc) =	sbr.rel $0x88, $3  }
0x1: {  	(tag) =	ssettag $0x0;
	lr =	simm.s32 $0x1  }
0x2: {  	[smem:$0x3F99] =	sst lr;
	_ =	strace $0xD0000000  }
0x3: {  	_ = 	snop  }
0x4: {  	_ = 	snop  }
0x5: {  	_ = 	snop  }
0x6: {  	_ = 	snop  }
0x7: {  	_ = 	snop  }
__scs_overlays_trampoline_lowered:
0x8: {  	[smem:$0x3FA8] =	sst s0  }
0x9: {  	[smem:$0x3FA9] =	sst s1  }
0xa: {  	[smem:$0x3FAA] =	sst s2  }
0xb: {  	[smem:$0x3FAB] =	sst s3  }
0xc: {  	[smem:$0x3FAC] =	sst s4  }
0xd: {  	[smem:$0x3FAD] =	sst s5  }
0xe: {  	[smem:$0x3FAE] =	sst s6  }
0xf: {  	[smem:$0x3FAF] =	sst s7  }
0x10: {  	[smem:$0x3FB0] =	sst s8  }
0x11: {  	[smem:$0x3FB1] =	sst s9;
	s0 =	simm.s32 @!p0 $0x0  }
0x12: {  	s1 =	sld [smem:$0x3F97];
	s0 =	simm.s32 @p0 $0x1  }
0x13: {  	[smem:$0x3FB2] =	sst s0;
	s0 =	simm.s32 @!p1 $0x0  }
0x14: {  	s2 =	sld [smem:$0x3F96];
	s0 =	simm.s32 @p1 $0x1  }
0x15: {  	[smem:$0x3FB3] =	sst s0;
	s0 =	simm.s32 @!p2 $0x0  }
0x16: {  	s3 =	sld [smem:$0x3FDB];
	s0 =	simm.s32 @p2 $0x1  }
0x17: {  	s4 =	simm.s32 $0x1BF5;
	[smem:$0x3FB5] =	sst s0  }
0x18: {  	s0 =	sld [smem:$0x3F98];
	_ =	swait.ge [sflag:s4], $0x0  }
0x19: {  	s7 =	sld [smem:$0x3F99]  }
0x1a: {  	s8 =	sadd.s32 $0xFFFFE003, lr  }
0x1b: {  	s9 =	sadd.s32 $0xFFFFFEF7, lr;
	s5 =	simm.s32 $0xFFFFFFFF;
	p2 =	slt.u32 s8, $0xFFFFF086  }
0x1c: {  	p1 =	slt.u32 s9, $0xF7A;
	s5 =	simm.s32 @!p2 $0x0  }
0x1d: {  	s5 =	simm.s32 @p1 $0x1;
	p0 =	seq.s32 s7, s2  }
0x1e: {  	s7 =	smul.u32 @!p0 $0xF7A, s2;
	p2 =	seq.s32 @!p0 s5, $0x0  }
0x1f: {  	s9 =	smul.u32 $0xF7A, s1;
	s8 =	simm.s32 @!p0 $0x1BF5;
	p2 =	por !p2, p0  }
0x20: {  	[sflag:s8] =	ssyncset.s32 @!p0 $0xFFFFF086;
	s6 =	sadd.s32 @!p0 s3, s7;
	s7 =	simm.s32 @!p0 $0x108  }
0x21: {  	s3 =	sadd.s32 s3, s9;
	s6 =	sadd.s32 @!p0 $0x88, s6;
	s7 =	simm.s32 @p2 $0x1082  }
0x22: {  	[simem:s7], [sflag:s8] =	dma.local @!p0 [hbm:s6], $0xF7A  }
0x23: {  	s9 =	sor.u32 $0xD0000000, s2;
	s6 =	simm.s32 $0x108;
	_ =	swait.ge @!p0 [sflag:s8], $0x0  }
0x24: {  	s3 =	sadd.s32 $0x88, s3;
	s6 =	simm.s32 @!p1 $0x1082;
	[sflag:s4] =	ssyncset.s32 $0xFFFFF086  }
0x25: {  	[simem:s6], [sflag:s4] =	dma.local [hbm:s3], $0xF7A  }
0x26: {  	[smem:$0x3F99] =	sst s1;
	(tag) =	ssettag s2;
	_ =	strace s9  }
0x27: {  	s1 =	sld [smem:$0x3FA9]  }
0x28: {  	s2 =	sld [smem:$0x3FAA]  }
0x29: {  	s4 =	sld [smem:$0x3FAC]  }
0x2a: {  	p0 =	seq.s32 s5, $0x0;
	s5 =	sld [smem:$0x3FAD]  }
0x2b: {  	s6 =	sld [smem:$0x3FAE]  }
0x2c: {  	s7 =	sld [smem:$0x3FAF]  }
0x2d: {  	s3 =	simm.s32 $0x108;
	s8 =	sld [smem:$0x3FB0]  }
0x2e: {  	s3 =	simm.s32 @!p0 $0x1082;
	s9 =	sld [smem:$0x3FB1]  }
0x2f: {  	lr =	sadd.s32 s0, s3;
	s0 =	sld [smem:$0x3FA8]  }
0x30: {  	s3 =	sld [smem:$0x3FAB]  }
0x31: {  	[smem:$0x3FB4] =	sst s10  }
0x32: {  	s10 =	sld [smem:$0x3FB2];
	_ =	sdelay $0x3  }
0x33: {  	p0 =	seq.s32 s10, $0x1;
	s10 =	sld [smem:$0x3FB4];
	_ =	sdelay $0x3  }
0x34: {  	[smem:$0x3FB4] =	sst s10  }
0x35: {  	s10 =	sld [smem:$0x3FB3];
	_ =	sdelay $0x3  }
0x36: {  	p1 =	seq.s32 s10, $0x1;
	s10 =	sld [smem:$0x3FB4];
	_ =	sdelay $0x3  }
0x37: {  	[smem:$0x3FB4] =	sst s10  }
0x38: {  	s10 =	sld [smem:$0x3FB5]  }
0x39: {  	_ = 	snop;
	(pc) =	sbr.ind lr, $3  }
0x3a: {  	_ = 	snop  }
0x3b: {  	_ = 	snop  }
0x3c: {  	p2 =	seq.s32 s10, $0x1;
	s10 =	sld [smem:$0x3FB4]  }
0x3d: {  	_ =	shalt  }
0x3e: {  	_ =	shalt  }
0x3f: {  	_ =	shalt  }
0x40: {  	_ =	shalt  }
0x41: {  	_ =	shalt  }
0x42: {  	_ =	shalt  }
0x43: {  	_ =	shalt  }
0x44: {  	_ =	shalt  }
0x45: {  	_ =	shalt  }
0x46: {  	_ =	shalt  }
0x47: {  	_ =	shalt  }
0x48: {  	_ =	shalt  }
0x49: {  	_ =	shalt  }
0x4a: {  	_ =	shalt  }
0x4b: {  	_ =	shalt  }
0x4c: {  	_ =	shalt  }
0x4d: {  	_ =	shalt  }
0x4e: {  	_ =	shalt  }
0x4f: {  	_ =	shalt  }
0x50: {  	_ =	shalt  }
0x51: {  	_ =	shalt  }
0x52: {  	_ =	shalt  }
0x53: {  	_ =	shalt  }
0x54: {  	_ =	shalt  }
0x55: {  	_ =	shalt  }
0x56: {  	_ =	shalt  }
0x57: {  	_ =	shalt  }
0x58: {  	_ =	shalt  }
0x59: {  	_ =	shalt  }
0x5a: {  	_ =	shalt  }
0x5b: {  	_ =	shalt  }
0x5c: {  	_ =	shalt  }
0x5d: {  	_ =	shalt  }
0x5e: {  	_ =	shalt  }
0x5f: {  	_ =	shalt  }
0x60: {  	_ =	shalt  }
0x61: {  	_ =	shalt  }
0x62: {  	_ =	shalt  }
0x63: {  	_ =	shalt  }
0x64: {  	_ =	shalt  }
0x65: {  	_ =	shalt  }
0x66: {  	_ =	shalt  }
0x67: {  	_ =	shalt  }
0x68: {  	_ =	shalt  }
0x69: {  	_ =	shalt  }
0x6a: {  	_ =	shalt  }
0x6b: {  	_ =	shalt  }
0x6c: {  	_ =	shalt  }
0x6d: {  	_ =	shalt  }
0x6e: {  	_ =	shalt  }
0x6f: {  	_ =	shalt  }
0x70: {  	_ =	shalt  }
0x71: {  	_ =	shalt  }
0x72: {  	_ =	shalt  }
0x73: {  	_ =	shalt  }
0x74: {  	_ =	shalt  }
0x75: {  	_ =	shalt  }
0x76: {  	_ =	shalt  }
0x77: {  	_ =	shalt  }
0x78: {  	_ =	shalt  }
0x79: {  	_ =	shalt  }
0x7a: {  	_ =	shalt  }
0x7b: {  	_ =	shalt  }
0x7c: {  	_ =	shalt  }
0x7d: {  	_ =	shalt  }
0x7e: {  	_ =	shalt  }
0x7f: {  	_ =	shalt  }
0x80: {  	_ =	shalt  }
0x81: {  	_ =	shalt  }
0x82: {  	_ =	shalt  }
0x83: {  	_ =	shalt  }
0x84: {  	_ =	shalt  }
0x85: {  	_ =	shalt  }
0x86: {  	_ =	shalt  }
0x87: {  	_ =	shalt  }
.Lfunc_end0:
.L_simem_size_0:
called_computation_lowered:
.L_overlay_start_0:
0x88: {  	s2 =	sld [smem:$0x3FD9]  }
0x89: {  	s3 =	sld [smem:$0x3FFE];
	_ =	sdelay $0x1  }
0x8a: {  	s1 =	srdreg.scid  }
0x8b: {  	s0 =	sand.u32 $0x1, s1  }
0x8c: {  	s17 =	sshll.u32 s0, $0xA;
	s2 =	sadd.s32 s3, s2  }
0x8d: {  	s2 =	sadd.s32 s2, s17  }
0x8e: {  	[smem:$0x3FC0] =	sst s2  }
0x8f: {  	_ = 	snop  }
0x90: {  	s2 =	sld [smem:$0x3FD0];
	(tm) =	ssettm $0x1  }
0x91: {  	s18 =	sld [smem:$0x3FFB];
	_ =	sdelay $0x3  }
0x92: {  	_ =	strace s18  }
0x93: {  	s3 =	sld [smem:$0x3FFC];
	_ =	sdelay $0x3  }
0x94: {  	_ =	strace s3  }
0x95: {  	s3 =	sld [smem:$0x3FFD];
	_ =	sdelay $0x3  }
0x96: {  	_ =	strace s3  }
0x97: {  	_ =	strace $0x8FFFFFFF  }
0x98: {  	s19 =	sld [smem:$0x3FDB];
	_ =	sdelay $0x1  }
0x99: {  	s4 =	simm.s32 $_scs_section_size  }
0x9a: {  	s5 =	simm.s32 $_size__tile_overlayer_lowered;
	s6 =	simm.s32 $_tile_overlayer_lowered  }
0x9b: {  	s22 =	simm.s32 $0x1BFF;
	s21 =	sshll.u32 s6, $0x1;
	s3 =	sadd.s32 s4, s19  }
0x9c: {  	s7 =	simm.s32 $0x0;
	s20 =	sshll.u32 s5, $0x1;
	s5 =	sadd.s32 s21, s3  }
0x9d: {  	[timem:s7], [sflag:s22] =	dma.local [hbm:s5], s20  }
0x9e: {  	_ =	swait.ge [sflag:s22], s20  }
0x9f: {  	s4 =	ssub.s32 $0x0, s20;
	[sflag:s22] =	ssyncset.done $0x0  }
0xa0: {  	[sflag:s22] =	ssyncadd.s32 s4;
	_ =	sdelay $0x1  }
0xa1: {  	s23 =	simm.s32 $0x1B8B  }
0xa2: {  	_ =	swait.ge [sflag:s23], $0x1  }
0xa3: {  	[sflag:s23] =	ssyncset.done $0x0  }
0xa4: {  	s25 =	simm.s32 $0x1B8E;
	s24 =	sld [smem:$0x3FFE];
	[sflag:s23] =	ssyncadd.s32 $0xFFFFFFFF  }
0xa5: {  	s26 =	simm.s32 $execute0_lowered;
	[smem:$0x3FD2] =	sst s25  }
0xa6: {  	s5 =	sshll.u32 s26, $0x1;
	_ =	strace $0x80000046;
	[dreg:$0x1] =	wrdreg $0xFFFFFFFF  }
0xa7: {  	s28 =	simm.s32 $_size_execute0_lowered;
	s3 =	sadd.s32 s3, s5;
	[dreg:$0x0] =	wrdreg $0x0  }
0xa8: {  	s5 =	sshll.u32 s28, $0x1;
	[dreg:$0x2] =	wrdreg s3  }
0xa9: {  	[dreg:$0x3] =	wrdreg s5  }
0xaa: {  	[dreg:$0x4] =	wrdreg $0xC0  }
0xab: {  	_ =	task [dreg:s7], $0x5FFFF  }
0xac: {  	[dreg:$0x1] =	wrdreg $0xFFFFFFFF  }
0xad: {  	[dreg:$0x0] =	wrdreg $0x60  }
0xae: {  	[dreg:$0x2] =	wrdreg s24  }
0xaf: {  	[dreg:$0x3] =	wrdreg s2  }
0xb0: {  	[dreg:$0x4] =	wrdreg $0x37A00  }
0xb1: {  	[dreg:$0x5] =	wrdreg $0x9  }
0xb2: {  	_ =	task.clear_ibuf [dreg:s7], $0x6FFFF;
	_ =	strace $0x90000046  }
0xb3: {  	s29 =	simm.s32 $0x9;
	_ =	strace $0x80000048  }
0xb4: {  	_ =	swait.ge [sflag:s29], $0x1  }
0xb5: {  	[sflag:s29] =	ssyncadd.s32 $0xFFFFFFFF  }
0xb6: {  	_ =	strace $0x90000048  }
0xb7: {  	_ =	sfence  }
0xb8: {  	s30 =	sld [smem:$0x0];
	_ =	sdelay $0x2  }
0xb9: {  	s31 =	sshll.u32 s1, $0xD;
	s1 =	sshrl.u32 s1, $0x2  }
0xba: {  	s3 =	sand.u32 $0x4000, s31;
	s1 =	sadd.s32 s1, s30  }
0xbb: {  	s0 =	sor.u32 s3, s0;
	s1 =	sshll.u32 s1, $0x11  }
0xbc: {  	s0 =	sor.u32 s1, s0  }
0xbd: {  	s0 =	sadd.s32 $0x8F2B, s0  }
0xbe: {  	[sflag:s0] =	ssyncadd.remote.s32 $0x1  }
0xbf: {  	_ =	sfence.sel $0xFFFF  }
0xc0: {  	[dreg:$0x0] =	wrdreg $0xFFFFFFFF;
	(pc) =	sbr.abs _section_cstart, $3  }
0xc1: {  	[dreg:$0x1] =	wrdreg $0xFFFFFFFF  }
0xc2: {  	_ =	task.clear_ibuf [dreg:s7], $0x2FFFF;
	_ =	strace $0x9FFFFFFF  }
0xc3: {  	(tm) =	ssettm $0x7FFFFFFF  }
tec
execute0_lowered:
.L_overlay_start_1:
0x0: {  	(tag) =	ssettag $0x1  }
0x1: {  	s0 =	rddreg [dreg:$0x0];
	s11 =	stileid.u32  }
0x2: {  	s1 =	srdreg.scid;
	s3 =	rddreg [dreg:$0x2];
	s4 =	simm.s32 $0x0  }
0x3: {  	s9 =	simm.s32 $0x2;
	s10 =	simm.s32 $0x2800;
	s13 =	simm.s32 $0x7D  }
0x4: {  	s16 =	simm.s32 $0x1F80;
	s17 =	simm.s32 $0x2000;
	s18 =	simm.s32 $0x2080  }
0x5: {  	s19 =	simm.s32 $0x2100;
	s20 =	simm.s32 $0x2180;
	s21 =	simm.s32 $0x2200  }
0x6: {  	s22 =	simm.s32 $0x2280;
	s23 =	simm.s32 $0x2300;
	s28 =	simm.s32 $0x2500  }
0x7: {  	s29 =	simm.s32 $0x2580;
	s30 =	simm.s32 $0x2600;
	s31 =	simm.s32 $0x2680  }
0x8: {  	s14 =	simm.s32 $0x0;
	s2 =	smul.u32 $0x5000, s11;
	s1 =	sand.u32 $0x1, s1  }
0x9: {  	s5 =	smul.u32 $0xA00, s11;
	[smem:$0x7FF] =	sst s4;
	s26 =	sshll.u32 s11, $0x6  }
0xa: {  	s6 =	sshll.u32 s1, $0x4;
	s7 =	smul.u32 $0xA000, s1;
	_ =	strace $0x80000047  }
0xb: {  	s1 =	ssub.s32 $0x2, s1;
	s6 =	sor.u32 s11, s6;
	s8 =	sshrl.u32 s2, $0x3  }
0xc: {  	s24 =	sshrl.u32 s1, $0x1;
	s25 =	sadd.s32 s2, s3;
	s11 =	sor.u32 $0x1C02, s26  }
0xd: {  	s26 =	simm.s32 $0x2480;
	s2 =	simm.s32 $0x1;
	s6 =	smul.u32 $0x2800, s6  }
0xe: {  	s8 =	sadd.s32 s8, s0;
	s5 =	sadd.s32 s5, s7;
	s1 =	ssub.s32 s1, s24  }
0xf: {  	s12 =	sshrl.u32 s25, $0x3;
	s24 =	simm.s32 $0x2380;
	s7 =	sadd.s32 s5, s0  }
0x10: {  	s25 =	simm.s32 $0x2400;
	s6 =	sshrl.u32 s6, $0x3;
	s7 =	sadd.s32 $0x20A00, s7  }
0x11: {  	s0 =	sadd.s32 s0, s6;
	s6 =	sadd.s32 $0x16A00, s8;
	s8 =	smax.u32 s1, $0x1  }
0x12: {  	s1 =	simm.s32 $0x2700;
	s5 =	sadd.s32 $0xCA00, s0;
	s0 =	simm.s32 $0x2780  }
.LBB2_1:
0x13: {  	[tilespmem:s4], [sflag:$0x2] =	stream.linear.gather [hbm4b:s5+s4], $0x2800, $0x38;
	[tilespmem:$0x87A0] =	vst v63  }
0x14: {  	_ =	swait.ge [sflag:s9], $0x2800  }
0x15: {  	[sflag:s9] =	ssyncset.done $0x0  }
0x16: {  	[sflag:s9] =	ssyncadd.s32 $0xFFFFD800  }
0x17: {  	s15 =	rddreg [dreg:$0x1]  }
0x18: {  	[tilespmem:s10], [sflag:$0x2] =	stream.linear.gather [hbm4b:s15+s4], $0xFA0, $0x38;
	[tilespmem:$0x87A0] =	vst v63  }
0x19: {  	_ =	swait.ge [sflag:s9], $0xFA0  }
0x1a: {  	[sflag:s9] =	ssyncset.done $0x0  }
0x1b: {  	[sflag:s9] =	ssyncadd.s32 $0xFFFFF060  }
0x1c: {  	[spmem:s12], [sflag:s11] =	dma.local [hbm:s6], $0xA00  }
0x1d: {  	_ =	swait.ge [sflag:s9], $0xA00  }
0x1e: {  	[sflag:s9] =	ssyncset.done $0x0  }
0x1f: {  	[sflag:s9] =	ssyncadd.s32 $0xFFFFF600  }
0x20: {  	[bflag:$0x0] =	sbarrier.arrive $0xFFFF  }
0x21: {  	[spmem:s3] =	stream.indirect.scatter.add.f32 [tilespmem:s10], [sflag:$0x1], $0x20, s4, s13, $0xb8;
	[tilespmem:$0x87A0] =	vst v63  }
0x22: {  	s15 =	simm.s32 $0x80  }
0x23: {  	[spmem:s3] =	stream.indirect.scatter.add.f32 [tilespmem:s10], [sflag:$0x1], $0x20, s15, s13, $0xb8;
	[tilespmem:$0x87A0] =	vst v63  }
0x24: {  	s15 =	simm.s32 $0x100  }
0x25: {  	[spmem:s3] =	stream.indirect.scatter.add.f32 [tilespmem:s10], [sflag:$0x1], $0x20, s15, s13, $0xb8;
	[tilespmem:$0x87A0] =	vst v63  }
0x26: {  	s15 =	simm.s32 $0x180  }
0x27: {  	[spmem:s3] =	stream.indirect.scatter.add.f32 [tilespmem:s10], [sflag:$0x1], $0x20, s15, s13, $0xb8;
	[tilespmem:$0x87A0] =	vst v63  }
0x28: {  	s15 =	simm.s32 $0x200  }
0x29: {  	[spmem:s3] =	stream.indirect.scatter.add.f32 [tilespmem:s10], [sflag:$0x1], $0x20, s15, s13, $0xb8;
	[tilespmem:$0x87A0] =	vst v63  }
0x2a: {  	s15 =	simm.s32 $0x280  }
0x2b: {  	[spmem:s3] =	stream.indirect.scatter.add.f32 [tilespmem:s10], [sflag:$0x1], $0x20, s15, s13, $0xb8;
	[tilespmem:$0x87A0] =	vst v63  }
0x2c: {  	s15 =	simm.s32 $0x300  }
0x2d: {  	[spmem:s3] =	stream.indirect.scatter.add.f32 [tilespmem:s10], [sflag:$0x1], $0x20, s15, s13, $0xb8;
	[tilespmem:$0x87A0] =	vst v63  }
0x2e: {  	s15 =	simm.s32 $0x380  }
0x2f: {  	[spmem:s3] =	stream.indirect.scatter.add.f32 [tilespmem:s10], [sflag:$0x1], $0x20, s15, s13, $0xb8;
	[tilespmem:$0x87A0] =	vst v63  }
0x30: {  	s15 =	simm.s32 $0x400  }
0x31: {  	[spmem:s3] =	stream.indirect.scatter.add.f32 [tilespmem:s10], [sflag:$0x1], $0x20, s15, s13, $0xb8;
	[tilespmem:$0x87A0] =	vst v63  }
0x32: {  	s15 =	simm.s32 $0x480  }
0x33: {  	[spmem:s3] =	stream.indirect.scatter.add.f32 [tilespmem:s10], [sflag:$0x1], $0x20, s15, s13, $0xb8;
	[tilespmem:$0x87A0] =	vst v63  }
0x34: {  	s15 =	simm.s32 $0x500  }
0x35: {  	[spmem:s3] =	stream.indirect.scatter.add.f32 [tilespmem:s10], [sflag:$0x1], $0x20, s15, s13, $0xb8;
	[tilespmem:$0x87A0] =	vst v63  }
0x36: {  	s15 =	simm.s32 $0x580  }
0x37: {  	[spmem:s3] =	stream.indirect.scatter.add.f32 [tilespmem:s10], [sflag:$0x1], $0x20, s15, s13, $0xb8;
	[tilespmem:$0x87A0] =	vst v63  }
0x38: {  	s15 =	simm.s32 $0x600  }
0x39: {  	[spmem:s3] =	stream.indirect.scatter.add.f32 [tilespmem:s10], [sflag:$0x1], $0x20, s15, s13, $0xb8;
	[tilespmem:$0x87A0] =	vst v63  }
0x3a: {  	s15 =	simm.s32 $0x680  }
0x3b: {  	[spmem:s3] =	stream.indirect.scatter.add.f32 [tilespmem:s10], [sflag:$0x1], $0x20, s15, s13, $0xb8;
	[tilespmem:$0x87A0] =	vst v63  }
0x3c: {  	s15 =	simm.s32 $0x700  }
0x3d: {  	[spmem:s3] =	stream.indirect.scatter.add.f32 [tilespmem:s10], [sflag:$0x1], $0x20, s15, s13, $0xb8;
	[tilespmem:$0x87A0] =	vst v63  }
0x3e: {  	s15 =	simm.s32 $0x780  }
0x3f: {  	[spmem:s3] =	stream.indirect.scatter.add.f32 [tilespmem:s10], [sflag:$0x1], $0x20, s15, s13, $0xb8;
	[tilespmem:$0x87A0] =	vst v63  }
0x40: {  	s15 =	simm.s32 $0x800  }
0x41: {  	[spmem:s3] =	stream.indirect.scatter.add.f32 [tilespmem:s10], [sflag:$0x1], $0x20, s15, s13, $0xb8;
	[tilespmem:$0x87A0] =	vst v63  }
0x42: {  	s15 =	simm.s32 $0x880  }
0x43: {  	[spmem:s3] =	stream.indirect.scatter.add.f32 [tilespmem:s10], [sflag:$0x1], $0x20, s15, s13, $0xb8;
	[tilespmem:$0x87A0] =	vst v63  }
0x44: {  	s15 =	simm.s32 $0x900  }
0x45: {  	[spmem:s3] =	stream.indirect.scatter.add.f32 [tilespmem:s10], [sflag:$0x1], $0x20, s15, s13, $0xb8;
	[tilespmem:$0x87A0] =	vst v63  }
0x46: {  	s15 =	simm.s32 $0x980  }
0x47: {  	[spmem:s3] =	stream.indirect.scatter.add.f32 [tilespmem:s10], [sflag:$0x1], $0x20, s15, s13, $0xb8;
	[tilespmem:$0x87A0] =	vst v63  }
0x48: {  	s15 =	simm.s32 $0xA00  }
0x49: {  	[spmem:s3] =	stream.indirect.scatter.add.f32 [tilespmem:s10], [sflag:$0x1], $0x20, s15, s13, $0xb8;
	[tilespmem:$0x87A0] =	vst v63  }
0x4a: {  	s15 =	simm.s32 $0xA80  }
0x4b: {  	[spmem:s3] =	stream.indirect.scatter.add.f32 [tilespmem:s10], [sflag:$0x1], $0x20, s15, s13, $0xb8;
	[tilespmem:$0x87A0] =	vst v63  }
0x4c: {  	s15 =	simm.s32 $0xB00  }
0x4d: {  	[spmem:s3] =	stream.indirect.scatter.add.f32 [tilespmem:s10], [sflag:$0x1], $0x20, s15, s13, $0xb8;
	[tilespmem:$0x87A0] =	vst v63  }
0x4e: {  	s15 =	simm.s32 $0xB80  }
0x4f: {  	[spmem:s3] =	stream.indirect.scatter.add.f32 [tilespmem:s10], [sflag:$0x1], $0x20, s15, s13, $0xb8;
	[tilespmem:$0x87A0] =	vst v63  }
0x50: {  	s15 =	simm.s32 $0xC00  }
0x51: {  	[spmem:s3] =	stream.indirect.scatter.add.f32 [tilespmem:s10], [sflag:$0x1], $0x20, s15, s13, $0xb8;
	[tilespmem:$0x87A0] =	vst v63  }
0x52: {  	s15 =	simm.s32 $0xC80  }
0x53: {  	[spmem:s3] =	stream.indirect.scatter.add.f32 [tilespmem:s10], [sflag:$0x1], $0x20, s15, s13, $0xb8;
	[tilespmem:$0x87A0] =	vst v63  }
0x54: {  	s15 =	simm.s32 $0xD00  }
0x55: {  	[spmem:s3] =	stream.indirect.scatter.add.f32 [tilespmem:s10], [sflag:$0x1], $0x20, s15, s13, $0xb8;
	[tilespmem:$0x87A0] =	vst v63  }
0x56: {  	s15 =	simm.s32 $0xD80  }
0x57: {  	[spmem:s3] =	stream.indirect.scatter.add.f32 [tilespmem:s10], [sflag:$0x1], $0x20, s15, s13, $0xb8;
	[tilespmem:$0x87A0] =	vst v63  }
0x58: {  	s15 =	simm.s32 $0xE00  }
0x59: {  	[spmem:s3] =	stream.indirect.scatter.add.f32 [tilespmem:s10], [sflag:$0x1], $0x20, s15, s13, $0xb8;
	[tilespmem:$0x87A0] =	vst v63  }
0x5a: {  	s15 =	simm.s32 $0xE80  }
0x5b: {  	[spmem:s3] =	stream.indirect.scatter.add.f32 [tilespmem:s10], [sflag:$0x1], $0x20, s15, s13, $0xb8;
	[tilespmem:$0x87A0] =	vst v63  }
0x5c: {  	s15 =	simm.s32 $0xF00  }
0x5d: {  	[spmem:s3] =	stream.indirect.scatter.add.f32 [tilespmem:s10], [sflag:$0x1], $0x20, s15, s13, $0xb8;
	[tilespmem:$0x87A0] =	vst v63  }
0x5e: {  	s15 =	simm.s32 $0xF80  }
0x5f: {  	[spmem:s3] =	stream.indirect.scatter.add.f32 [tilespmem:s10], [sflag:$0x1], $0x20, s15, s13, $0xb8;
	[tilespmem:$0x87A0] =	vst v63  }
0x60: {  	s15 =	simm.s32 $0x1000  }
0x61: {  	[spmem:s3] =	stream.indirect.scatter.add.f32 [tilespmem:s10], [sflag:$0x1], $0x20, s15, s13, $0xb8;
	[tilespmem:$0x87A0] =	vst v63  }
0x62: {  	s15 =	simm.s32 $0x1080  }
0x63: {  	[spmem:s3] =	stream.indirect.scatter.add.f32 [tilespmem:s10], [sflag:$0x1], $0x20, s15, s13, $0xb8;
	[tilespmem:$0x87A0] =	vst v63  }
0x64: {  	s15 =	simm.s32 $0x1100  }
0x65: {  	[spmem:s3] =	stream.indirect.scatter.add.f32 [tilespmem:s10], [sflag:$0x1], $0x20, s15, s13, $0xb8;
	[tilespmem:$0x87A0] =	vst v63  }
0x66: {  	s15 =	simm.s32 $0x1180  }
0x67: {  	[spmem:s3] =	stream.indirect.scatter.add.f32 [tilespmem:s10], [sflag:$0x1], $0x20, s15, s13, $0xb8;
	[tilespmem:$0x87A0] =	vst v63  }
0x68: {  	s15 =	simm.s32 $0x1200  }
0x69: {  	[spmem:s3] =	stream.indirect.scatter.add.f32 [tilespmem:s10], [sflag:$0x1], $0x20, s15, s13, $0xb8;
	[tilespmem:$0x87A0] =	vst v63  }
0x6a: {  	s15 =	simm.s32 $0x1280  }
0x6b: {  	[spmem:s3] =	stream.indirect.scatter.add.f32 [tilespmem:s10], [sflag:$0x1], $0x20, s15, s13, $0xb8;
	[tilespmem:$0x87A0] =	vst v63  }
0x6c: {  	s15 =	simm.s32 $0x1300  }
0x6d: {  	[spmem:s3] =	stream.indirect.scatter.add.f32 [tilespmem:s10], [sflag:$0x1], $0x20, s15, s13, $0xb8;
	[tilespmem:$0x87A0] =	vst v63  }
0x6e: {  	s15 =	simm.s32 $0x1380  }
0x6f: {  	[spmem:s3] =	stream.indirect.scatter.add.f32 [tilespmem:s10], [sflag:$0x1], $0x20, s15, s13, $0xb8;
	[tilespmem:$0x87A0] =	vst v63  }
0x70: {  	s15 =	simm.s32 $0x1400  }
0x71: {  	[spmem:s3] =	stream.indirect.scatter.add.f32 [tilespmem:s10], [sflag:$0x1], $0x20, s15, s13, $0xb8;
	[tilespmem:$0x87A0] =	vst v63  }
0x72: {  	s15 =	simm.s32 $0x1480  }
0x73: {  	[spmem:s3] =	stream.indirect.scatter.add.f32 [tilespmem:s10], [sflag:$0x1], $0x20, s15, s13, $0xb8;
	[tilespmem:$0x87A0] =	vst v63  }
0x74: {  	s15 =	simm.s32 $0x1500  }
0x75: {  	[spmem:s3] =	stream.indirect.scatter.add.f32 [tilespmem:s10], [sflag:$0x1], $0x20, s15, s13, $0xb8;
	[tilespmem:$0x87A0] =	vst v63  }
0x76: {  	s15 =	simm.s32 $0x1580  }
0x77: {  	[spmem:s3] =	stream.indirect.scatter.add.f32 [tilespmem:s10], [sflag:$0x1], $0x20, s15, s13, $0xb8;
	[tilespmem:$0x87A0] =	vst v63  }
0x78: {  	s15 =	simm.s32 $0x1600  }
0x79: {  	[spmem:s3] =	stream.indirect.scatter.add.f32 [tilespmem:s10], [sflag:$0x1], $0x20, s15, s13, $0xb8;
	[tilespmem:$0x87A0] =	vst v63  }
0x7a: {  	s15 =	simm.s32 $0x1680  }
0x7b: {  	[spmem:s3] =	stream.indirect.scatter.add.f32 [tilespmem:s10], [sflag:$0x1], $0x20, s15, s13, $0xb8;
	[tilespmem:$0x87A0] =	vst v63  }
0x7c: {  	s15 =	simm.s32 $0x1700  }
0x7d: {  	[spmem:s3] =	stream.indirect.scatter.add.f32 [tilespmem:s10], [sflag:$0x1], $0x20, s15, s13, $0xb8;
	[tilespmem:$0x87A0] =	vst v63  }
0x7e: {  	s15 =	simm.s32 $0x1780  }
0x7f: {  	[spmem:s3] =	stream.indirect.scatter.add.f32 [tilespmem:s10], [sflag:$0x1], $0x20, s15, s13, $0xb8;
	[tilespmem:$0x87A0] =	vst v63  }
0x80: {  	s15 =	simm.s32 $0x1800  }
0x81: {  	[spmem:s3] =	stream.indirect.scatter.add.f32 [tilespmem:s10], [sflag:$0x1], $0x20, s15, s13, $0xb8;
	[tilespmem:$0x87A0] =	vst v63  }
0x82: {  	s15 =	simm.s32 $0x1880  }
0x83: {  	[spmem:s3] =	stream.indirect.scatter.add.f32 [tilespmem:s10], [sflag:$0x1], $0x20, s15, s13, $0xb8;
	[tilespmem:$0x87A0] =	vst v63  }
0x84: {  	s15 =	simm.s32 $0x1900  }
0x85: {  	[spmem:s3] =	stream.indirect.scatter.add.f32 [tilespmem:s10], [sflag:$0x1], $0x20, s15, s13, $0xb8;
	[tilespmem:$0x87A0] =	vst v63  }
0x86: {  	s15 =	simm.s32 $0x1980  }
0x87: {  	[spmem:s3] =	stream.indirect.scatter.add.f32 [tilespmem:s10], [sflag:$0x1], $0x20, s15, s13, $0xb8;
	[tilespmem:$0x87A0] =	vst v63  }
0x88: {  	s15 =	simm.s32 $0x1A00  }
0x89: {  	[spmem:s3] =	stream.indirect.scatter.add.f32 [tilespmem:s10], [sflag:$0x1], $0x20, s15, s13, $0xb8;
	[tilespmem:$0x87A0] =	vst v63  }
0x8a: {  	s15 =	simm.s32 $0x1A80  }
0x8b: {  	[spmem:s3] =	stream.indirect.scatter.add.f32 [tilespmem:s10], [sflag:$0x1], $0x20, s15, s13, $0xb8;
	[tilespmem:$0x87A0] =	vst v63  }
0x8c: {  	s15 =	simm.s32 $0x1B00  }
0x8d: {  	[spmem:s3] =	stream.indirect.scatter.add.f32 [tilespmem:s10], [sflag:$0x1], $0x20, s15, s13, $0xb8;
	[tilespmem:$0x87A0] =	vst v63  }
0x8e: {  	s15 =	simm.s32 $0x1B80  }
0x8f: {  	[spmem:s3] =	stream.indirect.scatter.add.f32 [tilespmem:s10], [sflag:$0x1], $0x20, s15, s13, $0xb8;
	[tilespmem:$0x87A0] =	vst v63  }
0x90: {  	s15 =	simm.s32 $0x1C00  }
0x91: {  	[spmem:s3] =	stream.indirect.scatter.add.f32 [tilespmem:s10], [sflag:$0x1], $0x20, s15, s13, $0xb8;
	[tilespmem:$0x87A0] =	vst v63  }
0x92: {  	s15 =	simm.s32 $0x1C80  }
0x93: {  	[spmem:s3] =	stream.indirect.scatter.add.f32 [tilespmem:s10], [sflag:$0x1], $0x20, s15, s13, $0xb8;
	[tilespmem:$0x87A0] =	vst v63  }
0x94: {  	s15 =	simm.s32 $0x1D00  }
0x95: {  	[spmem:s3] =	stream.indirect.scatter.add.f32 [tilespmem:s10], [sflag:$0x1], $0x20, s15, s13, $0xb8;
	[tilespmem:$0x87A0] =	vst v63  }
0x96: {  	s15 =	simm.s32 $0x1D80  }
0x97: {  	[spmem:s3] =	stream.indirect.scatter.add.f32 [tilespmem:s10], [sflag:$0x1], $0x20, s15, s13, $0xb8;
	[tilespmem:$0x87A0] =	vst v63  }
0x98: {  	s15 =	simm.s32 $0x1E00  }
0x99: {  	[spmem:s3] =	stream.indirect.scatter.add.f32 [tilespmem:s10], [sflag:$0x1], $0x20, s15, s13, $0xb8;
	[tilespmem:$0x87A0] =	vst v63  }
0x9a: {  	s15 =	simm.s32 $0x1E80  }
0x9b: {  	[spmem:s3] =	stream.indirect.scatter.add.f32 [tilespmem:s10], [sflag:$0x1], $0x20, s15, s13, $0xb8;
	[tilespmem:$0x87A0] =	vst v63  }
0x9c: {  	s15 =	simm.s32 $0x1F00  }
0x9d: {  	[spmem:s3] =	stream.indirect.scatter.add.f32 [tilespmem:s10], [sflag:$0x1], $0x20, s15, s13, $0xb8;
	[tilespmem:$0x87A0] =	vst v63  }
0x9e: {  	_ = 	snop  }
0x9f: {  	[spmem:s3] =	stream.indirect.scatter.add.f32 [tilespmem:s10], [sflag:$0x1], $0x20, s16, s13, $0xb8;
	[tilespmem:$0x87A0] =	vst v63  }
0xa0: {  	_ = 	snop  }
0xa1: {  	[spmem:s3] =	stream.indirect.scatter.add.f32 [tilespmem:s10], [sflag:$0x1], $0x20, s17, s13, $0xb8;
	[tilespmem:$0x87A0] =	vst v63  }
0xa2: {  	_ = 	snop  }
0xa3: {  	[spmem:s3] =	stream.indirect.scatter.add.f32 [tilespmem:s10], [sflag:$0x1], $0x20, s18, s13, $0xb8;
	[tilespmem:$0x87A0] =	vst v63  }
0xa4: {  	_ = 	snop  }
0xa5: {  	[spmem:s3] =	stream.indirect.scatter.add.f32 [tilespmem:s10], [sflag:$0x1], $0x20, s19, s13, $0xb8;
	[tilespmem:$0x87A0] =	vst v63  }
0xa6: {  	_ = 	snop  }
0xa7: {  	[spmem:s3] =	stream.indirect.scatter.add.f32 [tilespmem:s10], [sflag:$0x1], $0x20, s20, s13, $0xb8;
	[tilespmem:$0x87A0] =	vst v63  }
0xa8: {  	_ = 	snop  }
0xa9: {  	[spmem:s3] =	stream.indirect.scatter.add.f32 [tilespmem:s10], [sflag:$0x1], $0x20, s21, s13, $0xb8;
	[tilespmem:$0x87A0] =	vst v63  }
0xaa: {  	_ = 	snop  }
0xab: {  	[spmem:s3] =	stream.indirect.scatter.add.f32 [tilespmem:s10], [sflag:$0x1], $0x20, s22, s13, $0xb8;
	[tilespmem:$0x87A0] =	vst v63  }
0xac: {  	_ = 	snop  }
0xad: {  	[spmem:s3] =	stream.indirect.scatter.add.f32 [tilespmem:s10], [sflag:$0x1], $0x20, s23, s13, $0xb8;
	[tilespmem:$0x87A0] =	vst v63  }
0xae: {  	_ = 	snop  }
0xaf: {  	[spmem:s3] =	stream.indirect.scatter.add.f32 [tilespmem:s10], [sflag:$0x1], $0x20, s24, s13, $0xb8;
	[tilespmem:$0x87A0] =	vst v63  }
0xb0: {  	_ = 	snop  }
0xb1: {  	[spmem:s3] =	stream.indirect.scatter.add.f32 [tilespmem:s10], [sflag:$0x1], $0x20, s25, s13, $0xb8;
	[tilespmem:$0x87A0] =	vst v63  }
0xb2: {  	_ = 	snop  }
0xb3: {  	[spmem:s3] =	stream.indirect.scatter.add.f32 [tilespmem:s10], [sflag:$0x1], $0x20, s26, s13, $0xb8;
	[tilespmem:$0x87A0] =	vst v63  }
0xb4: {  	_ = 	snop  }
0xb5: {  	[spmem:s3] =	stream.indirect.scatter.add.f32 [tilespmem:s10], [sflag:$0x1], $0x20, s28, s13, $0xb8;
	[tilespmem:$0x87A0] =	vst v63  }
0xb6: {  	_ = 	snop  }
0xb7: {  	[spmem:s3] =	stream.indirect.scatter.add.f32 [tilespmem:s10], [sflag:$0x1], $0x20, s29, s13, $0xb8;
	[tilespmem:$0x87A0] =	vst v63  }
0xb8: {  	_ = 	snop  }
0xb9: {  	[spmem:s3] =	stream.indirect.scatter.add.f32 [tilespmem:s10], [sflag:$0x1], $0x20, s30, s13, $0xb8;
	[tilespmem:$0x87A0] =	vst v63  }
0xba: {  	_ = 	snop  }
0xbb: {  	[spmem:s3] =	stream.indirect.scatter.add.f32 [tilespmem:s10], [sflag:$0x1], $0x20, s31, s13, $0xb8;
	[tilespmem:$0x87A0] =	vst v63  }
0xbc: {  	_ = 	snop  }
0xbd: {  	[spmem:s3] =	stream.indirect.scatter.add.f32 [tilespmem:s10], [sflag:$0x1], $0x20, s1, s13, $0xb8;
	[tilespmem:$0x87A0] =	vst v63  }
0xbe: {  	_ = 	snop  }
0xbf: {  	[spmem:s3] =	stream.indirect.scatter.add.f32 [tilespmem:s10], [sflag:$0x1], $0x20, s0, s13, $0xb8;
	[tilespmem:$0x87A0] =	vst v63  }
0xc0: {  	_ =	swait.ge [sflag:s2], $0xFA0  }
0xc1: {  	s15 =	simm.s32 $0x4F;
	[sflag:s2] =	ssyncset.done $0x0  }
.LBB2_2:
0xc2: {  	p0 =	sne.s32 s15, $0x1;
	s15 =	sadd.s32 $0xFFFFFFFF, s15;
	[sflag:s2] =	ssyncadd.s32 $0xFFFFF060  }
.Ltmp0:
0xc3: {  	(pc) =	sbr.rel @p0 .LBB2_2-.Ltmp0, $3  }
0xc4: {  	_ =	sdelay $0x1  }
0xc5: {  	_ =	swait.ge [sflag:s2], $0xFA0  }
0xc6: {  	[sflag:s2] =	ssyncset.done $0x0  }
0xc7: {  	s14 =	sadd.s32 $0x1, s14  }
0xc8: {  	[sflag:s2] =	ssyncadd.s32 $0xFFFFF060;
	p0 =	sne.s32 s14, s8  }
.Ltmp1:
0xc9: {  	[bflag:$0x0] =	sbarrier.arrive $0xFFFF;
	(pc) =	sbr.rel @p0 .LBB2_1-.Ltmp1, $4  }
0xca: {  	[hbm:s7], [sflag:s11] =	dma.local [spmem:s12], $0xA00  }
0xcb: {  	_ =	swait.ge [sflag:s9], $0xA00  }
0xcc: {  	[sflag:s9] =	ssyncset.done $0x0  }
0xcd: {  	[sflag:s9] =	ssyncadd.s32 $0xFFFFF600  }
0xce: {  	_ =	sfence.sel $0x180000  }
0xcf: {  	[bflag:$0x0] =	sbarrier.arrive $0xFFFF  }
0xd0: {  	_ =	strace $0x90000047  }
0xd1: {  	s0 =	stileid.u32;
	[bflag:$0x2] =	sbarrier.arrive $0xFFFF  }
0xd2: {  	p0 =	sne.s32 s0, $0x0;
	s0 =	rddreg [dreg:$0x3]  }
0xd3: {  	s0 =	sadd.s32 @!p0 $0x100000, s0  }
0xd4: {  	[sflag:s0] =	ssyncadd.tile.s32 @!p0 $0x1;
	_ =	shalt  }
.Lfunc_end2:
_tile_overlayer_lowered:
.L_overlay_start_2:
0xd5: {  	(tag) =	ssettag $0x2  }
0xd6: {  	s0 =	rddreg [dreg:$0x0];
	s2 =	stileid.u32  }
0xd7: {  	s1 =	rddreg [dreg:$0x1];
	p0 =	sne.s32 s2, $0x0  }
0xd8: {  	s3 =	rddreg [dreg:$0x2];
	[bflag:$0x3] =	sbarrier.arrive $0xFFFF;
	s2 =	simm.s32 @!p0 $0x1C02  }
0xd9: {  	[timem:s3], [sflag:s2] =	dma.local @!p0 [hbm:s0], s1  }
0xda: {  	s0 =	simm.s32 @!p0 $0x2  }
0xdb: {  	_ =	swait.ge @!p0 [sflag:s0], s1  }
0xdc: {  	s1 =	ssub.s32 @!p0 $0x0, s1;
	[sflag:s0] =	ssyncset.done @!p0 $0x0  }
0xdd: {  	[sflag:s0] =	ssyncadd.s32 @!p0 s1  }
0xde: {  	[bflag:$0x3] =	sbarrier.arrive $0xFFFF  }
0xdf: {  	_ =	shalt  }

</sc_bundles>
